<compile_context>
chip_gen: v7x
topology: tpu7x:2x2x1
jax: 0.10.2.dev20260603
libtpu: 0.0.44.dev20260713+nightly
codegen_flags: <defaults>
</compile_context>

<pallas_src>
import functools

import jax
import jax.numpy as jnp
from jax import lax
from jax.experimental import pallas as pl
from jax.experimental.pallas import tpu as pltpu
from jax.experimental.pallas import tpu_sc as plsc

NUM_NODES = 100000
DIM = 128
BATCH = 16384
NUM_NEG = 200
NPAD = 208
SCALE = 5.0

NC, NS, L = 2, 16, 16
NW = NC * NS
BPW = BATCH // NW
KD = DIM // L


def _sc_scores():
    mesh = plsc.VectorSubcoreMesh(core_axis_name="c", subcore_axis_name="s")

    @functools.partial(
        pl.kernel,
        mesh=mesh,
        compiler_params=pltpu.CompilerParams(needs_layout_passes=False),
        out_type=[
            jax.ShapeDtypeStruct((BATCH * L,), jnp.float32),
            jax.ShapeDtypeStruct((BATCH * NPAD,), jnp.float32),
        ],
        scratch_types=[
            pltpu.VMEM((BPW,), jnp.int32),
            pltpu.VMEM((BPW,), jnp.int32),
            pltpu.VMEM((BPW, DIM), jnp.float32),
            pltpu.VMEM((2, NPAD, DIM), jnp.float32),
            pltpu.VMEM((NPAD,), jnp.int32),
            pltpu.VMEM((NPAD,), jnp.int32),
            pltpu.VMEM((NPAD,), jnp.float32),
            pltpu.VMEM((NPAD,), jnp.float32),
            pltpu.VMEM((BPW // 4 * L,), jnp.float32),
            pltpu.SemaphoreType.DMA,
            pltpu.SemaphoreType.DMA,
        ],
    )
    def sc_fn(emb, tgt, ctx, neg, pos_out, neg_out,
              tidx, cidx, trows, nrows, nidx0, nidx1, sbuf0, sbuf1, pstage,
              sem0, sem1):
        wid = lax.axis_index("s") * NC + lax.axis_index("c")
        base = wid * BPW
        iota = lax.iota(jnp.int32, L)

        pltpu.sync_copy(tgt.at[pl.ds(base, BPW)], tidx)
        pltpu.sync_copy(ctx.at[pl.ds(base, BPW)], cidx)

        cb = BPW // 4
        for c in range(4):
            h0 = pltpu.async_copy(emb.at[tidx.at[pl.ds(c * cb, cb)]],
                                  nrows.at[0, pl.ds(0, cb)], sem0)
            h1 = pltpu.async_copy(emb.at[cidx.at[pl.ds(c * cb, cb)]],
                                  nrows.at[1, pl.ds(0, cb)], sem1)
            h0.wait()
            h1.wait()

            def pos_body(ii, carry):
                acc = jnp.zeros((L,), jnp.float32)
                for k in range(KD):
                    tv = nrows[0, ii, pl.ds(k * L, L)]
                    cv = nrows[1, ii, pl.ds(k * L, L)]
                    acc = acc + tv * cv
                pstage[pl.ds(ii * L, L)] = acc
                return carry

            lax.fori_loop(0, cb, pos_body, 0)
            pltpu.sync_copy(pstage,
                            pos_out.at[pl.ds((base + c * cb) * L, cb * L)])

        for c in range(4):
            pltpu.async_copy(emb.at[tidx.at[pl.ds(c * cb, cb)]],
                             trows.at[pl.ds(c * cb, cb)], sem0).wait()

        def item_body(i, carry):
            b = base + i
            pltpu.sync_copy(neg.at[pl.ds(b * NUM_NEG, NUM_NEG)],
                            nidx0.at[pl.ds(0, NUM_NEG)])
            g0 = pltpu.async_copy(emb.at[nidx0.at[pl.ds(0, 128)]],
                                  nrows.at[0, pl.ds(0, 128)], sem0)
            g1 = pltpu.async_copy(emb.at[nidx0.at[pl.ds(128, NUM_NEG - 128)]],
                                  nrows.at[0, pl.ds(128, NUM_NEG - 128)], sem1)
            g0.wait()
            g1.wait()

            tvecs = [trows[i, pl.ds(k * L, L)] for k in range(KD)]

            def group_body(g, carry2):
                svec = jnp.zeros((L,), jnp.float32)
                for j in range(L):
                    r = g * L + j
                    acc = nrows[0, r, pl.ds(0, L)] * tvecs[0]
                    for k in range(1, KD):
                        acc = acc + nrows[0, r, pl.ds(k * L, L)] * tvecs[k]
                    svec = jnp.where(iota == j, jnp.sum(acc), svec)
                sbuf0[pl.ds(g * L, L)] = svec
                return carry2

            lax.fori_loop(0, NPAD // L, group_body, 0)
            pltpu.sync_copy(sbuf0, neg_out.at[pl.ds(b * NPAD, NPAD)])
            return carry

        lax.fori_loop(0, BPW, item_body, 0)

    return sc_fn


_SC_SCORES = _sc_scores()


def _loss_kernel(pos_ref, neg_ref, out_ref):
    i = pl.program_id(0)
    pos_s = jnp.sum(pos_ref[...], axis=1, keepdims=True) * SCALE
    neg_s = neg_ref[...] * SCALE

    def logsig(x):
        return jnp.minimum(x, 0.0) - jnp.log1p(jnp.exp(-jnp.abs(x)))

    col = lax.broadcasted_iota(jnp.int32, neg_s.shape, 1)
    neg_l = jnp.where(col < NUM_NEG, logsig(-neg_s), 0.0)
    partial = (-jnp.sum(logsig(pos_s)) / BATCH
               - jnp.sum(neg_l) / (BATCH * NUM_NEG))

    @pl.when(i == 0)
    def _():
        out_ref[0, 0] = 0.0

    out_ref[0, 0] += partial


def kernel(embeddings, targets, contexts, negatives):
    pos_partial, neg_scores = _SC_SCORES(embeddings, targets, contexts,
                                         negatives.reshape(-1))
    pos_partial = pos_partial.reshape(BATCH, L)
    neg_scores = neg_scores.reshape(BATCH, NPAD)
    rows = BATCH // 16
    loss = pl.pallas_call(
        _loss_kernel,
        grid=(16,),
        in_specs=[
            pl.BlockSpec((rows, L), lambda i: (i, 0)),
            pl.BlockSpec((rows, NPAD), lambda i: (i, 0)),
        ],
        out_specs=pl.BlockSpec(memory_space=pltpu.SMEM),
        out_shape=jax.ShapeDtypeStruct((1, 1), jnp.float32),
    )(pos_partial, neg_scores)
    return loss[0, 0]

# --- scband reference (transcript-rebuilt; emitter-appended) ---
"""Pipeline reference for scband-skip-gram-loss-61735859912991 (READ-ONLY COPY).

The authoritative reference and input builder live on the scoring server;
editing this copy changes nothing except your own understanding.
"""

import jax, jax.numpy as jnp
import numpy as np

SCALE_FACTOR = 5.0
NUM_NODES = 100000
DIM = 128
BATCH = 16384
NUM_NEG = 200

def setup_inputs(seed: int = 0):
    key = jax.random.key(seed)
    k1, k2, k3, k4 = jax.random.split(key, 4)
    embeddings = jax.random.normal(k1, (NUM_NODES, DIM), dtype=jnp.float32)
    targets = jax.random.randint(k2, (BATCH,), 0, NUM_NODES, dtype=jnp.int32)
    contexts = jax.random.randint(k3, (BATCH,), 0, NUM_NODES, dtype=jnp.int32)
    negatives = jax.random.randint(k4, (BATCH, NUM_NEG), 0, NUM_NODES, dtype=jnp.int32)
    return {"embeddings": embeddings, "targets": targets, "contexts": contexts, "negatives": negatives}

def reference(embeddings, targets, contexts, negatives):
    target_emb = jnp.take(embeddings, targets, axis=0)            # [B, D]
    context_emb = jnp.take(embeddings, contexts, axis=0)          # [B, D]
    negative_emb = jnp.take(embeddings, negatives, axis=0)        # [B, N, D]
    pos_scores = jnp.sum(target_emb * context_emb, axis=1)        # [B]
    neg_scores = jnp.einsum('bnd,bd->bn', negative_emb, target_emb)  # [B, N]
    pos_scores = pos_scores * SCALE_FACTOR
    neg_scores = neg_scores * SCALE_FACTOR
    pos_loss = -jnp.mean(jax.nn.log_sigmoid(pos_scores))
    neg_loss = -jnp.mean(jax.nn.log_sigmoid(-neg_scores))
    total_loss = pos_loss + neg_loss
    return total_loss

if __name__ == "__main__":
    import jax
    _d = setup_inputs()
    print(jax.jit(kernel)(*tuple(_d.values())))

</pallas_src>

<mosaic_0001>
#map = affine_map<(d0, d1) -> (0, 0)>
#map1 = affine_map<(d0, d1) -> (0)>
module attributes {stable_mosaic.version = 14 : i64} {
  func.func @sc_fn(%arg0: i32, %arg1: i32, %arg2: memref<100000x128xf32, #tpu.memory_space<hbm>>, %arg3: memref<16384xi32, #tpu.memory_space<hbm>>, %arg4: memref<16384xi32, #tpu.memory_space<hbm>>, %arg5: memref<3276800xi32, #tpu.memory_space<hbm>>, %arg6: memref<262144xf32, #tpu.memory_space<hbm>>, %arg7: memref<3407872xf32, #tpu.memory_space<hbm>>, %arg8: memref<512xi32, #tpu.memory_space<vmem>>, %arg9: memref<512xi32, #tpu.memory_space<vmem>>, %arg10: memref<512x128xf32, #tpu.memory_space<vmem>>, %arg11: memref<2x208x128xf32, #tpu.memory_space<vmem>>, %arg12: memref<208xi32, #tpu.memory_space<vmem>>, %arg13: memref<208xi32, #tpu.memory_space<vmem>>, %arg14: memref<208xf32, #tpu.memory_space<vmem>>, %arg15: memref<208xf32, #tpu.memory_space<vmem>>, %arg16: memref<2048xf32, #tpu.memory_space<vmem>>, %arg17: memref<!tpu.dma_semaphore, #tpu.memory_space<semaphore_mem>>, %arg18: memref<!tpu.dma_semaphore, #tpu.memory_space<semaphore_mem>>) attributes {dimension_semantics = [#tpu.dimension_semantics<core_parallel>, #tpu.dimension_semantics<subcore_parallel>], iteration_bounds = array<i64: 2, 16>, scalar_prefetch = 0 : i64, scratch_operands = 11 : i64, tpu.core_type = #tpu.core_type<sc_vector_subcore>, window_params = [{transform_indices = #map}, {transform_indices = #map1}, {transform_indices = #map1}, {transform_indices = #map1}, {transform_indices = #map1}, {transform_indices = #map1}]} {
    %mul3A = arith.constant 2 : i32
    %mul3A_0 = arith.muli %arg1, %mul3A : i32
    %add3A = arith.addi %mul3A_0, %arg0 : i32
    %mul3A_1 = arith.constant 512 : i32
    %mul3A_2 = arith.muli %add3A, %mul3A_1 : i32
    %iota3A = tpu.iota {dimensions = array<i32: 0>} : vector<16xi32>
    "tpu.region"() ({
      %run_scoped3A = tpu.sem_alloc : memref<!tpu.dma_semaphore, #tpu.memory_space<semaphore_mem>>
      %dma_start3A_270 = tpu.memref_slice %arg3[%mul3A_2] : memref<16384xi32, #tpu.memory_space<hbm>> -> memref<512xi32, #tpu.memory_space<hbm>>
      %dma_start3A_271 = tpu.memref_slice %arg3[%mul3A_2] : memref<16384xi32, #tpu.memory_space<hbm>> -> memref<512xi32, #tpu.memory_space<hbm>>
      tpu.enqueue_dma source(%dma_start3A_271 : memref<512xi32, #tpu.memory_space<hbm>>) target(%arg8 : memref<512xi32, #tpu.memory_space<vmem>>) target_semaphore(%run_scoped3A : memref<!tpu.dma_semaphore, #tpu.memory_space<semaphore_mem>>)
      %dma_wait3A_272 = tpu.memref_slice %arg3[%mul3A_2] : memref<16384xi32, #tpu.memory_space<hbm>> -> memref<512xi32, #tpu.memory_space<hbm>>
      %dma_wait3A_273 = tpu.memref_slice %arg3[%mul3A_2] : memref<16384xi32, #tpu.memory_space<hbm>> -> memref<512xi32, #tpu.memory_space<hbm>>
      tpu.wait_dma2 semaphore(%run_scoped3A : memref<!tpu.dma_semaphore, #tpu.memory_space<semaphore_mem>>) src(%dma_wait3A_273 : memref<512xi32, #tpu.memory_space<hbm>>) dst(%arg8 : memref<512xi32, #tpu.memory_space<vmem>>)
      tpu.yield
    }) : () -> ()
    "tpu.region"() ({
      %run_scoped3A = tpu.sem_alloc : memref<!tpu.dma_semaphore, #tpu.memory_space<semaphore_mem>>
      %dma_start3A_270 = tpu.memref_slice %arg4[%mul3A_2] : memref<16384xi32, #tpu.memory_space<hbm>> -> memref<512xi32, #tpu.memory_space<hbm>>
      %dma_start3A_271 = tpu.memref_slice %arg4[%mul3A_2] : memref<16384xi32, #tpu.memory_space<hbm>> -> memref<512xi32, #tpu.memory_space<hbm>>
      tpu.enqueue_dma source(%dma_start3A_271 : memref<512xi32, #tpu.memory_space<hbm>>) target(%arg9 : memref<512xi32, #tpu.memory_space<vmem>>) target_semaphore(%run_scoped3A : memref<!tpu.dma_semaphore, #tpu.memory_space<semaphore_mem>>)
      %dma_wait3A_272 = tpu.memref_slice %arg4[%mul3A_2] : memref<16384xi32, #tpu.memory_space<hbm>> -> memref<512xi32, #tpu.memory_space<hbm>>
      %dma_wait3A_273 = tpu.memref_slice %arg4[%mul3A_2] : memref<16384xi32, #tpu.memory_space<hbm>> -> memref<512xi32, #tpu.memory_space<hbm>>
      tpu.wait_dma2 semaphore(%run_scoped3A : memref<!tpu.dma_semaphore, #tpu.memory_space<semaphore_mem>>) src(%dma_wait3A_273 : memref<512xi32, #tpu.memory_space<hbm>>) dst(%arg9 : memref<512xi32, #tpu.memory_space<vmem>>)
      tpu.yield
    }) : () -> ()
    %dma_start3A = arith.constant 0 : i32
    %dma_start3A_3 = arith.constant 0 : i32
    %dma_start3A_4 = arith.constant 0 : i32
    %dma_start3A_5 = tpu.memref_slice %arg11[%dma_start3A, %dma_start3A_3, %dma_start3A_4] : memref<2x208x128xf32, #tpu.memory_space<vmem>> -> memref<1x128x128xf32, #tpu.memory_space<vmem>>
    %dma_start3A_6 = tpu.memref_squeeze %dma_start3A_5 : memref<1x128x128xf32, #tpu.memory_space<vmem>> -> memref<128x128xf32, #tpu.memory_space<vmem>>
    %dma_start3A_7 = arith.constant 0 : i32
    %dma_start3A_8 = tpu.memref_slice %arg8[%dma_start3A_7] : memref<512xi32, #tpu.memory_space<vmem>> -> memref<128xi32, #tpu.memory_space<vmem>>
    %dma_start3A_9 = arith.constant 0 : i32
    %dma_start3A_10 = arith.constant 0 : i32
    %dma_start3A_11 = tpu.memref_slice %arg2[%dma_start3A_9, %dma_start3A_10] : memref<100000x128xf32, #tpu.memory_space<hbm>> -> memref<100000x128xf32, #tpu.memory_space<hbm>>
    tpu.enqueue_indirect_dma source(%dma_start3A_11 : memref<100000x128xf32, #tpu.memory_space<hbm>>) target(%dma_start3A_6 : memref<128x128xf32, #tpu.memory_space<vmem>>) offsets(%dma_start3A_8 : memref<128xi32, #tpu.memory_space<vmem>>) semaphore(%arg17 : memref<!tpu.dma_semaphore, #tpu.memory_space<semaphore_mem>>)
    %dma_start3A_12 = arith.constant 1 : i32
    %dma_start3A_13 = arith.constant 0 : i32
    %dma_start3A_14 = arith.constant 0 : i32
    %dma_start3A_15 = tpu.memref_slice %arg11[%dma_start3A_12, %dma_start3A_13, %dma_start3A_14] : memref<2x208x128xf32, #tpu.memory_space<vmem>> -> memref<1x128x128xf32, #tpu.memory_space<vmem>>
    %dma_start3A_16 = tpu.memref_squeeze %dma_start3A_15 : memref<1x128x128xf32, #tpu.memory_space<vmem>> -> memref<128x128xf32, #tpu.memory_space<vmem>>
    %dma_start3A_17 = arith.constant 0 : i32
    %dma_start3A_18 = tpu.memref_slice %arg9[%dma_start3A_17] : memref<512xi32, #tpu.memory_space<vmem>> -> memref<128xi32, #tpu.memory_space<vmem>>
    %dma_start3A_19 = arith.constant 0 : i32
    %dma_start3A_20 = arith.constant 0 : i32
    %dma_start3A_21 = tpu.memref_slice %arg2[%dma_start3A_19, %dma_start3A_20] : memref<100000x128xf32, #tpu.memory_space<hbm>> -> memref<100000x128xf32, #tpu.memory_space<hbm>>
    tpu.enqueue_indirect_dma source(%dma_start3A_21 : memref<100000x128xf32, #tpu.memory_space<hbm>>) target(%dma_start3A_16 : memref<128x128xf32, #tpu.memory_space<vmem>>) offsets(%dma_start3A_18 : memref<128xi32, #tpu.memory_space<vmem>>) semaphore(%arg18 : memref<!tpu.dma_semaphore, #tpu.memory_space<semaphore_mem>>)
    %dma_wait3A = arith.constant 0 : i32
    %dma_wait3A_22 = arith.constant 0 : i32
    %dma_wait3A_23 = arith.constant 0 : i32
    %dma_wait3A_24 = tpu.memref_slice %arg11[%dma_wait3A, %dma_wait3A_22, %dma_wait3A_23] : memref<2x208x128xf32, #tpu.memory_space<vmem>> -> memref<1x128x128xf32, #tpu.memory_space<vmem>>
    %dma_wait3A_25 = tpu.memref_squeeze %dma_wait3A_24 : memref<1x128x128xf32, #tpu.memory_space<vmem>> -> memref<128x128xf32, #tpu.memory_space<vmem>>
    %dma_wait3A_26 = arith.constant 0 : i32
    %dma_wait3A_27 = tpu.memref_slice %arg8[%dma_wait3A_26] : memref<512xi32, #tpu.memory_space<vmem>> -> memref<128xi32, #tpu.memory_space<vmem>>
    %dma_wait3A_28 = arith.constant 0 : i32
    %dma_wait3A_29 = arith.constant 0 : i32
    %dma_wait3A_30 = tpu.memref_slice %arg2[%dma_wait3A_28, %dma_wait3A_29] : memref<100000x128xf32, #tpu.memory_space<hbm>> -> memref<100000x128xf32, #tpu.memory_space<hbm>>
    tpu.wait_indirect_dma semaphore(%arg17 : memref<!tpu.dma_semaphore, #tpu.memory_space<semaphore_mem>>) src(%dma_wait3A_30 : memref<100000x128xf32, #tpu.memory_space<hbm>>) dst(%dma_wait3A_25 : memref<128x128xf32, #tpu.memory_space<vmem>>)
    %dma_wait3A_31 = arith.constant 1 : i32
    %dma_wait3A_32 = arith.constant 0 : i32
    %dma_wait3A_33 = arith.constant 0 : i32
    %dma_wait3A_34 = tpu.memref_slice %arg11[%dma_wait3A_31, %dma_wait3A_32, %dma_wait3A_33] : memref<2x208x128xf32, #tpu.memory_space<vmem>> -> memref<1x128x128xf32, #tpu.memory_space<vmem>>
    %dma_wait3A_35 = tpu.memref_squeeze %dma_wait3A_34 : memref<1x128x128xf32, #tpu.memory_space<vmem>> -> memref<128x128xf32, #tpu.memory_space<vmem>>
    %dma_wait3A_36 = arith.constant 0 : i32
    %dma_wait3A_37 = tpu.memref_slice %arg9[%dma_wait3A_36] : memref<512xi32, #tpu.memory_space<vmem>> -> memref<128xi32, #tpu.memory_space<vmem>>
    %dma_wait3A_38 = arith.constant 0 : i32
    %dma_wait3A_39 = arith.constant 0 : i32
    %dma_wait3A_40 = tpu.memref_slice %arg2[%dma_wait3A_38, %dma_wait3A_39] : memref<100000x128xf32, #tpu.memory_space<hbm>> -> memref<100000x128xf32, #tpu.memory_space<hbm>>
    tpu.wait_indirect_dma semaphore(%arg18 : memref<!tpu.dma_semaphore, #tpu.memory_space<semaphore_mem>>) src(%dma_wait3A_40 : memref<100000x128xf32, #tpu.memory_space<hbm>>) dst(%dma_wait3A_35 : memref<128x128xf32, #tpu.memory_space<vmem>>)
    %scan3A = arith.constant 0 : i32
    %scan3A_41 = arith.constant 0 : i32
    %scan3A_42 = arith.constant 128 : i32
    %scan3A_43 = arith.addi %scan3A_41, %scan3A_42 : i32
    %scan3A_44 = arith.constant 1 : i32
    scf.for %scan3A_270 = %scan3A_41 to %scan3A_43 step %scan3A_44  : i32 {
      %broadcast_in_dim3A = arith.constant 0.000000e+00 : f32
      %broadcast_in_dim3A_271 = vector.broadcast %broadcast_in_dim3A : f32 to vector<16xf32>
      %get3A = arith.constant 0 : i32
      %get3A_272 = arith.index_cast %get3A : i32 to index
      %get3A_273 = arith.index_cast %scan3A_270 : i32 to index
      %get3A_274 = arith.constant 0 : index
      %get3A_275 = tpu.vector_load %arg11[%get3A_272, %get3A_273, %get3A_274] {strides = array<i32>} : memref<2x208x128xf32, #tpu.memory_space<vmem>>, vector<16xf32>,
      %get3A_276 = arith.constant 1 : i32
      %get3A_277 = arith.index_cast %get3A_276 : i32 to index
      %get3A_278 = arith.index_cast %scan3A_270 : i32 to index
      %get3A_279 = arith.constant 0 : index
      %get3A_280 = tpu.vector_load %arg11[%get3A_277, %get3A_278, %get3A_279] {strides = array<i32>} : memref<2x208x128xf32, #tpu.memory_space<vmem>>, vector<16xf32>,
      %mul3A_281 = arith.mulf %get3A_275, %get3A_280 : vector<16xf32>
      %add3A_282 = arith.addf %broadcast_in_dim3A_271, %mul3A_281 : vector<16xf32>
      %get3A_283 = arith.constant 0 : i32
      %get3A_284 = arith.index_cast %get3A_283 : i32 to index
      %get3A_285 = arith.index_cast %scan3A_270 : i32 to index
      %get3A_286 = arith.constant 16 : index
      %get3A_287 = tpu.vector_load %arg11[%get3A_284, %get3A_285, %get3A_286] {strides = array<i32>} : memref<2x208x128xf32, #tpu.memory_space<vmem>>, vector<16xf32>,
      %get3A_288 = arith.constant 1 : i32
      %get3A_289 = arith.index_cast %get3A_288 : i32 to index
      %get3A_290 = arith.index_cast %scan3A_270 : i32 to index
      %get3A_291 = arith.constant 16 : index
      %get3A_292 = tpu.vector_load %arg11[%get3A_289, %get3A_290, %get3A_291] {strides = array<i32>} : memref<2x208x128xf32, #tpu.memory_space<vmem>>, vector<16xf32>,
      %mul3A_293 = arith.mulf %get3A_287, %get3A_292 : vector<16xf32>
      %add3A_294 = arith.addf %add3A_282, %mul3A_293 : vector<16xf32>
      %get3A_295 = arith.constant 0 : i32
      %get3A_296 = arith.index_cast %get3A_295 : i32 to index
      %get3A_297 = arith.index_cast %scan3A_270 : i32 to index
      %get3A_298 = arith.constant 32 : index
      %get3A_299 = tpu.vector_load %arg11[%get3A_296, %get3A_297, %get3A_298] {strides = array<i32>} : memref<2x208x128xf32, #tpu.memory_space<vmem>>, vector<16xf32>,
      %get3A_300 = arith.constant 1 : i32
      %get3A_301 = arith.index_cast %get3A_300 : i32 to index
      %get3A_302 = arith.index_cast %scan3A_270 : i32 to index
      %get3A_303 = arith.constant 32 : index
      %get3A_304 = tpu.vector_load %arg11[%get3A_301, %get3A_302, %get3A_303] {strides = array<i32>} : memref<2x208x128xf32, #tpu.memory_space<vmem>>, vector<16xf32>,
      %mul3A_305 = arith.mulf %get3A_299, %get3A_304 : vector<16xf32>
      %add3A_306 = arith.addf %add3A_294, %mul3A_305 : vector<16xf32>
      %get3A_307 = arith.constant 0 : i32
      %get3A_308 = arith.index_cast %get3A_307 : i32 to index
      %get3A_309 = arith.index_cast %scan3A_270 : i32 to index
      %get3A_310 = arith.constant 48 : index
      %get3A_311 = tpu.vector_load %arg11[%get3A_308, %get3A_309, %get3A_310] {strides = array<i32>} : memref<2x208x128xf32, #tpu.memory_space<vmem>>, vector<16xf32>,
      %get3A_312 = arith.constant 1 : i32
      %get3A_313 = arith.index_cast %get3A_312 : i32 to index
      %get3A_314 = arith.index_cast %scan3A_270 : i32 to index
      %get3A_315 = arith.constant 48 : index
      %get3A_316 = tpu.vector_load %arg11[%get3A_313, %get3A_314, %get3A_315] {strides = array<i32>} : memref<2x208x128xf32, #tpu.memory_space<vmem>>, vector<16xf32>,
      %mul3A_317 = arith.mulf %get3A_311, %get3A_316 : vector<16xf32>
      %add3A_318 = arith.addf %add3A_306, %mul3A_317 : vector<16xf32>
      %get3A_319 = arith.constant 0 : i32
      %get3A_320 = arith.index_cast %get3A_319 : i32 to index
      %get3A_321 = arith.index_cast %scan3A_270 : i32 to index
      %get3A_322 = arith.constant 64 : index
      %get3A_323 = tpu.vector_load %arg11[%get3A_320, %get3A_321, %get3A_322] {strides = array<i32>} : memref<2x208x128xf32, #tpu.memory_space<vmem>>, vector<16xf32>,
      %get3A_324 = arith.constant 1 : i32
      %get3A_325 = arith.index_cast %get3A_324 : i32 to index
      %get3A_326 = arith.index_cast %scan3A_270 : i32 to index
      %get3A_327 = arith.constant 64 : index
      %get3A_328 = tpu.vector_load %arg11[%get3A_325, %get3A_326, %get3A_327] {strides = array<i32>} : memref<2x208x128xf32, #tpu.memory_space<vmem>>, vector<16xf32>,
      %mul3A_329 = arith.mulf %get3A_323, %get3A_328 : vector<16xf32>
      %add3A_330 = arith.addf %add3A_318, %mul3A_329 : vector<16xf32>
      %get3A_331 = arith.constant 0 : i32
      %get3A_332 = arith.index_cast %get3A_331 : i32 to index
      %get3A_333 = arith.index_cast %scan3A_270 : i32 to index
      %get3A_334 = arith.constant 80 : index
      %get3A_335 = tpu.vector_load %arg11[%get3A_332, %get3A_333, %get3A_334] {strides = array<i32>} : memref<2x208x128xf32, #tpu.memory_space<vmem>>, vector<16xf32>,
      %get3A_336 = arith.constant 1 : i32
      %get3A_337 = arith.index_cast %get3A_336 : i32 to index
      %get3A_338 = arith.index_cast %scan3A_270 : i32 to index
      %get3A_339 = arith.constant 80 : index
      %get3A_340 = tpu.vector_load %arg11[%get3A_337, %get3A_338, %get3A_339] {strides = array<i32>} : memref<2x208x128xf32, #tpu.memory_space<vmem>>, vector<16xf32>,
      %mul3A_341 = arith.mulf %get3A_335, %get3A_340 : vector<16xf32>
      %add3A_342 = arith.addf %add3A_330, %mul3A_341 : vector<16xf32>
      %get3A_343 = arith.constant 0 : i32
      %get3A_344 = arith.index_cast %get3A_343 : i32 to index
      %get3A_345 = arith.index_cast %scan3A_270 : i32 to index
      %get3A_346 = arith.constant 96 : index
      %get3A_347 = tpu.vector_load %arg11[%get3A_344, %get3A_345, %get3A_346] {strides = array<i32>} : memref<2x208x128xf32, #tpu.memory_space<vmem>>, vector<16xf32>,
      %get3A_348 = arith.constant 1 : i32
      %get3A_349 = arith.index_cast %get3A_348 : i32 to index
      %get3A_350 = arith.index_cast %scan3A_270 : i32 to index
      %get3A_351 = arith.constant 96 : index
      %get3A_352 = tpu.vector_load %arg11[%get3A_349, %get3A_350, %get3A_351] {strides = array<i32>} : memref<2x208x128xf32, #tpu.memory_space<vmem>>, vector<16xf32>,
      %mul3A_353 = arith.mulf %get3A_347, %get3A_352 : vector<16xf32>
      %add3A_354 = arith.addf %add3A_342, %mul3A_353 : vector<16xf32>
      %get3A_355 = arith.constant 0 : i32
      %get3A_356 = arith.index_cast %get3A_355 : i32 to index
      %get3A_357 = arith.index_cast %scan3A_270 : i32 to index
      %get3A_358 = arith.constant 112 : index
      %get3A_359 = tpu.vector_load %arg11[%get3A_356, %get3A_357, %get3A_358] {strides = array<i32>} : memref<2x208x128xf32, #tpu.memory_space<vmem>>, vector<16xf32>,
      %get3A_360 = arith.constant 1 : i32
      %get3A_361 = arith.index_cast %get3A_360 : i32 to index
      %get3A_362 = arith.index_cast %scan3A_270 : i32 to index
      %get3A_363 = arith.constant 112 : index
      %get3A_364 = tpu.vector_load %arg11[%get3A_361, %get3A_362, %get3A_363] {strides = array<i32>} : memref<2x208x128xf32, #tpu.memory_space<vmem>>, vector<16xf32>,
      %mul3A_365 = arith.mulf %get3A_359, %get3A_364 : vector<16xf32>
      %add3A_366 = arith.addf %add3A_354, %mul3A_365 : vector<16xf32>
      %mul3A_367 = arith.constant 16 : i32
      %mul3A_368 = arith.muli %scan3A_270, %mul3A_367 : i32
      %swap3A = arith.index_cast %mul3A_368 : i32 to index
      %swap3A_369 = tpu.vector_load %arg16[%swap3A] {strides = array<i32>} : memref<2048xf32, #tpu.memory_space<vmem>>, vector<16xf32>,
      tpu.vector_store %arg16[%swap3A], %add3A_366 {strides = array<i32>} : memref<2048xf32, #tpu.memory_space<vmem>>, vector<16xf32>,
    }
    %scan3A_45 = arith.constant 128 : i32
    %add3A_46 = arith.constant 0 : i32
    %add3A_47 = arith.addi %mul3A_2, %add3A_46 : i32
    %mul3A_48 = arith.constant 16 : i32
    %mul3A_49 = arith.muli %add3A_47, %mul3A_48 : i32
    "tpu.region"() ({
      %run_scoped3A = tpu.sem_alloc : memref<!tpu.dma_semaphore, #tpu.memory_space<semaphore_mem>>
      %dma_start3A_270 = tpu.memref_slice %arg6[%mul3A_49] : memref<262144xf32, #tpu.memory_space<hbm>> -> memref<2048xf32, #tpu.memory_space<hbm>>
      %dma_start3A_271 = tpu.memref_slice %arg6[%mul3A_49] : memref<262144xf32, #tpu.memory_space<hbm>> -> memref<2048xf32, #tpu.memory_space<hbm>>
      tpu.enqueue_dma source(%arg16 : memref<2048xf32, #tpu.memory_space<vmem>>) target(%dma_start3A_271 : memref<2048xf32, #tpu.memory_space<hbm>>) target_semaphore(%run_scoped3A : memref<!tpu.dma_semaphore, #tpu.memory_space<semaphore_mem>>)
      %dma_wait3A_272 = tpu.memref_slice %arg6[%mul3A_49] : memref<262144xf32, #tpu.memory_space<hbm>> -> memref<2048xf32, #tpu.memory_space<hbm>>
      %dma_wait3A_273 = tpu.memref_slice %arg6[%mul3A_49] : memref<262144xf32, #tpu.memory_space<hbm>> -> memref<2048xf32, #tpu.memory_space<hbm>>
      tpu.wait_dma2 semaphore(%run_scoped3A : memref<!tpu.dma_semaphore, #tpu.memory_space<semaphore_mem>>) src(%arg16 : memref<2048xf32, #tpu.memory_space<vmem>>) dst(%dma_wait3A_273 : memref<2048xf32, #tpu.memory_space<hbm>>)
      tpu.yield
    }) : () -> ()
    %dma_start3A_50 = arith.constant 0 : i32
    %dma_start3A_51 = arith.constant 0 : i32
    %dma_start3A_52 = arith.constant 0 : i32
    %dma_start3A_53 = tpu.memref_slice %arg11[%dma_start3A_50, %dma_start3A_51, %dma_start3A_52] : memref<2x208x128xf32, #tpu.memory_space<vmem>> -> memref<1x128x128xf32, #tpu.memory_space<vmem>>
    %dma_start3A_54 = tpu.memref_squeeze %dma_start3A_53 : memref<1x128x128xf32, #tpu.memory_space<vmem>> -> memref<128x128xf32, #tpu.memory_space<vmem>>
    %dma_start3A_55 = arith.constant 128 : i32
    %dma_start3A_56 = tpu.memref_slice %arg8[%dma_start3A_55] : memref<512xi32, #tpu.memory_space<vmem>> -> memref<128xi32, #tpu.memory_space<vmem>>
    %dma_start3A_57 = arith.constant 0 : i32
    %dma_start3A_58 = arith.constant 0 : i32
    %dma_start3A_59 = tpu.memref_slice %arg2[%dma_start3A_57, %dma_start3A_58] : memref<100000x128xf32, #tpu.memory_space<hbm>> -> memref<100000x128xf32, #tpu.memory_space<hbm>>
    tpu.enqueue_indirect_dma source(%dma_start3A_59 : memref<100000x128xf32, #tpu.memory_space<hbm>>) target(%dma_start3A_54 : memref<128x128xf32, #tpu.memory_space<vmem>>) offsets(%dma_start3A_56 : memref<128xi32, #tpu.memory_space<vmem>>) semaphore(%arg17 : memref<!tpu.dma_semaphore, #tpu.memory_space<semaphore_mem>>)
    %dma_start3A_60 = arith.constant 1 : i32
    %dma_start3A_61 = arith.constant 0 : i32
    %dma_start3A_62 = arith.constant 0 : i32
    %dma_start3A_63 = tpu.memref_slice %arg11[%dma_start3A_60, %dma_start3A_61, %dma_start3A_62] : memref<2x208x128xf32, #tpu.memory_space<vmem>> -> memref<1x128x128xf32, #tpu.memory_space<vmem>>
    %dma_start3A_64 = tpu.memref_squeeze %dma_start3A_63 : memref<1x128x128xf32, #tpu.memory_space<vmem>> -> memref<128x128xf32, #tpu.memory_space<vmem>>
    %dma_start3A_65 = arith.constant 128 : i32
    %dma_start3A_66 = tpu.memref_slice %arg9[%dma_start3A_65] : memref<512xi32, #tpu.memory_space<vmem>> -> memref<128xi32, #tpu.memory_space<vmem>>
    %dma_start3A_67 = arith.constant 0 : i32
    %dma_start3A_68 = arith.constant 0 : i32
    %dma_start3A_69 = tpu.memref_slice %arg2[%dma_start3A_67, %dma_start3A_68] : memref<100000x128xf32, #tpu.memory_space<hbm>> -> memref<100000x128xf32, #tpu.memory_space<hbm>>
    tpu.enqueue_indirect_dma source(%dma_start3A_69 : memref<100000x128xf32, #tpu.memory_space<hbm>>) target(%dma_start3A_64 : memref<128x128xf32, #tpu.memory_space<vmem>>) offsets(%dma_start3A_66 : memref<128xi32, #tpu.memory_space<vmem>>) semaphore(%arg18 : memref<!tpu.dma_semaphore, #tpu.memory_space<semaphore_mem>>)
    %dma_wait3A_70 = arith.constant 0 : i32
    %dma_wait3A_71 = arith.constant 0 : i32
    %dma_wait3A_72 = arith.constant 0 : i32
    %dma_wait3A_73 = tpu.memref_slice %arg11[%dma_wait3A_70, %dma_wait3A_71, %dma_wait3A_72] : memref<2x208x128xf32, #tpu.memory_space<vmem>> -> memref<1x128x128xf32, #tpu.memory_space<vmem>>
    %dma_wait3A_74 = tpu.memref_squeeze %dma_wait3A_73 : memref<1x128x128xf32, #tpu.memory_space<vmem>> -> memref<128x128xf32, #tpu.memory_space<vmem>>
    %dma_wait3A_75 = arith.constant 128 : i32
    %dma_wait3A_76 = tpu.memref_slice %arg8[%dma_wait3A_75] : memref<512xi32, #tpu.memory_space<vmem>> -> memref<128xi32, #tpu.memory_space<vmem>>
    %dma_wait3A_77 = arith.constant 0 : i32
    %dma_wait3A_78 = arith.constant 0 : i32
    %dma_wait3A_79 = tpu.memref_slice %arg2[%dma_wait3A_77, %dma_wait3A_78] : memref<100000x128xf32, #tpu.memory_space<hbm>> -> memref<100000x128xf32, #tpu.memory_space<hbm>>
    tpu.wait_indirect_dma semaphore(%arg17 : memref<!tpu.dma_semaphore, #tpu.memory_space<semaphore_mem>>) src(%dma_wait3A_79 : memref<100000x128xf32, #tpu.memory_space<hbm>>) dst(%dma_wait3A_74 : memref<128x128xf32, #tpu.memory_space<vmem>>)
    %dma_wait3A_80 = arith.constant 1 : i32
    %dma_wait3A_81 = arith.constant 0 : i32
    %dma_wait3A_82 = arith.constant 0 : i32
    %dma_wait3A_83 = tpu.memref_slice %arg11[%dma_wait3A_80, %dma_wait3A_81, %dma_wait3A_82] : memref<2x208x128xf32, #tpu.memory_space<vmem>> -> memref<1x128x128xf32, #tpu.memory_space<vmem>>
    %dma_wait3A_84 = tpu.memref_squeeze %dma_wait3A_83 : memref<1x128x128xf32, #tpu.memory_space<vmem>> -> memref<128x128xf32, #tpu.memory_space<vmem>>
    %dma_wait3A_85 = arith.constant 128 : i32
    %dma_wait3A_86 = tpu.memref_slice %arg9[%dma_wait3A_85] : memref<512xi32, #tpu.memory_space<vmem>> -> memref<128xi32, #tpu.memory_space<vmem>>
    %dma_wait3A_87 = arith.constant 0 : i32
    %dma_wait3A_88 = arith.constant 0 : i32
    %dma_wait3A_89 = tpu.memref_slice %arg2[%dma_wait3A_87, %dma_wait3A_88] : memref<100000x128xf32, #tpu.memory_space<hbm>> -> memref<100000x128xf32, #tpu.memory_space<hbm>>
    tpu.wait_indirect_dma semaphore(%arg18 : memref<!tpu.dma_semaphore, #tpu.memory_space<semaphore_mem>>) src(%dma_wait3A_89 : memref<100000x128xf32, #tpu.memory_space<hbm>>) dst(%dma_wait3A_84 : memref<128x128xf32, #tpu.memory_space<vmem>>)
    %scan3A_90 = arith.constant 0 : i32
    %scan3A_91 = arith.constant 0 : i32
    %scan3A_92 = arith.constant 128 : i32
    %scan3A_93 = arith.addi %scan3A_91, %scan3A_92 : i32
    %scan3A_94 = arith.constant 1 : i32
    scf.for %scan3A_270 = %scan3A_91 to %scan3A_93 step %scan3A_94  : i32 {
      %broadcast_in_dim3A = arith.constant 0.000000e+00 : f32
      %broadcast_in_dim3A_271 = vector.broadcast %broadcast_in_dim3A : f32 to vector<16xf32>
      %get3A = arith.constant 0 : i32
      %get3A_272 = arith.index_cast %get3A : i32 to index
      %get3A_273 = arith.index_cast %scan3A_270 : i32 to index
      %get3A_274 = arith.constant 0 : index
      %get3A_275 = tpu.vector_load %arg11[%get3A_272, %get3A_273, %get3A_274] {strides = array<i32>} : memref<2x208x128xf32, #tpu.memory_space<vmem>>, vector<16xf32>,
      %get3A_276 = arith.constant 1 : i32
      %get3A_277 = arith.index_cast %get3A_276 : i32 to index
      %get3A_278 = arith.index_cast %scan3A_270 : i32 to index
      %get3A_279 = arith.constant 0 : index
      %get3A_280 = tpu.vector_load %arg11[%get3A_277, %get3A_278, %get3A_279] {strides = array<i32>} : memref<2x208x128xf32, #tpu.memory_space<vmem>>, vector<16xf32>,
      %mul3A_281 = arith.mulf %get3A_275, %get3A_280 : vector<16xf32>
      %add3A_282 = arith.addf %broadcast_in_dim3A_271, %mul3A_281 : vector<16xf32>
      %get3A_283 = arith.constant 0 : i32
      %get3A_284 = arith.index_cast %get3A_283 : i32 to index
      %get3A_285 = arith.index_cast %scan3A_270 : i32 to index
      %get3A_286 = arith.constant 16 : index
      %get3A_287 = tpu.vector_load %arg11[%get3A_284, %get3A_285, %get3A_286] {strides = array<i32>} : memref<2x208x128xf32, #tpu.memory_space<vmem>>, vector<16xf32>,
      %get3A_288 = arith.constant 1 : i32
      %get3A_289 = arith.index_cast %get3A_288 : i32 to index
      %get3A_290 = arith.index_cast %scan3A_270 : i32 to index
      %get3A_291 = arith.constant 16 : index
      %get3A_292 = tpu.vector_load %arg11[%get3A_289, %get3A_290, %get3A_291] {strides = array<i32>} : memref<2x208x128xf32, #tpu.memory_space<vmem>>, vector<16xf32>,
      %mul3A_293 = arith.mulf %get3A_287, %get3A_292 : vector<16xf32>
      %add3A_294 = arith.addf %add3A_282, %mul3A_293 : vector<16xf32>
      %get3A_295 = arith.constant 0 : i32
      %get3A_296 = arith.index_cast %get3A_295 : i32 to index
      %get3A_297 = arith.index_cast %scan3A_270 : i32 to index
      %get3A_298 = arith.constant 32 : index
      %get3A_299 = tpu.vector_load %arg11[%get3A_296, %get3A_297, %get3A_298] {strides = array<i32>} : memref<2x208x128xf32, #tpu.memory_space<vmem>>, vector<16xf32>,
      %get3A_300 = arith.constant 1 : i32
      %get3A_301 = arith.index_cast %get3A_300 : i32 to index
      %get3A_302 = arith.index_cast %scan3A_270 : i32 to index
      %get3A_303 = arith.constant 32 : index
      %get3A_304 = tpu.vector_load %arg11[%get3A_301, %get3A_302, %get3A_303] {strides = array<i32>} : memref<2x208x128xf32, #tpu.memory_space<vmem>>, vector<16xf32>,
      %mul3A_305 = arith.mulf %get3A_299, %get3A_304 : vector<16xf32>
      %add3A_306 = arith.addf %add3A_294, %mul3A_305 : vector<16xf32>
      %get3A_307 = arith.constant 0 : i32
      %get3A_308 = arith.index_cast %get3A_307 : i32 to index
      %get3A_309 = arith.index_cast %scan3A_270 : i32 to index
      %get3A_310 = arith.constant 48 : index
      %get3A_311 = tpu.vector_load %arg11[%get3A_308, %get3A_309, %get3A_310] {strides = array<i32>} : memref<2x208x128xf32, #tpu.memory_space<vmem>>, vector<16xf32>,
      %get3A_312 = arith.constant 1 : i32
      %get3A_313 = arith.index_cast %get3A_312 : i32 to index
      %get3A_314 = arith.index_cast %scan3A_270 : i32 to index
      %get3A_315 = arith.constant 48 : index
      %get3A_316 = tpu.vector_load %arg11[%get3A_313, %get3A_314, %get3A_315] {strides = array<i32>} : memref<2x208x128xf32, #tpu.memory_space<vmem>>, vector<16xf32>,
      %mul3A_317 = arith.mulf %get3A_311, %get3A_316 : vector<16xf32>
      %add3A_318 = arith.addf %add3A_306, %mul3A_317 : vector<16xf32>
      %get3A_319 = arith.constant 0 : i32
      %get3A_320 = arith.index_cast %get3A_319 : i32 to index
      %get3A_321 = arith.index_cast %scan3A_270 : i32 to index
      %get3A_322 = arith.constant 64 : index
      %get3A_323 = tpu.vector_load %arg11[%get3A_320, %get3A_321, %get3A_322] {strides = array<i32>} : memref<2x208x128xf32, #tpu.memory_space<vmem>>, vector<16xf32>,
      %get3A_324 = arith.constant 1 : i32
      %get3A_325 = arith.index_cast %get3A_324 : i32 to index
      %get3A_326 = arith.index_cast %scan3A_270 : i32 to index
      %get3A_327 = arith.constant 64 : index
      %get3A_328 = tpu.vector_load %arg11[%get3A_325, %get3A_326, %get3A_327] {strides = array<i32>} : memref<2x208x128xf32, #tpu.memory_space<vmem>>, vector<16xf32>,
      %mul3A_329 = arith.mulf %get3A_323, %get3A_328 : vector<16xf32>
      %add3A_330 = arith.addf %add3A_318, %mul3A_329 : vector<16xf32>
      %get3A_331 = arith.constant 0 : i32
      %get3A_332 = arith.index_cast %get3A_331 : i32 to index
      %get3A_333 = arith.index_cast %scan3A_270 : i32 to index
      %get3A_334 = arith.constant 80 : index
      %get3A_335 = tpu.vector_load %arg11[%get3A_332, %get3A_333, %get3A_334] {strides = array<i32>} : memref<2x208x128xf32, #tpu.memory_space<vmem>>, vector<16xf32>,
      %get3A_336 = arith.constant 1 : i32
      %get3A_337 = arith.index_cast %get3A_336 : i32 to index
      %get3A_338 = arith.index_cast %scan3A_270 : i32 to index
      %get3A_339 = arith.constant 80 : index
      %get3A_340 = tpu.vector_load %arg11[%get3A_337, %get3A_338, %get3A_339] {strides = array<i32>} : memref<2x208x128xf32, #tpu.memory_space<vmem>>, vector<16xf32>,
      %mul3A_341 = arith.mulf %get3A_335, %get3A_340 : vector<16xf32>
      %add3A_342 = arith.addf %add3A_330, %mul3A_341 : vector<16xf32>
      %get3A_343 = arith.constant 0 : i32
      %get3A_344 = arith.index_cast %get3A_343 : i32 to index
      %get3A_345 = arith.index_cast %scan3A_270 : i32 to index
      %get3A_346 = arith.constant 96 : index
      %get3A_347 = tpu.vector_load %arg11[%get3A_344, %get3A_345, %get3A_346] {strides = array<i32>} : memref<2x208x128xf32, #tpu.memory_space<vmem>>, vector<16xf32>,
      %get3A_348 = arith.constant 1 : i32
      %get3A_349 = arith.index_cast %get3A_348 : i32 to index
      %get3A_350 = arith.index_cast %scan3A_270 : i32 to index
      %get3A_351 = arith.constant 96 : index
      %get3A_352 = tpu.vector_load %arg11[%get3A_349, %get3A_350, %get3A_351] {strides = array<i32>} : memref<2x208x128xf32, #tpu.memory_space<vmem>>, vector<16xf32>,
      %mul3A_353 = arith.mulf %get3A_347, %get3A_352 : vector<16xf32>
      %add3A_354 = arith.addf %add3A_342, %mul3A_353 : vector<16xf32>
      %get3A_355 = arith.constant 0 : i32
      %get3A_356 = arith.index_cast %get3A_355 : i32 to index
      %get3A_357 = arith.index_cast %scan3A_270 : i32 to index
      %get3A_358 = arith.constant 112 : index
      %get3A_359 = tpu.vector_load %arg11[%get3A_356, %get3A_357, %get3A_358] {strides = array<i32>} : memref<2x208x128xf32, #tpu.memory_space<vmem>>, vector<16xf32>,
      %get3A_360 = arith.constant 1 : i32
      %get3A_361 = arith.index_cast %get3A_360 : i32 to index
      %get3A_362 = arith.index_cast %scan3A_270 : i32 to index
      %get3A_363 = arith.constant 112 : index
      %get3A_364 = tpu.vector_load %arg11[%get3A_361, %get3A_362, %get3A_363] {strides = array<i32>} : memref<2x208x128xf32, #tpu.memory_space<vmem>>, vector<16xf32>,
      %mul3A_365 = arith.mulf %get3A_359, %get3A_364 : vector<16xf32>
      %add3A_366 = arith.addf %add3A_354, %mul3A_365 : vector<16xf32>
      %mul3A_367 = arith.constant 16 : i32
      %mul3A_368 = arith.muli %scan3A_270, %mul3A_367 : i32
      %swap3A = arith.index_cast %mul3A_368 : i32 to index
      %swap3A_369 = tpu.vector_load %arg16[%swap3A] {strides = array<i32>} : memref<2048xf32, #tpu.memory_space<vmem>>, vector<16xf32>,
      tpu.vector_store %arg16[%swap3A], %add3A_366 {strides = array<i32>} : memref<2048xf32, #tpu.memory_space<vmem>>, vector<16xf32>,
    }
    %scan3A_95 = arith.constant 128 : i32
    %add3A_96 = arith.constant 128 : i32
    %add3A_97 = arith.addi %mul3A_2, %add3A_96 : i32
    %mul3A_98 = arith.constant 16 : i32
    %mul3A_99 = arith.muli %add3A_97, %mul3A_98 : i32
    "tpu.region"() ({
      %run_scoped3A = tpu.sem_alloc : memref<!tpu.dma_semaphore, #tpu.memory_space<semaphore_mem>>
      %dma_start3A_270 = tpu.memref_slice %arg6[%mul3A_99] : memref<262144xf32, #tpu.memory_space<hbm>> -> memref<2048xf32, #tpu.memory_space<hbm>>
      %dma_start3A_271 = tpu.memref_slice %arg6[%mul3A_99] : memref<262144xf32, #tpu.memory_space<hbm>> -> memref<2048xf32, #tpu.memory_space<hbm>>
      tpu.enqueue_dma source(%arg16 : memref<2048xf32, #tpu.memory_space<vmem>>) target(%dma_start3A_271 : memref<2048xf32, #tpu.memory_space<hbm>>) target_semaphore(%run_scoped3A : memref<!tpu.dma_semaphore, #tpu.memory_space<semaphore_mem>>)
      %dma_wait3A_272 = tpu.memref_slice %arg6[%mul3A_99] : memref<262144xf32, #tpu.memory_space<hbm>> -> memref<2048xf32, #tpu.memory_space<hbm>>
      %dma_wait3A_273 = tpu.memref_slice %arg6[%mul3A_99] : memref<262144xf32, #tpu.memory_space<hbm>> -> memref<2048xf32, #tpu.memory_space<hbm>>
      tpu.wait_dma2 semaphore(%run_scoped3A : memref<!tpu.dma_semaphore, #tpu.memory_space<semaphore_mem>>) src(%arg16 : memref<2048xf32, #tpu.memory_space<vmem>>) dst(%dma_wait3A_273 : memref<2048xf32, #tpu.memory_space<hbm>>)
      tpu.yield
    }) : () -> ()
    %dma_start3A_100 = arith.constant 0 : i32
    %dma_start3A_101 = arith.constant 0 : i32
    %dma_start3A_102 = arith.constant 0 : i32
    %dma_start3A_103 = tpu.memref_slice %arg11[%dma_start3A_100, %dma_start3A_101, %dma_start3A_102] : memref<2x208x128xf32, #tpu.memory_space<vmem>> -> memref<1x128x128xf32, #tpu.memory_space<vmem>>
    %dma_start3A_104 = tpu.memref_squeeze %dma_start3A_103 : memref<1x128x128xf32, #tpu.memory_space<vmem>> -> memref<128x128xf32, #tpu.memory_space<vmem>>
    %dma_start3A_105 = arith.constant 256 : i32
    %dma_start3A_106 = tpu.memref_slice %arg8[%dma_start3A_105] : memref<512xi32, #tpu.memory_space<vmem>> -> memref<128xi32, #tpu.memory_space<vmem>>
    %dma_start3A_107 = arith.constant 0 : i32
    %dma_start3A_108 = arith.constant 0 : i32
    %dma_start3A_109 = tpu.memref_slice %arg2[%dma_start3A_107, %dma_start3A_108] : memref<100000x128xf32, #tpu.memory_space<hbm>> -> memref<100000x128xf32, #tpu.memory_space<hbm>>
    tpu.enqueue_indirect_dma source(%dma_start3A_109 : memref<100000x128xf32, #tpu.memory_space<hbm>>) target(%dma_start3A_104 : memref<128x128xf32, #tpu.memory_space<vmem>>) offsets(%dma_start3A_106 : memref<128xi32, #tpu.memory_space<vmem>>) semaphore(%arg17 : memref<!tpu.dma_semaphore, #tpu.memory_space<semaphore_mem>>)
    %dma_start3A_110 = arith.constant 1 : i32
    %dma_start3A_111 = arith.constant 0 : i32
    %dma_start3A_112 = arith.constant 0 : i32
    %dma_start3A_113 = tpu.memref_slice %arg11[%dma_start3A_110, %dma_start3A_111, %dma_start3A_112] : memref<2x208x128xf32, #tpu.memory_space<vmem>> -> memref<1x128x128xf32, #tpu.memory_space<vmem>>
    %dma_start3A_114 = tpu.memref_squeeze %dma_start3A_113 : memref<1x128x128xf32, #tpu.memory_space<vmem>> -> memref<128x128xf32, #tpu.memory_space<vmem>>
    %dma_start3A_115 = arith.constant 256 : i32
    %dma_start3A_116 = tpu.memref_slice %arg9[%dma_start3A_115] : memref<512xi32, #tpu.memory_space<vmem>> -> memref<128xi32, #tpu.memory_space<vmem>>
    %dma_start3A_117 = arith.constant 0 : i32
    %dma_start3A_118 = arith.constant 0 : i32
    %dma_start3A_119 = tpu.memref_slice %arg2[%dma_start3A_117, %dma_start3A_118] : memref<100000x128xf32, #tpu.memory_space<hbm>> -> memref<100000x128xf32, #tpu.memory_space<hbm>>
    tpu.enqueue_indirect_dma source(%dma_start3A_119 : memref<100000x128xf32, #tpu.memory_space<hbm>>) target(%dma_start3A_114 : memref<128x128xf32, #tpu.memory_space<vmem>>) offsets(%dma_start3A_116 : memref<128xi32, #tpu.memory_space<vmem>>) semaphore(%arg18 : memref<!tpu.dma_semaphore, #tpu.memory_space<semaphore_mem>>)
    %dma_wait3A_120 = arith.constant 0 : i32
    %dma_wait3A_121 = arith.constant 0 : i32
    %dma_wait3A_122 = arith.constant 0 : i32
    %dma_wait3A_123 = tpu.memref_slice %arg11[%dma_wait3A_120, %dma_wait3A_121, %dma_wait3A_122] : memref<2x208x128xf32, #tpu.memory_space<vmem>> -> memref<1x128x128xf32, #tpu.memory_space<vmem>>
    %dma_wait3A_124 = tpu.memref_squeeze %dma_wait3A_123 : memref<1x128x128xf32, #tpu.memory_space<vmem>> -> memref<128x128xf32, #tpu.memory_space<vmem>>
    %dma_wait3A_125 = arith.constant 256 : i32
    %dma_wait3A_126 = tpu.memref_slice %arg8[%dma_wait3A_125] : memref<512xi32, #tpu.memory_space<vmem>> -> memref<128xi32, #tpu.memory_space<vmem>>
    %dma_wait3A_127 = arith.constant 0 : i32
    %dma_wait3A_128 = arith.constant 0 : i32
    %dma_wait3A_129 = tpu.memref_slice %arg2[%dma_wait3A_127, %dma_wait3A_128] : memref<100000x128xf32, #tpu.memory_space<hbm>> -> memref<100000x128xf32, #tpu.memory_space<hbm>>
    tpu.wait_indirect_dma semaphore(%arg17 : memref<!tpu.dma_semaphore, #tpu.memory_space<semaphore_mem>>) src(%dma_wait3A_129 : memref<100000x128xf32, #tpu.memory_space<hbm>>) dst(%dma_wait3A_124 : memref<128x128xf32, #tpu.memory_space<vmem>>)
    %dma_wait3A_130 = arith.constant 1 : i32
    %dma_wait3A_131 = arith.constant 0 : i32
    %dma_wait3A_132 = arith.constant 0 : i32
    %dma_wait3A_133 = tpu.memref_slice %arg11[%dma_wait3A_130, %dma_wait3A_131, %dma_wait3A_132] : memref<2x208x128xf32, #tpu.memory_space<vmem>> -> memref<1x128x128xf32, #tpu.memory_space<vmem>>
    %dma_wait3A_134 = tpu.memref_squeeze %dma_wait3A_133 : memref<1x128x128xf32, #tpu.memory_space<vmem>> -> memref<128x128xf32, #tpu.memory_space<vmem>>
    %dma_wait3A_135 = arith.constant 256 : i32
    %dma_wait3A_136 = tpu.memref_slice %arg9[%dma_wait3A_135] : memref<512xi32, #tpu.memory_space<vmem>> -> memref<128xi32, #tpu.memory_space<vmem>>
    %dma_wait3A_137 = arith.constant 0 : i32
    %dma_wait3A_138 = arith.constant 0 : i32
    %dma_wait3A_139 = tpu.memref_slice %arg2[%dma_wait3A_137, %dma_wait3A_138] : memref<100000x128xf32, #tpu.memory_space<hbm>> -> memref<100000x128xf32, #tpu.memory_space<hbm>>
    tpu.wait_indirect_dma semaphore(%arg18 : memref<!tpu.dma_semaphore, #tpu.memory_space<semaphore_mem>>) src(%dma_wait3A_139 : memref<100000x128xf32, #tpu.memory_space<hbm>>) dst(%dma_wait3A_134 : memref<128x128xf32, #tpu.memory_space<vmem>>)
    %scan3A_140 = arith.constant 0 : i32
    %scan3A_141 = arith.constant 0 : i32
    %scan3A_142 = arith.constant 128 : i32
    %scan3A_143 = arith.addi %scan3A_141, %scan3A_142 : i32
    %scan3A_144 = arith.constant 1 : i32
    scf.for %scan3A_270 = %scan3A_141 to %scan3A_143 step %scan3A_144  : i32 {
      %broadcast_in_dim3A = arith.constant 0.000000e+00 : f32
      %broadcast_in_dim3A_271 = vector.broadcast %broadcast_in_dim3A : f32 to vector<16xf32>
      %get3A = arith.constant 0 : i32
      %get3A_272 = arith.index_cast %get3A : i32 to index
      %get3A_273 = arith.index_cast %scan3A_270 : i32 to index
      %get3A_274 = arith.constant 0 : index
      %get3A_275 = tpu.vector_load %arg11[%get3A_272, %get3A_273, %get3A_274] {strides = array<i32>} : memref<2x208x128xf32, #tpu.memory_space<vmem>>, vector<16xf32>,
      %get3A_276 = arith.constant 1 : i32
      %get3A_277 = arith.index_cast %get3A_276 : i32 to index
      %get3A_278 = arith.index_cast %scan3A_270 : i32 to index
      %get3A_279 = arith.constant 0 : index
      %get3A_280 = tpu.vector_load %arg11[%get3A_277, %get3A_278, %get3A_279] {strides = array<i32>} : memref<2x208x128xf32, #tpu.memory_space<vmem>>, vector<16xf32>,
      %mul3A_281 = arith.mulf %get3A_275, %get3A_280 : vector<16xf32>
      %add3A_282 = arith.addf %broadcast_in_dim3A_271, %mul3A_281 : vector<16xf32>
      %get3A_283 = arith.constant 0 : i32
      %get3A_284 = arith.index_cast %get3A_283 : i32 to index
      %get3A_285 = arith.index_cast %scan3A_270 : i32 to index
      %get3A_286 = arith.constant 16 : index
      %get3A_287 = tpu.vector_load %arg11[%get3A_284, %get3A_285, %get3A_286] {strides = array<i32>} : memref<2x208x128xf32, #tpu.memory_space<vmem>>, vector<16xf32>,
      %get3A_288 = arith.constant 1 : i32
      %get3A_289 = arith.index_cast %get3A_288 : i32 to index
      %get3A_290 = arith.index_cast %scan3A_270 : i32 to index
      %get3A_291 = arith.constant 16 : index
      %get3A_292 = tpu.vector_load %arg11[%get3A_289, %get3A_290, %get3A_291] {strides = array<i32>} : memref<2x208x128xf32, #tpu.memory_space<vmem>>, vector<16xf32>,
      %mul3A_293 = arith.mulf %get3A_287, %get3A_292 : vector<16xf32>
      %add3A_294 = arith.addf %add3A_282, %mul3A_293 : vector<16xf32>
      %get3A_295 = arith.constant 0 : i32
      %get3A_296 = arith.index_cast %get3A_295 : i32 to index
      %get3A_297 = arith.index_cast %scan3A_270 : i32 to index
      %get3A_298 = arith.constant 32 : index
      %get3A_299 = tpu.vector_load %arg11[%get3A_296, %get3A_297, %get3A_298] {strides = array<i32>} : memref<2x208x128xf32, #tpu.memory_space<vmem>>, vector<16xf32>,
      %get3A_300 = arith.constant 1 : i32
      %get3A_301 = arith.index_cast %get3A_300 : i32 to index
      %get3A_302 = arith.index_cast %scan3A_270 : i32 to index
      %get3A_303 = arith.constant 32 : index
      %get3A_304 = tpu.vector_load %arg11[%get3A_301, %get3A_302, %get3A_303] {strides = array<i32>} : memref<2x208x128xf32, #tpu.memory_space<vmem>>, vector<16xf32>,
      %mul3A_305 = arith.mulf %get3A_299, %get3A_304 : vector<16xf32>
      %add3A_306 = arith.addf %add3A_294, %mul3A_305 : vector<16xf32>
      %get3A_307 = arith.constant 0 : i32
      %get3A_308 = arith.index_cast %get3A_307 : i32 to index
      %get3A_309 = arith.index_cast %scan3A_270 : i32 to index
      %get3A_310 = arith.constant 48 : index
      %get3A_311 = tpu.vector_load %arg11[%get3A_308, %get3A_309, %get3A_310] {strides = array<i32>} : memref<2x208x128xf32, #tpu.memory_space<vmem>>, vector<16xf32>,
      %get3A_312 = arith.constant 1 : i32
      %get3A_313 = arith.index_cast %get3A_312 : i32 to index
      %get3A_314 = arith.index_cast %scan3A_270 : i32 to index
      %get3A_315 = arith.constant 48 : index
      %get3A_316 = tpu.vector_load %arg11[%get3A_313, %get3A_314, %get3A_315] {strides = array<i32>} : memref<2x208x128xf32, #tpu.memory_space<vmem>>, vector<16xf32>,
      %mul3A_317 = arith.mulf %get3A_311, %get3A_316 : vector<16xf32>
      %add3A_318 = arith.addf %add3A_306, %mul3A_317 : vector<16xf32>
      %get3A_319 = arith.constant 0 : i32
      %get3A_320 = arith.index_cast %get3A_319 : i32 to index
      %get3A_321 = arith.index_cast %scan3A_270 : i32 to index
      %get3A_322 = arith.constant 64 : index
      %get3A_323 = tpu.vector_load %arg11[%get3A_320, %get3A_321, %get3A_322] {strides = array<i32>} : memref<2x208x128xf32, #tpu.memory_space<vmem>>, vector<16xf32>,
      %get3A_324 = arith.constant 1 : i32
      %get3A_325 = arith.index_cast %get3A_324 : i32 to index
      %get3A_326 = arith.index_cast %scan3A_270 : i32 to index
      %get3A_327 = arith.constant 64 : index
      %get3A_328 = tpu.vector_load %arg11[%get3A_325, %get3A_326, %get3A_327] {strides = array<i32>} : memref<2x208x128xf32, #tpu.memory_space<vmem>>, vector<16xf32>,
      %mul3A_329 = arith.mulf %get3A_323, %get3A_328 : vector<16xf32>
      %add3A_330 = arith.addf %add3A_318, %mul3A_329 : vector<16xf32>
      %get3A_331 = arith.constant 0 : i32
      %get3A_332 = arith.index_cast %get3A_331 : i32 to index
      %get3A_333 = arith.index_cast %scan3A_270 : i32 to index
      %get3A_334 = arith.constant 80 : index
      %get3A_335 = tpu.vector_load %arg11[%get3A_332, %get3A_333, %get3A_334] {strides = array<i32>} : memref<2x208x128xf32, #tpu.memory_space<vmem>>, vector<16xf32>,
      %get3A_336 = arith.constant 1 : i32
      %get3A_337 = arith.index_cast %get3A_336 : i32 to index
      %get3A_338 = arith.index_cast %scan3A_270 : i32 to index
      %get3A_339 = arith.constant 80 : index
      %get3A_340 = tpu.vector_load %arg11[%get3A_337, %get3A_338, %get3A_339] {strides = array<i32>} : memref<2x208x128xf32, #tpu.memory_space<vmem>>, vector<16xf32>,
      %mul3A_341 = arith.mulf %get3A_335, %get3A_340 : vector<16xf32>
      %add3A_342 = arith.addf %add3A_330, %mul3A_341 : vector<16xf32>
      %get3A_343 = arith.constant 0 : i32
      %get3A_344 = arith.index_cast %get3A_343 : i32 to index
      %get3A_345 = arith.index_cast %scan3A_270 : i32 to index
      %get3A_346 = arith.constant 96 : index
      %get3A_347 = tpu.vector_load %arg11[%get3A_344, %get3A_345, %get3A_346] {strides = array<i32>} : memref<2x208x128xf32, #tpu.memory_space<vmem>>, vector<16xf32>,
      %get3A_348 = arith.constant 1 : i32
      %get3A_349 = arith.index_cast %get3A_348 : i32 to index
      %get3A_350 = arith.index_cast %scan3A_270 : i32 to index
      %get3A_351 = arith.constant 96 : index
      %get3A_352 = tpu.vector_load %arg11[%get3A_349, %get3A_350, %get3A_351] {strides = array<i32>} : memref<2x208x128xf32, #tpu.memory_space<vmem>>, vector<16xf32>,
      %mul3A_353 = arith.mulf %get3A_347, %get3A_352 : vector<16xf32>
      %add3A_354 = arith.addf %add3A_342, %mul3A_353 : vector<16xf32>
      %get3A_355 = arith.constant 0 : i32
      %get3A_356 = arith.index_cast %get3A_355 : i32 to index
      %get3A_357 = arith.index_cast %scan3A_270 : i32 to index
      %get3A_358 = arith.constant 112 : index
      %get3A_359 = tpu.vector_load %arg11[%get3A_356, %get3A_357, %get3A_358] {strides = array<i32>} : memref<2x208x128xf32, #tpu.memory_space<vmem>>, vector<16xf32>,
      %get3A_360 = arith.constant 1 : i32
      %get3A_361 = arith.index_cast %get3A_360 : i32 to index
      %get3A_362 = arith.index_cast %scan3A_270 : i32 to index
      %get3A_363 = arith.constant 112 : index
      %get3A_364 = tpu.vector_load %arg11[%get3A_361, %get3A_362, %get3A_363] {strides = array<i32>} : memref<2x208x128xf32, #tpu.memory_space<vmem>>, vector<16xf32>,
      %mul3A_365 = arith.mulf %get3A_359, %get3A_364 : vector<16xf32>
      %add3A_366 = arith.addf %add3A_354, %mul3A_365 : vector<16xf32>
      %mul3A_367 = arith.constant 16 : i32
      %mul3A_368 = arith.muli %scan3A_270, %mul3A_367 : i32
      %swap3A = arith.index_cast %mul3A_368 : i32 to index
      %swap3A_369 = tpu.vector_load %arg16[%swap3A] {strides = array<i32>} : memref<2048xf32, #tpu.memory_space<vmem>>, vector<16xf32>,
      tpu.vector_store %arg16[%swap3A], %add3A_366 {strides = array<i32>} : memref<2048xf32, #tpu.memory_space<vmem>>, vector<16xf32>,
    }
    %scan3A_145 = arith.constant 128 : i32
    %add3A_146 = arith.constant 256 : i32
    %add3A_147 = arith.addi %mul3A_2, %add3A_146 : i32
    %mul3A_148 = arith.constant 16 : i32
    %mul3A_149 = arith.muli %add3A_147, %mul3A_148 : i32
    "tpu.region"() ({
      %run_scoped3A = tpu.sem_alloc : memref<!tpu.dma_semaphore, #tpu.memory_space<semaphore_mem>>
      %dma_start3A_270 = tpu.memref_slice %arg6[%mul3A_149] : memref<262144xf32, #tpu.memory_space<hbm>> -> memref<2048xf32, #tpu.memory_space<hbm>>
      %dma_start3A_271 = tpu.memref_slice %arg6[%mul3A_149] : memref<262144xf32, #tpu.memory_space<hbm>> -> memref<2048xf32, #tpu.memory_space<hbm>>
      tpu.enqueue_dma source(%arg16 : memref<2048xf32, #tpu.memory_space<vmem>>) target(%dma_start3A_271 : memref<2048xf32, #tpu.memory_space<hbm>>) target_semaphore(%run_scoped3A : memref<!tpu.dma_semaphore, #tpu.memory_space<semaphore_mem>>)
      %dma_wait3A_272 = tpu.memref_slice %arg6[%mul3A_149] : memref<262144xf32, #tpu.memory_space<hbm>> -> memref<2048xf32, #tpu.memory_space<hbm>>
      %dma_wait3A_273 = tpu.memref_slice %arg6[%mul3A_149] : memref<262144xf32, #tpu.memory_space<hbm>> -> memref<2048xf32, #tpu.memory_space<hbm>>
      tpu.wait_dma2 semaphore(%run_scoped3A : memref<!tpu.dma_semaphore, #tpu.memory_space<semaphore_mem>>) src(%arg16 : memref<2048xf32, #tpu.memory_space<vmem>>) dst(%dma_wait3A_273 : memref<2048xf32, #tpu.memory_space<hbm>>)
      tpu.yield
    }) : () -> ()
    %dma_start3A_150 = arith.constant 0 : i32
    %dma_start3A_151 = arith.constant 0 : i32
    %dma_start3A_152 = arith.constant 0 : i32
    %dma_start3A_153 = tpu.memref_slice %arg11[%dma_start3A_150, %dma_start3A_151, %dma_start3A_152] : memref<2x208x128xf32, #tpu.memory_space<vmem>> -> memref<1x128x128xf32, #tpu.memory_space<vmem>>
    %dma_start3A_154 = tpu.memref_squeeze %dma_start3A_153 : memref<1x128x128xf32, #tpu.memory_space<vmem>> -> memref<128x128xf32, #tpu.memory_space<vmem>>
    %dma_start3A_155 = arith.constant 384 : i32
    %dma_start3A_156 = tpu.memref_slice %arg8[%dma_start3A_155] : memref<512xi32, #tpu.memory_space<vmem>> -> memref<128xi32, #tpu.memory_space<vmem>>
    %dma_start3A_157 = arith.constant 0 : i32
    %dma_start3A_158 = arith.constant 0 : i32
    %dma_start3A_159 = tpu.memref_slice %arg2[%dma_start3A_157, %dma_start3A_158] : memref<100000x128xf32, #tpu.memory_space<hbm>> -> memref<100000x128xf32, #tpu.memory_space<hbm>>
    tpu.enqueue_indirect_dma source(%dma_start3A_159 : memref<100000x128xf32, #tpu.memory_space<hbm>>) target(%dma_start3A_154 : memref<128x128xf32, #tpu.memory_space<vmem>>) offsets(%dma_start3A_156 : memref<128xi32, #tpu.memory_space<vmem>>) semaphore(%arg17 : memref<!tpu.dma_semaphore, #tpu.memory_space<semaphore_mem>>)
    %dma_start3A_160 = arith.constant 1 : i32
    %dma_start3A_161 = arith.constant 0 : i32
    %dma_start3A_162 = arith.constant 0 : i32
    %dma_start3A_163 = tpu.memref_slice %arg11[%dma_start3A_160, %dma_start3A_161, %dma_start3A_162] : memref<2x208x128xf32, #tpu.memory_space<vmem>> -> memref<1x128x128xf32, #tpu.memory_space<vmem>>
    %dma_start3A_164 = tpu.memref_squeeze %dma_start3A_163 : memref<1x128x128xf32, #tpu.memory_space<vmem>> -> memref<128x128xf32, #tpu.memory_space<vmem>>
    %dma_start3A_165 = arith.constant 384 : i32
    %dma_start3A_166 = tpu.memref_slice %arg9[%dma_start3A_165] : memref<512xi32, #tpu.memory_space<vmem>> -> memref<128xi32, #tpu.memory_space<vmem>>
    %dma_start3A_167 = arith.constant 0 : i32
    %dma_start3A_168 = arith.constant 0 : i32
    %dma_start3A_169 = tpu.memref_slice %arg2[%dma_start3A_167, %dma_start3A_168] : memref<100000x128xf32, #tpu.memory_space<hbm>> -> memref<100000x128xf32, #tpu.memory_space<hbm>>
    tpu.enqueue_indirect_dma source(%dma_start3A_169 : memref<100000x128xf32, #tpu.memory_space<hbm>>) target(%dma_start3A_164 : memref<128x128xf32, #tpu.memory_space<vmem>>) offsets(%dma_start3A_166 : memref<128xi32, #tpu.memory_space<vmem>>) semaphore(%arg18 : memref<!tpu.dma_semaphore, #tpu.memory_space<semaphore_mem>>)
    %dma_wait3A_170 = arith.constant 0 : i32
    %dma_wait3A_171 = arith.constant 0 : i32
    %dma_wait3A_172 = arith.constant 0 : i32
    %dma_wait3A_173 = tpu.memref_slice %arg11[%dma_wait3A_170, %dma_wait3A_171, %dma_wait3A_172] : memref<2x208x128xf32, #tpu.memory_space<vmem>> -> memref<1x128x128xf32, #tpu.memory_space<vmem>>
    %dma_wait3A_174 = tpu.memref_squeeze %dma_wait3A_173 : memref<1x128x128xf32, #tpu.memory_space<vmem>> -> memref<128x128xf32, #tpu.memory_space<vmem>>
    %dma_wait3A_175 = arith.constant 384 : i32
    %dma_wait3A_176 = tpu.memref_slice %arg8[%dma_wait3A_175] : memref<512xi32, #tpu.memory_space<vmem>> -> memref<128xi32, #tpu.memory_space<vmem>>
    %dma_wait3A_177 = arith.constant 0 : i32
    %dma_wait3A_178 = arith.constant 0 : i32
    %dma_wait3A_179 = tpu.memref_slice %arg2[%dma_wait3A_177, %dma_wait3A_178] : memref<100000x128xf32, #tpu.memory_space<hbm>> -> memref<100000x128xf32, #tpu.memory_space<hbm>>
    tpu.wait_indirect_dma semaphore(%arg17 : memref<!tpu.dma_semaphore, #tpu.memory_space<semaphore_mem>>) src(%dma_wait3A_179 : memref<100000x128xf32, #tpu.memory_space<hbm>>) dst(%dma_wait3A_174 : memref<128x128xf32, #tpu.memory_space<vmem>>)
    %dma_wait3A_180 = arith.constant 1 : i32
    %dma_wait3A_181 = arith.constant 0 : i32
    %dma_wait3A_182 = arith.constant 0 : i32
    %dma_wait3A_183 = tpu.memref_slice %arg11[%dma_wait3A_180, %dma_wait3A_181, %dma_wait3A_182] : memref<2x208x128xf32, #tpu.memory_space<vmem>> -> memref<1x128x128xf32, #tpu.memory_space<vmem>>
    %dma_wait3A_184 = tpu.memref_squeeze %dma_wait3A_183 : memref<1x128x128xf32, #tpu.memory_space<vmem>> -> memref<128x128xf32, #tpu.memory_space<vmem>>
    %dma_wait3A_185 = arith.constant 384 : i32
    %dma_wait3A_186 = tpu.memref_slice %arg9[%dma_wait3A_185] : memref<512xi32, #tpu.memory_space<vmem>> -> memref<128xi32, #tpu.memory_space<vmem>>
    %dma_wait3A_187 = arith.constant 0 : i32
    %dma_wait3A_188 = arith.constant 0 : i32
    %dma_wait3A_189 = tpu.memref_slice %arg2[%dma_wait3A_187, %dma_wait3A_188] : memref<100000x128xf32, #tpu.memory_space<hbm>> -> memref<100000x128xf32, #tpu.memory_space<hbm>>
    tpu.wait_indirect_dma semaphore(%arg18 : memref<!tpu.dma_semaphore, #tpu.memory_space<semaphore_mem>>) src(%dma_wait3A_189 : memref<100000x128xf32, #tpu.memory_space<hbm>>) dst(%dma_wait3A_184 : memref<128x128xf32, #tpu.memory_space<vmem>>)
    %scan3A_190 = arith.constant 0 : i32
    %scan3A_191 = arith.constant 0 : i32
    %scan3A_192 = arith.constant 128 : i32
    %scan3A_193 = arith.addi %scan3A_191, %scan3A_192 : i32
    %scan3A_194 = arith.constant 1 : i32
    scf.for %scan3A_270 = %scan3A_191 to %scan3A_193 step %scan3A_194  : i32 {
      %broadcast_in_dim3A = arith.constant 0.000000e+00 : f32
      %broadcast_in_dim3A_271 = vector.broadcast %broadcast_in_dim3A : f32 to vector<16xf32>
      %get3A = arith.constant 0 : i32
      %get3A_272 = arith.index_cast %get3A : i32 to index
      %get3A_273 = arith.index_cast %scan3A_270 : i32 to index
      %get3A_274 = arith.constant 0 : index
      %get3A_275 = tpu.vector_load %arg11[%get3A_272, %get3A_273, %get3A_274] {strides = array<i32>} : memref<2x208x128xf32, #tpu.memory_space<vmem>>, vector<16xf32>,
      %get3A_276 = arith.constant 1 : i32
      %get3A_277 = arith.index_cast %get3A_276 : i32 to index
      %get3A_278 = arith.index_cast %scan3A_270 : i32 to index
      %get3A_279 = arith.constant 0 : index
      %get3A_280 = tpu.vector_load %arg11[%get3A_277, %get3A_278, %get3A_279] {strides = array<i32>} : memref<2x208x128xf32, #tpu.memory_space<vmem>>, vector<16xf32>,
      %mul3A_281 = arith.mulf %get3A_275, %get3A_280 : vector<16xf32>
      %add3A_282 = arith.addf %broadcast_in_dim3A_271, %mul3A_281 : vector<16xf32>
      %get3A_283 = arith.constant 0 : i32
      %get3A_284 = arith.index_cast %get3A_283 : i32 to index
      %get3A_285 = arith.index_cast %scan3A_270 : i32 to index
      %get3A_286 = arith.constant 16 : index
      %get3A_287 = tpu.vector_load %arg11[%get3A_284, %get3A_285, %get3A_286] {strides = array<i32>} : memref<2x208x128xf32, #tpu.memory_space<vmem>>, vector<16xf32>,
      %get3A_288 = arith.constant 1 : i32
      %get3A_289 = arith.index_cast %get3A_288 : i32 to index
      %get3A_290 = arith.index_cast %scan3A_270 : i32 to index
      %get3A_291 = arith.constant 16 : index
      %get3A_292 = tpu.vector_load %arg11[%get3A_289, %get3A_290, %get3A_291] {strides = array<i32>} : memref<2x208x128xf32, #tpu.memory_space<vmem>>, vector<16xf32>,
      %mul3A_293 = arith.mulf %get3A_287, %get3A_292 : vector<16xf32>
      %add3A_294 = arith.addf %add3A_282, %mul3A_293 : vector<16xf32>
      %get3A_295 = arith.constant 0 : i32
      %get3A_296 = arith.index_cast %get3A_295 : i32 to index
      %get3A_297 = arith.index_cast %scan3A_270 : i32 to index
      %get3A_298 = arith.constant 32 : index
      %get3A_299 = tpu.vector_load %arg11[%get3A_296, %get3A_297, %get3A_298] {strides = array<i32>} : memref<2x208x128xf32, #tpu.memory_space<vmem>>, vector<16xf32>,
      %get3A_300 = arith.constant 1 : i32
      %get3A_301 = arith.index_cast %get3A_300 : i32 to index
      %get3A_302 = arith.index_cast %scan3A_270 : i32 to index
      %get3A_303 = arith.constant 32 : index
      %get3A_304 = tpu.vector_load %arg11[%get3A_301, %get3A_302, %get3A_303] {strides = array<i32>} : memref<2x208x128xf32, #tpu.memory_space<vmem>>, vector<16xf32>,
      %mul3A_305 = arith.mulf %get3A_299, %get3A_304 : vector<16xf32>
      %add3A_306 = arith.addf %add3A_294, %mul3A_305 : vector<16xf32>
      %get3A_307 = arith.constant 0 : i32
      %get3A_308 = arith.index_cast %get3A_307 : i32 to index
      %get3A_309 = arith.index_cast %scan3A_270 : i32 to index
      %get3A_310 = arith.constant 48 : index
      %get3A_311 = tpu.vector_load %arg11[%get3A_308, %get3A_309, %get3A_310] {strides = array<i32>} : memref<2x208x128xf32, #tpu.memory_space<vmem>>, vector<16xf32>,
      %get3A_312 = arith.constant 1 : i32
      %get3A_313 = arith.index_cast %get3A_312 : i32 to index
      %get3A_314 = arith.index_cast %scan3A_270 : i32 to index
      %get3A_315 = arith.constant 48 : index
      %get3A_316 = tpu.vector_load %arg11[%get3A_313, %get3A_314, %get3A_315] {strides = array<i32>} : memref<2x208x128xf32, #tpu.memory_space<vmem>>, vector<16xf32>,
      %mul3A_317 = arith.mulf %get3A_311, %get3A_316 : vector<16xf32>
      %add3A_318 = arith.addf %add3A_306, %mul3A_317 : vector<16xf32>
      %get3A_319 = arith.constant 0 : i32
      %get3A_320 = arith.index_cast %get3A_319 : i32 to index
      %get3A_321 = arith.index_cast %scan3A_270 : i32 to index
      %get3A_322 = arith.constant 64 : index
      %get3A_323 = tpu.vector_load %arg11[%get3A_320, %get3A_321, %get3A_322] {strides = array<i32>} : memref<2x208x128xf32, #tpu.memory_space<vmem>>, vector<16xf32>,
      %get3A_324 = arith.constant 1 : i32
      %get3A_325 = arith.index_cast %get3A_324 : i32 to index
      %get3A_326 = arith.index_cast %scan3A_270 : i32 to index
      %get3A_327 = arith.constant 64 : index
      %get3A_328 = tpu.vector_load %arg11[%get3A_325, %get3A_326, %get3A_327] {strides = array<i32>} : memref<2x208x128xf32, #tpu.memory_space<vmem>>, vector<16xf32>,
      %mul3A_329 = arith.mulf %get3A_323, %get3A_328 : vector<16xf32>
      %add3A_330 = arith.addf %add3A_318, %mul3A_329 : vector<16xf32>
      %get3A_331 = arith.constant 0 : i32
      %get3A_332 = arith.index_cast %get3A_331 : i32 to index
      %get3A_333 = arith.index_cast %scan3A_270 : i32 to index
      %get3A_334 = arith.constant 80 : index
      %get3A_335 = tpu.vector_load %arg11[%get3A_332, %get3A_333, %get3A_334] {strides = array<i32>} : memref<2x208x128xf32, #tpu.memory_space<vmem>>, vector<16xf32>,
      %get3A_336 = arith.constant 1 : i32
      %get3A_337 = arith.index_cast %get3A_336 : i32 to index
      %get3A_338 = arith.index_cast %scan3A_270 : i32 to index
      %get3A_339 = arith.constant 80 : index
      %get3A_340 = tpu.vector_load %arg11[%get3A_337, %get3A_338, %get3A_339] {strides = array<i32>} : memref<2x208x128xf32, #tpu.memory_space<vmem>>, vector<16xf32>,
      %mul3A_341 = arith.mulf %get3A_335, %get3A_340 : vector<16xf32>
      %add3A_342 = arith.addf %add3A_330, %mul3A_341 : vector<16xf32>
      %get3A_343 = arith.constant 0 : i32
      %get3A_344 = arith.index_cast %get3A_343 : i32 to index
      %get3A_345 = arith.index_cast %scan3A_270 : i32 to index
      %get3A_346 = arith.constant 96 : index
      %get3A_347 = tpu.vector_load %arg11[%get3A_344, %get3A_345, %get3A_346] {strides = array<i32>} : memref<2x208x128xf32, #tpu.memory_space<vmem>>, vector<16xf32>,
      %get3A_348 = arith.constant 1 : i32
      %get3A_349 = arith.index_cast %get3A_348 : i32 to index
      %get3A_350 = arith.index_cast %scan3A_270 : i32 to index
      %get3A_351 = arith.constant 96 : index
      %get3A_352 = tpu.vector_load %arg11[%get3A_349, %get3A_350, %get3A_351] {strides = array<i32>} : memref<2x208x128xf32, #tpu.memory_space<vmem>>, vector<16xf32>,
      %mul3A_353 = arith.mulf %get3A_347, %get3A_352 : vector<16xf32>
      %add3A_354 = arith.addf %add3A_342, %mul3A_353 : vector<16xf32>
      %get3A_355 = arith.constant 0 : i32
      %get3A_356 = arith.index_cast %get3A_355 : i32 to index
      %get3A_357 = arith.index_cast %scan3A_270 : i32 to index
      %get3A_358 = arith.constant 112 : index
      %get3A_359 = tpu.vector_load %arg11[%get3A_356, %get3A_357, %get3A_358] {strides = array<i32>} : memref<2x208x128xf32, #tpu.memory_space<vmem>>, vector<16xf32>,
      %get3A_360 = arith.constant 1 : i32
      %get3A_361 = arith.index_cast %get3A_360 : i32 to index
      %get3A_362 = arith.index_cast %scan3A_270 : i32 to index
      %get3A_363 = arith.constant 112 : index
      %get3A_364 = tpu.vector_load %arg11[%get3A_361, %get3A_362, %get3A_363] {strides = array<i32>} : memref<2x208x128xf32, #tpu.memory_space<vmem>>, vector<16xf32>,
      %mul3A_365 = arith.mulf %get3A_359, %get3A_364 : vector<16xf32>
      %add3A_366 = arith.addf %add3A_354, %mul3A_365 : vector<16xf32>
      %mul3A_367 = arith.constant 16 : i32
      %mul3A_368 = arith.muli %scan3A_270, %mul3A_367 : i32
      %swap3A = arith.index_cast %mul3A_368 : i32 to index
      %swap3A_369 = tpu.vector_load %arg16[%swap3A] {strides = array<i32>} : memref<2048xf32, #tpu.memory_space<vmem>>, vector<16xf32>,
      tpu.vector_store %arg16[%swap3A], %add3A_366 {strides = array<i32>} : memref<2048xf32, #tpu.memory_space<vmem>>, vector<16xf32>,
    }
    %scan3A_195 = arith.constant 128 : i32
    %add3A_196 = arith.constant 384 : i32
    %add3A_197 = arith.addi %mul3A_2, %add3A_196 : i32
    %mul3A_198 = arith.constant 16 : i32
    %mul3A_199 = arith.muli %add3A_197, %mul3A_198 : i32
    "tpu.region"() ({
      %run_scoped3A = tpu.sem_alloc : memref<!tpu.dma_semaphore, #tpu.memory_space<semaphore_mem>>
      %dma_start3A_270 = tpu.memref_slice %arg6[%mul3A_199] : memref<262144xf32, #tpu.memory_space<hbm>> -> memref<2048xf32, #tpu.memory_space<hbm>>
      %dma_start3A_271 = tpu.memref_slice %arg6[%mul3A_199] : memref<262144xf32, #tpu.memory_space<hbm>> -> memref<2048xf32, #tpu.memory_space<hbm>>
      tpu.enqueue_dma source(%arg16 : memref<2048xf32, #tpu.memory_space<vmem>>) target(%dma_start3A_271 : memref<2048xf32, #tpu.memory_space<hbm>>) target_semaphore(%run_scoped3A : memref<!tpu.dma_semaphore, #tpu.memory_space<semaphore_mem>>)
      %dma_wait3A_272 = tpu.memref_slice %arg6[%mul3A_199] : memref<262144xf32, #tpu.memory_space<hbm>> -> memref<2048xf32, #tpu.memory_space<hbm>>
      %dma_wait3A_273 = tpu.memref_slice %arg6[%mul3A_199] : memref<262144xf32, #tpu.memory_space<hbm>> -> memref<2048xf32, #tpu.memory_space<hbm>>
      tpu.wait_dma2 semaphore(%run_scoped3A : memref<!tpu.dma_semaphore, #tpu.memory_space<semaphore_mem>>) src(%arg16 : memref<2048xf32, #tpu.memory_space<vmem>>) dst(%dma_wait3A_273 : memref<2048xf32, #tpu.memory_space<hbm>>)
      tpu.yield
    }) : () -> ()
    %dma_start3A_200 = arith.constant 0 : i32
    %dma_start3A_201 = arith.constant 0 : i32
    %dma_start3A_202 = tpu.memref_slice %arg10[%dma_start3A_200, %dma_start3A_201] : memref<512x128xf32, #tpu.memory_space<vmem>> -> memref<128x128xf32, #tpu.memory_space<vmem>>
    %dma_start3A_203 = arith.constant 0 : i32
    %dma_start3A_204 = tpu.memref_slice %arg8[%dma_start3A_203] : memref<512xi32, #tpu.memory_space<vmem>> -> memref<128xi32, #tpu.memory_space<vmem>>
    %dma_start3A_205 = arith.constant 0 : i32
    %dma_start3A_206 = arith.constant 0 : i32
    %dma_start3A_207 = tpu.memref_slice %arg2[%dma_start3A_205, %dma_start3A_206] : memref<100000x128xf32, #tpu.memory_space<hbm>> -> memref<100000x128xf32, #tpu.memory_space<hbm>>
    tpu.enqueue_indirect_dma source(%dma_start3A_207 : memref<100000x128xf32, #tpu.memory_space<hbm>>) target(%dma_start3A_202 : memref<128x128xf32, #tpu.memory_space<vmem>>) offsets(%dma_start3A_204 : memref<128xi32, #tpu.memory_space<vmem>>) semaphore(%arg17 : memref<!tpu.dma_semaphore, #tpu.memory_space<semaphore_mem>>)
    %dma_wait3A_208 = arith.constant 0 : i32
    %dma_wait3A_209 = arith.constant 0 : i32
    %dma_wait3A_210 = tpu.memref_slice %arg10[%dma_wait3A_208, %dma_wait3A_209] : memref<512x128xf32, #tpu.memory_space<vmem>> -> memref<128x128xf32, #tpu.memory_space<vmem>>
    %dma_wait3A_211 = arith.constant 0 : i32
    %dma_wait3A_212 = tpu.memref_slice %arg8[%dma_wait3A_211] : memref<512xi32, #tpu.memory_space<vmem>> -> memref<128xi32, #tpu.memory_space<vmem>>
    %dma_wait3A_213 = arith.constant 0 : i32
    %dma_wait3A_214 = arith.constant 0 : i32
    %dma_wait3A_215 = tpu.memref_slice %arg2[%dma_wait3A_213, %dma_wait3A_214] : memref<100000x128xf32, #tpu.memory_space<hbm>> -> memref<100000x128xf32, #tpu.memory_space<hbm>>
    tpu.wait_indirect_dma semaphore(%arg17 : memref<!tpu.dma_semaphore, #tpu.memory_space<semaphore_mem>>) src(%dma_wait3A_215 : memref<100000x128xf32, #tpu.memory_space<hbm>>) dst(%dma_wait3A_210 : memref<128x128xf32, #tpu.memory_space<vmem>>)
    %dma_start3A_216 = arith.constant 128 : i32
    %dma_start3A_217 = arith.constant 0 : i32
    %dma_start3A_218 = tpu.memref_slice %arg10[%dma_start3A_216, %dma_start3A_217] : memref<512x128xf32, #tpu.memory_space<vmem>> -> memref<128x128xf32, #tpu.memory_space<vmem>>
    %dma_start3A_219 = arith.constant 128 : i32
    %dma_start3A_220 = tpu.memref_slice %arg8[%dma_start3A_219] : memref<512xi32, #tpu.memory_space<vmem>> -> memref<128xi32, #tpu.memory_space<vmem>>
    %dma_start3A_221 = arith.constant 0 : i32
    %dma_start3A_222 = arith.constant 0 : i32
    %dma_start3A_223 = tpu.memref_slice %arg2[%dma_start3A_221, %dma_start3A_222] : memref<100000x128xf32, #tpu.memory_space<hbm>> -> memref<100000x128xf32, #tpu.memory_space<hbm>>
    tpu.enqueue_indirect_dma source(%dma_start3A_223 : memref<100000x128xf32, #tpu.memory_space<hbm>>) target(%dma_start3A_218 : memref<128x128xf32, #tpu.memory_space<vmem>>) offsets(%dma_start3A_220 : memref<128xi32, #tpu.memory_space<vmem>>) semaphore(%arg17 : memref<!tpu.dma_semaphore, #tpu.memory_space<semaphore_mem>>)
    %dma_wait3A_224 = arith.constant 128 : i32
    %dma_wait3A_225 = arith.constant 0 : i32
    %dma_wait3A_226 = tpu.memref_slice %arg10[%dma_wait3A_224, %dma_wait3A_225] : memref<512x128xf32, #tpu.memory_space<vmem>> -> memref<128x128xf32, #tpu.memory_space<vmem>>
    %dma_wait3A_227 = arith.constant 128 : i32
    %dma_wait3A_228 = tpu.memref_slice %arg8[%dma_wait3A_227] : memref<512xi32, #tpu.memory_space<vmem>> -> memref<128xi32, #tpu.memory_space<vmem>>
    %dma_wait3A_229 = arith.constant 0 : i32
    %dma_wait3A_230 = arith.constant 0 : i32
    %dma_wait3A_231 = tpu.memref_slice %arg2[%dma_wait3A_229, %dma_wait3A_230] : memref<100000x128xf32, #tpu.memory_space<hbm>> -> memref<100000x128xf32, #tpu.memory_space<hbm>>
    tpu.wait_indirect_dma semaphore(%arg17 : memref<!tpu.dma_semaphore, #tpu.memory_space<semaphore_mem>>) src(%dma_wait3A_231 : memref<100000x128xf32, #tpu.memory_space<hbm>>) dst(%dma_wait3A_226 : memref<128x128xf32, #tpu.memory_space<vmem>>)
    %dma_start3A_232 = arith.constant 256 : i32
    %dma_start3A_233 = arith.constant 0 : i32
    %dma_start3A_234 = tpu.memref_slice %arg10[%dma_start3A_232, %dma_start3A_233] : memref<512x128xf32, #tpu.memory_space<vmem>> -> memref<128x128xf32, #tpu.memory_space<vmem>>
    %dma_start3A_235 = arith.constant 256 : i32
    %dma_start3A_236 = tpu.memref_slice %arg8[%dma_start3A_235] : memref<512xi32, #tpu.memory_space<vmem>> -> memref<128xi32, #tpu.memory_space<vmem>>
    %dma_start3A_237 = arith.constant 0 : i32
    %dma_start3A_238 = arith.constant 0 : i32
    %dma_start3A_239 = tpu.memref_slice %arg2[%dma_start3A_237, %dma_start3A_238] : memref<100000x128xf32, #tpu.memory_space<hbm>> -> memref<100000x128xf32, #tpu.memory_space<hbm>>
    tpu.enqueue_indirect_dma source(%dma_start3A_239 : memref<100000x128xf32, #tpu.memory_space<hbm>>) target(%dma_start3A_234 : memref<128x128xf32, #tpu.memory_space<vmem>>) offsets(%dma_start3A_236 : memref<128xi32, #tpu.memory_space<vmem>>) semaphore(%arg17 : memref<!tpu.dma_semaphore, #tpu.memory_space<semaphore_mem>>)
    %dma_wait3A_240 = arith.constant 256 : i32
    %dma_wait3A_241 = arith.constant 0 : i32
    %dma_wait3A_242 = tpu.memref_slice %arg10[%dma_wait3A_240, %dma_wait3A_241] : memref<512x128xf32, #tpu.memory_space<vmem>> -> memref<128x128xf32, #tpu.memory_space<vmem>>
    %dma_wait3A_243 = arith.constant 256 : i32
    %dma_wait3A_244 = tpu.memref_slice %arg8[%dma_wait3A_243] : memref<512xi32, #tpu.memory_space<vmem>> -> memref<128xi32, #tpu.memory_space<vmem>>
    %dma_wait3A_245 = arith.constant 0 : i32
    %dma_wait3A_246 = arith.constant 0 : i32
    %dma_wait3A_247 = tpu.memref_slice %arg2[%dma_wait3A_245, %dma_wait3A_246] : memref<100000x128xf32, #tpu.memory_space<hbm>> -> memref<100000x128xf32, #tpu.memory_space<hbm>>
    tpu.wait_indirect_dma semaphore(%arg17 : memref<!tpu.dma_semaphore, #tpu.memory_space<semaphore_mem>>) src(%dma_wait3A_247 : memref<100000x128xf32, #tpu.memory_space<hbm>>) dst(%dma_wait3A_242 : memref<128x128xf32, #tpu.memory_space<vmem>>)
    %dma_start3A_248 = arith.constant 384 : i32
    %dma_start3A_249 = arith.constant 0 : i32
    %dma_start3A_250 = tpu.memref_slice %arg10[%dma_start3A_248, %dma_start3A_249] : memref<512x128xf32, #tpu.memory_space<vmem>> -> memref<128x128xf32, #tpu.memory_space<vmem>>
    %dma_start3A_251 = arith.constant 384 : i32
    %dma_start3A_252 = tpu.memref_slice %arg8[%dma_start3A_251] : memref<512xi32, #tpu.memory_space<vmem>> -> memref<128xi32, #tpu.memory_space<vmem>>
    %dma_start3A_253 = arith.constant 0 : i32
    %dma_start3A_254 = arith.constant 0 : i32
    %dma_start3A_255 = tpu.memref_slice %arg2[%dma_start3A_253, %dma_start3A_254] : memref<100000x128xf32, #tpu.memory_space<hbm>> -> memref<100000x128xf32, #tpu.memory_space<hbm>>
    tpu.enqueue_indirect_dma source(%dma_start3A_255 : memref<100000x128xf32, #tpu.memory_space<hbm>>) target(%dma_start3A_250 : memref<128x128xf32, #tpu.memory_space<vmem>>) offsets(%dma_start3A_252 : memref<128xi32, #tpu.memory_space<vmem>>) semaphore(%arg17 : memref<!tpu.dma_semaphore, #tpu.memory_space<semaphore_mem>>)
    %dma_wait3A_256 = arith.constant 384 : i32
    %dma_wait3A_257 = arith.constant 0 : i32
    %dma_wait3A_258 = tpu.memref_slice %arg10[%dma_wait3A_256, %dma_wait3A_257] : memref<512x128xf32, #tpu.memory_space<vmem>> -> memref<128x128xf32, #tpu.memory_space<vmem>>
    %dma_wait3A_259 = arith.constant 384 : i32
    %dma_wait3A_260 = tpu.memref_slice %arg8[%dma_wait3A_259] : memref<512xi32, #tpu.memory_space<vmem>> -> memref<128xi32, #tpu.memory_space<vmem>>
    %dma_wait3A_261 = arith.constant 0 : i32
    %dma_wait3A_262 = arith.constant 0 : i32
    %dma_wait3A_263 = tpu.memref_slice %arg2[%dma_wait3A_261, %dma_wait3A_262] : memref<100000x128xf32, #tpu.memory_space<hbm>> -> memref<100000x128xf32, #tpu.memory_space<hbm>>
    tpu.wait_indirect_dma semaphore(%arg17 : memref<!tpu.dma_semaphore, #tpu.memory_space<semaphore_mem>>) src(%dma_wait3A_263 : memref<100000x128xf32, #tpu.memory_space<hbm>>) dst(%dma_wait3A_258 : memref<128x128xf32, #tpu.memory_space<vmem>>)
    %scan3A_264 = arith.constant 0 : i32
    %scan3A_265 = arith.constant 0 : i32
    %scan3A_266 = arith.constant 512 : i32
    %scan3A_267 = arith.addi %scan3A_265, %scan3A_266 : i32
    %scan3A_268 = arith.constant 1 : i32
    scf.for %scan3A_270 = %scan3A_265 to %scan3A_267 step %scan3A_268  : i32 {
      %add3A_271 = arith.addi %mul3A_2, %scan3A_270 : i32
      %mul3A_272 = arith.constant 200 : i32
      %mul3A_273 = arith.muli %add3A_271, %mul3A_272 : i32
      "tpu.region"() ({
        %run_scoped3A = tpu.sem_alloc : memref<!tpu.dma_semaphore, #tpu.memory_space<semaphore_mem>>
        %dma_start3A_345 = arith.constant 0 : i32
        %dma_start3A_346 = tpu.memref_slice %arg12[%dma_start3A_345] : memref<208xi32, #tpu.memory_space<vmem>> -> memref<200xi32, #tpu.memory_space<vmem>>
        %dma_start3A_347 = tpu.memref_slice %arg5[%mul3A_273] : memref<3276800xi32, #tpu.memory_space<hbm>> -> memref<200xi32, #tpu.memory_space<hbm>>
        %dma_start3A_348 = arith.constant 0 : i32
        %dma_start3A_349 = tpu.memref_slice %arg12[%dma_start3A_348] : memref<208xi32, #tpu.memory_space<vmem>> -> memref<200xi32, #tpu.memory_space<vmem>>
        %dma_start3A_350 = tpu.memref_slice %arg5[%mul3A_273] : memref<3276800xi32, #tpu.memory_space<hbm>> -> memref<200xi32, #tpu.memory_space<hbm>>
        tpu.enqueue_dma source(%dma_start3A_350 : memref<200xi32, #tpu.memory_space<hbm>>) target(%dma_start3A_349 : memref<200xi32, #tpu.memory_space<vmem>>) target_semaphore(%run_scoped3A : memref<!tpu.dma_semaphore, #tpu.memory_space<semaphore_mem>>)
        %dma_wait3A_351 = arith.constant 0 : i32
        %dma_wait3A_352 = tpu.memref_slice %arg12[%dma_wait3A_351] : memref<208xi32, #tpu.memory_space<vmem>> -> memref<200xi32, #tpu.memory_space<vmem>>
        %dma_wait3A_353 = tpu.memref_slice %arg5[%mul3A_273] : memref<3276800xi32, #tpu.memory_space<hbm>> -> memref<200xi32, #tpu.memory_space<hbm>>
        %dma_wait3A_354 = arith.constant 0 : i32
        %dma_wait3A_355 = tpu.memref_slice %arg12[%dma_wait3A_354] : memref<208xi32, #tpu.memory_space<vmem>> -> memref<200xi32, #tpu.memory_space<vmem>>
        %dma_wait3A_356 = tpu.memref_slice %arg5[%mul3A_273] : memref<3276800xi32, #tpu.memory_space<hbm>> -> memref<200xi32, #tpu.memory_space<hbm>>
        tpu.wait_dma2 semaphore(%run_scoped3A : memref<!tpu.dma_semaphore, #tpu.memory_space<semaphore_mem>>) src(%dma_wait3A_356 : memref<200xi32, #tpu.memory_space<hbm>>) dst(%dma_wait3A_355 : memref<200xi32, #tpu.memory_space<vmem>>)
        tpu.yield
      }) : () -> ()
      %dma_start3A_274 = arith.constant 0 : i32
      %dma_start3A_275 = arith.constant 0 : i32
      %dma_start3A_276 = arith.constant 0 : i32
      %dma_start3A_277 = tpu.memref_slice %arg11[%dma_start3A_274, %dma_start3A_275, %dma_start3A_276] : memref<2x208x128xf32, #tpu.memory_space<vmem>> -> memref<1x128x128xf32, #tpu.memory_space<vmem>>
      %dma_start3A_278 = tpu.memref_squeeze %dma_start3A_277 : memref<1x128x128xf32, #tpu.memory_space<vmem>> -> memref<128x128xf32, #tpu.memory_space<vmem>>
      %dma_start3A_279 = arith.constant 0 : i32
      %dma_start3A_280 = tpu.memref_slice %arg12[%dma_start3A_279] : memref<208xi32, #tpu.memory_space<vmem>> -> memref<128xi32, #tpu.memory_space<vmem>>
      %dma_start3A_281 = arith.constant 0 : i32
      %dma_start3A_282 = arith.constant 0 : i32
      %dma_start3A_283 = tpu.memref_slice %arg2[%dma_start3A_281, %dma_start3A_282] : memref<100000x128xf32, #tpu.memory_space<hbm>> -> memref<100000x128xf32, #tpu.memory_space<hbm>>
      tpu.enqueue_indirect_dma source(%dma_start3A_283 : memref<100000x128xf32, #tpu.memory_space<hbm>>) target(%dma_start3A_278 : memref<128x128xf32, #tpu.memory_space<vmem>>) offsets(%dma_start3A_280 : memref<128xi32, #tpu.memory_space<vmem>>) semaphore(%arg17 : memref<!tpu.dma_semaphore, #tpu.memory_space<semaphore_mem>>)
      %dma_start3A_284 = arith.constant 0 : i32
      %dma_start3A_285 = arith.constant 128 : i32
      %dma_start3A_286 = arith.constant 0 : i32
      %dma_start3A_287 = tpu.memref_slice %arg11[%dma_start3A_284, %dma_start3A_285, %dma_start3A_286] : memref<2x208x128xf32, #tpu.memory_space<vmem>> -> memref<1x72x128xf32, #tpu.memory_space<vmem>>
      %dma_start3A_288 = tpu.memref_squeeze %dma_start3A_287 : memref<1x72x128xf32, #tpu.memory_space<vmem>> -> memref<72x128xf32, #tpu.memory_space<vmem>>
      %dma_start3A_289 = arith.constant 128 : i32
      %dma_start3A_290 = tpu.memref_slice %arg12[%dma_start3A_289] : memref<208xi32, #tpu.memory_space<vmem>> -> memref<72xi32, #tpu.memory_space<vmem>>
      %dma_start3A_291 = arith.constant 0 : i32
      %dma_start3A_292 = arith.constant 0 : i32
      %dma_start3A_293 = tpu.memref_slice %arg2[%dma_start3A_291, %dma_start3A_292] : memref<100000x128xf32, #tpu.memory_space<hbm>> -> memref<100000x128xf32, #tpu.memory_space<hbm>>
      tpu.enqueue_indirect_dma source(%dma_start3A_293 : memref<100000x128xf32, #tpu.memory_space<hbm>>) target(%dma_start3A_288 : memref<72x128xf32, #tpu.memory_space<vmem>>) offsets(%dma_start3A_290 : memref<72xi32, #tpu.memory_space<vmem>>) semaphore(%arg18 : memref<!tpu.dma_semaphore, #tpu.memory_space<semaphore_mem>>)
      %dma_wait3A_294 = arith.constant 0 : i32
      %dma_wait3A_295 = arith.constant 0 : i32
      %dma_wait3A_296 = arith.constant 0 : i32
      %dma_wait3A_297 = tpu.memref_slice %arg11[%dma_wait3A_294, %dma_wait3A_295, %dma_wait3A_296] : memref<2x208x128xf32, #tpu.memory_space<vmem>> -> memref<1x128x128xf32, #tpu.memory_space<vmem>>
      %dma_wait3A_298 = tpu.memref_squeeze %dma_wait3A_297 : memref<1x128x128xf32, #tpu.memory_space<vmem>> -> memref<128x128xf32, #tpu.memory_space<vmem>>
      %dma_wait3A_299 = arith.constant 0 : i32
      %dma_wait3A_300 = tpu.memref_slice %arg12[%dma_wait3A_299] : memref<208xi32, #tpu.memory_space<vmem>> -> memref<128xi32, #tpu.memory_space<vmem>>
      %dma_wait3A_301 = arith.constant 0 : i32
      %dma_wait3A_302 = arith.constant 0 : i32
      %dma_wait3A_303 = tpu.memref_slice %arg2[%dma_wait3A_301, %dma_wait3A_302] : memref<100000x128xf32, #tpu.memory_space<hbm>> -> memref<100000x128xf32, #tpu.memory_space<hbm>>
      tpu.wait_indirect_dma semaphore(%arg17 : memref<!tpu.dma_semaphore, #tpu.memory_space<semaphore_mem>>) src(%dma_wait3A_303 : memref<100000x128xf32, #tpu.memory_space<hbm>>) dst(%dma_wait3A_298 : memref<128x128xf32, #tpu.memory_space<vmem>>)
      %dma_wait3A_304 = arith.constant 0 : i32
      %dma_wait3A_305 = arith.constant 128 : i32
      %dma_wait3A_306 = arith.constant 0 : i32
      %dma_wait3A_307 = tpu.memref_slice %arg11[%dma_wait3A_304, %dma_wait3A_305, %dma_wait3A_306] : memref<2x208x128xf32, #tpu.memory_space<vmem>> -> memref<1x72x128xf32, #tpu.memory_space<vmem>>
      %dma_wait3A_308 = tpu.memref_squeeze %dma_wait3A_307 : memref<1x72x128xf32, #tpu.memory_space<vmem>> -> memref<72x128xf32, #tpu.memory_space<vmem>>
      %dma_wait3A_309 = arith.constant 128 : i32
      %dma_wait3A_310 = tpu.memref_slice %arg12[%dma_wait3A_309] : memref<208xi32, #tpu.memory_space<vmem>> -> memref<72xi32, #tpu.memory_space<vmem>>
      %dma_wait3A_311 = arith.constant 0 : i32
      %dma_wait3A_312 = arith.constant 0 : i32
      %dma_wait3A_313 = tpu.memref_slice %arg2[%dma_wait3A_311, %dma_wait3A_312] : memref<100000x128xf32, #tpu.memory_space<hbm>> -> memref<100000x128xf32, #tpu.memory_space<hbm>>
      tpu.wait_indirect_dma semaphore(%arg18 : memref<!tpu.dma_semaphore, #tpu.memory_space<semaphore_mem>>) src(%dma_wait3A_313 : memref<100000x128xf32, #tpu.memory_space<hbm>>) dst(%dma_wait3A_308 : memref<72x128xf32, #tpu.memory_space<vmem>>)
      %get3A = arith.index_cast %scan3A_270 : i32 to index
      %get3A_314 = arith.constant 0 : index
      %get3A_315 = tpu.vector_load %arg10[%get3A, %get3A_314] {strides = array<i32>} : memref<512x128xf32, #tpu.memory_space<vmem>>, vector<16xf32>,
      %get3A_316 = arith.index_cast %scan3A_270 : i32 to index
      %get3A_317 = arith.constant 16 : index
      %get3A_318 = tpu.vector_load %arg10[%get3A_316, %get3A_317] {strides = array<i32>} : memref<512x128xf32, #tpu.memory_space<vmem>>, vector<16xf32>,
      %get3A_319 = arith.index_cast %scan3A_270 : i32 to index
      %get3A_320 = arith.constant 32 : index
      %get3A_321 = tpu.vector_load %arg10[%get3A_319, %get3A_320] {strides = array<i32>} : memref<512x128xf32, #tpu.memory_space<vmem>>, vector<16xf32>,
      %get3A_322 = arith.index_cast %scan3A_270 : i32 to index
      %get3A_323 = arith.constant 48 : index
      %get3A_324 = tpu.vector_load %arg10[%get3A_322, %get3A_323] {strides = array<i32>} : memref<512x128xf32, #tpu.memory_space<vmem>>, vector<16xf32>,
      %get3A_325 = arith.index_cast %scan3A_270 : i32 to index
      %get3A_326 = arith.constant 64 : index
      %get3A_327 = tpu.vector_load %arg10[%get3A_325, %get3A_326] {strides = array<i32>} : memref<512x128xf32, #tpu.memory_space<vmem>>, vector<16xf32>,
      %get3A_328 = arith.index_cast %scan3A_270 : i32 to index
      %get3A_329 = arith.constant 80 : index
      %get3A_330 = tpu.vector_load %arg10[%get3A_328, %get3A_329] {strides = array<i32>} : memref<512x128xf32, #tpu.memory_space<vmem>>, vector<16xf32>,
      %get3A_331 = arith.index_cast %scan3A_270 : i32 to index
      %get3A_332 = arith.constant 96 : index
      %get3A_333 = tpu.vector_load %arg10[%get3A_331, %get3A_332] {strides = array<i32>} : memref<512x128xf32, #tpu.memory_space<vmem>>, vector<16xf32>,
      %get3A_334 = arith.index_cast %scan3A_270 : i32 to index
      %get3A_335 = arith.constant 112 : index
      %get3A_336 = tpu.vector_load %arg10[%get3A_334, %get3A_335] {strides = array<i32>} : memref<512x128xf32, #tpu.memory_space<vmem>>, vector<16xf32>,
      %scan3A_337 = arith.constant 0 : i32
      %scan3A_338 = arith.constant 0 : i32
      %scan3A_339 = arith.constant 13 : i32
      %scan3A_340 = arith.addi %scan3A_338, %scan3A_339 : i32
      %scan3A_341 = arith.constant 1 : i32
      scf.for %scan3A_345 = %scan3A_338 to %scan3A_340 step %scan3A_341  : i32 {
        %broadcast_in_dim3A = arith.constant 0.000000e+00 : f32
        %broadcast_in_dim3A_346 = vector.broadcast %broadcast_in_dim3A : f32 to vector<16xf32>
        %mul3A_347 = arith.constant 16 : i32
        %mul3A_348 = arith.muli %scan3A_345, %mul3A_347 : i32
        %add3A_349 = arith.constant 0 : i32
        %add3A_350 = arith.addi %mul3A_348, %add3A_349 : i32
        %get3A_351 = arith.constant 0 : i32
        %get3A_352 = arith.index_cast %get3A_351 : i32 to index
        %get3A_353 = arith.index_cast %add3A_350 : i32 to index
        %get3A_354 = arith.constant 0 : index
        %get3A_355 = tpu.vector_load %arg11[%get3A_352, %get3A_353, %get3A_354] {strides = array<i32>} : memref<2x208x128xf32, #tpu.memory_space<vmem>>, vector<16xf32>,
        %mul3A_356 = arith.mulf %get3A_355, %get3A_315 : vector<16xf32>
        %get3A_357 = arith.constant 0 : i32
        %get3A_358 = arith.index_cast %get3A_357 : i32 to index
        %get3A_359 = arith.index_cast %add3A_350 : i32 to index
        %get3A_360 = arith.constant 16 : index
        %get3A_361 = tpu.vector_load %arg11[%get3A_358, %get3A_359, %get3A_360] {strides = array<i32>} : memref<2x208x128xf32, #tpu.memory_space<vmem>>, vector<16xf32>,
        %mul3A_362 = arith.mulf %get3A_361, %get3A_318 : vector<16xf32>
        %add3A_363 = arith.addf %mul3A_356, %mul3A_362 : vector<16xf32>
        %get3A_364 = arith.constant 0 : i32
        %get3A_365 = arith.index_cast %get3A_364 : i32 to index
        %get3A_366 = arith.index_cast %add3A_350 : i32 to index
        %get3A_367 = arith.constant 32 : index
        %get3A_368 = tpu.vector_load %arg11[%get3A_365, %get3A_366, %get3A_367] {strides = array<i32>} : memref<2x208x128xf32, #tpu.memory_space<vmem>>, vector<16xf32>,
        %mul3A_369 = arith.mulf %get3A_368, %get3A_321 : vector<16xf32>
        %add3A_370 = arith.addf %add3A_363, %mul3A_369 : vector<16xf32>
        %get3A_371 = arith.constant 0 : i32
        %get3A_372 = arith.index_cast %get3A_371 : i32 to index
        %get3A_373 = arith.index_cast %add3A_350 : i32 to index
        %get3A_374 = arith.constant 48 : index
        %get3A_375 = tpu.vector_load %arg11[%get3A_372, %get3A_373, %get3A_374] {strides = array<i32>} : memref<2x208x128xf32, #tpu.memory_space<vmem>>, vector<16xf32>,
        %mul3A_376 = arith.mulf %get3A_375, %get3A_324 : vector<16xf32>
        %add3A_377 = arith.addf %add3A_370, %mul3A_376 : vector<16xf32>
        %get3A_378 = arith.constant 0 : i32
        %get3A_379 = arith.index_cast %get3A_378 : i32 to index
        %get3A_380 = arith.index_cast %add3A_350 : i32 to index
        %get3A_381 = arith.constant 64 : index
        %get3A_382 = tpu.vector_load %arg11[%get3A_379, %get3A_380, %get3A_381] {strides = array<i32>} : memref<2x208x128xf32, #tpu.memory_space<vmem>>, vector<16xf32>,
        %mul3A_383 = arith.mulf %get3A_382, %get3A_327 : vector<16xf32>
        %add3A_384 = arith.addf %add3A_377, %mul3A_383 : vector<16xf32>
        %get3A_385 = arith.constant 0 : i32
        %get3A_386 = arith.index_cast %get3A_385 : i32 to index
        %get3A_387 = arith.index_cast %add3A_350 : i32 to index
        %get3A_388 = arith.constant 80 : index
        %get3A_389 = tpu.vector_load %arg11[%get3A_386, %get3A_387, %get3A_388] {strides = array<i32>} : memref<2x208x128xf32, #tpu.memory_space<vmem>>, vector<16xf32>,
        %mul3A_390 = arith.mulf %get3A_389, %get3A_330 : vector<16xf32>
        %add3A_391 = arith.addf %add3A_384, %mul3A_390 : vector<16xf32>
        %get3A_392 = arith.constant 0 : i32
        %get3A_393 = arith.index_cast %get3A_392 : i32 to index
        %get3A_394 = arith.index_cast %add3A_350 : i32 to index
        %get3A_395 = arith.constant 96 : index
        %get3A_396 = tpu.vector_load %arg11[%get3A_393, %get3A_394, %get3A_395] {strides = array<i32>} : memref<2x208x128xf32, #tpu.memory_space<vmem>>, vector<16xf32>,
        %mul3A_397 = arith.mulf %get3A_396, %get3A_333 : vector<16xf32>
        %add3A_398 = arith.addf %add3A_391, %mul3A_397 : vector<16xf32>
        %get3A_399 = arith.constant 0 : i32
        %get3A_400 = arith.index_cast %get3A_399 : i32 to index
        %get3A_401 = arith.index_cast %add3A_350 : i32 to index
        %get3A_402 = arith.constant 112 : index
        %get3A_403 = tpu.vector_load %arg11[%get3A_400, %get3A_401, %get3A_402] {strides = array<i32>} : memref<2x208x128xf32, #tpu.memory_space<vmem>>, vector<16xf32>,
        %mul3A_404 = arith.mulf %get3A_403, %get3A_336 : vector<16xf32>
        %add3A_405 = arith.addf %add3A_398, %mul3A_404 : vector<16xf32>
        %eq3A = arith.constant 0 : i32
        %eq3A_406 = vector.broadcast %eq3A : i32 to vector<16xi32>
        %eq3A_407 = arith.cmpi eq, %iota3A, %eq3A_406 : vector<16xi32>
        %reduce_sum3A = arith.constant true
        %reduce_sum3A_408 = vector.broadcast %reduce_sum3A : i1 to vector<16xi1>
        %reduce_sum3A_409 = tpu.scan <sum>, %add3A_405 masked %reduce_sum3A_408 : vector<16xf32>, vector<16xi1> -> vector<16xf32>
        %reduce_sum3A_410 = vector.extract %reduce_sum3A_409[15] : f32 from vector<16xf32>
        %broadcast_in_dim3A_411 = vector.broadcast %reduce_sum3A_410 : f32 to vector<16xf32>
        %select_n3A = arith.select %eq3A_407, %broadcast_in_dim3A_411, %broadcast_in_dim3A_346 : vector<16xi1>, vector<16xf32>
        %mul3A_412 = arith.constant 16 : i32
        %mul3A_413 = arith.muli %scan3A_345, %mul3A_412 : i32
        %add3A_414 = arith.constant 1 : i32
        %add3A_415 = arith.addi %mul3A_413, %add3A_414 : i32
        %get3A_416 = arith.constant 0 : i32
        %get3A_417 = arith.index_cast %get3A_416 : i32 to index
        %get3A_418 = arith.index_cast %add3A_415 : i32 to index
        %get3A_419 = arith.constant 0 : index
        %get3A_420 = tpu.vector_load %arg11[%get3A_417, %get3A_418, %get3A_419] {strides = array<i32>} : memref<2x208x128xf32, #tpu.memory_space<vmem>>, vector<16xf32>,
        %mul3A_421 = arith.mulf %get3A_420, %get3A_315 : vector<16xf32>
        %get3A_422 = arith.constant 0 : i32
        %get3A_423 = arith.index_cast %get3A_422 : i32 to index
        %get3A_424 = arith.index_cast %add3A_415 : i32 to index
        %get3A_425 = arith.constant 16 : index
        %get3A_426 = tpu.vector_load %arg11[%get3A_423, %get3A_424, %get3A_425] {strides = array<i32>} : memref<2x208x128xf32, #tpu.memory_space<vmem>>, vector<16xf32>,
        %mul3A_427 = arith.mulf %get3A_426, %get3A_318 : vector<16xf32>
        %add3A_428 = arith.addf %mul3A_421, %mul3A_427 : vector<16xf32>
        %get3A_429 = arith.constant 0 : i32
        %get3A_430 = arith.index_cast %get3A_429 : i32 to index
        %get3A_431 = arith.index_cast %add3A_415 : i32 to index
        %get3A_432 = arith.constant 32 : index
        %get3A_433 = tpu.vector_load %arg11[%get3A_430, %get3A_431, %get3A_432] {strides = array<i32>} : memref<2x208x128xf32, #tpu.memory_space<vmem>>, vector<16xf32>,
        %mul3A_434 = arith.mulf %get3A_433, %get3A_321 : vector<16xf32>
        %add3A_435 = arith.addf %add3A_428, %mul3A_434 : vector<16xf32>
        %get3A_436 = arith.constant 0 : i32
        %get3A_437 = arith.index_cast %get3A_436 : i32 to index
        %get3A_438 = arith.index_cast %add3A_415 : i32 to index
        %get3A_439 = arith.constant 48 : index
        %get3A_440 = tpu.vector_load %arg11[%get3A_437, %get3A_438, %get3A_439] {strides = array<i32>} : memref<2x208x128xf32, #tpu.memory_space<vmem>>, vector<16xf32>,
        %mul3A_441 = arith.mulf %get3A_440, %get3A_324 : vector<16xf32>
        %add3A_442 = arith.addf %add3A_435, %mul3A_441 : vector<16xf32>
        %get3A_443 = arith.constant 0 : i32
        %get3A_444 = arith.index_cast %get3A_443 : i32 to index
        %get3A_445 = arith.index_cast %add3A_415 : i32 to index
        %get3A_446 = arith.constant 64 : index
        %get3A_447 = tpu.vector_load %arg11[%get3A_444, %get3A_445, %get3A_446] {strides = array<i32>} : memref<2x208x128xf32, #tpu.memory_space<vmem>>, vector<16xf32>,
        %mul3A_448 = arith.mulf %get3A_447, %get3A_327 : vector<16xf32>
        %add3A_449 = arith.addf %add3A_442, %mul3A_448 : vector<16xf32>
        %get3A_450 = arith.constant 0 : i32
        %get3A_451 = arith.index_cast %get3A_450 : i32 to index
        %get3A_452 = arith.index_cast %add3A_415 : i32 to index
        %get3A_453 = arith.constant 80 : index
        %get3A_454 = tpu.vector_load %arg11[%get3A_451, %get3A_452, %get3A_453] {strides = array<i32>} : memref<2x208x128xf32, #tpu.memory_space<vmem>>, vector<16xf32>,
        %mul3A_455 = arith.mulf %get3A_454, %get3A_330 : vector<16xf32>
        %add3A_456 = arith.addf %add3A_449, %mul3A_455 : vector<16xf32>
        %get3A_457 = arith.constant 0 : i32
        %get3A_458 = arith.index_cast %get3A_457 : i32 to index
        %get3A_459 = arith.index_cast %add3A_415 : i32 to index
        %get3A_460 = arith.constant 96 : index
        %get3A_461 = tpu.vector_load %arg11[%get3A_458, %get3A_459, %get3A_460] {strides = array<i32>} : memref<2x208x128xf32, #tpu.memory_space<vmem>>, vector<16xf32>,
        %mul3A_462 = arith.mulf %get3A_461, %get3A_333 : vector<16xf32>
        %add3A_463 = arith.addf %add3A_456, %mul3A_462 : vector<16xf32>
        %get3A_464 = arith.constant 0 : i32
        %get3A_465 = arith.index_cast %get3A_464 : i32 to index
        %get3A_466 = arith.index_cast %add3A_415 : i32 to index
        %get3A_467 = arith.constant 112 : index
        %get3A_468 = tpu.vector_load %arg11[%get3A_465, %get3A_466, %get3A_467] {strides = array<i32>} : memref<2x208x128xf32, #tpu.memory_space<vmem>>, vector<16xf32>,
        %mul3A_469 = arith.mulf %get3A_468, %get3A_336 : vector<16xf32>
        %add3A_470 = arith.addf %add3A_463, %mul3A_469 : vector<16xf32>
        %eq3A_471 = arith.constant 1 : i32
        %eq3A_472 = vector.broadcast %eq3A_471 : i32 to vector<16xi32>
        %eq3A_473 = arith.cmpi eq, %iota3A, %eq3A_472 : vector<16xi32>
        %reduce_sum3A_474 = arith.constant true
        %reduce_sum3A_475 = vector.broadcast %reduce_sum3A_474 : i1 to vector<16xi1>
        %reduce_sum3A_476 = tpu.scan <sum>, %add3A_470 masked %reduce_sum3A_475 : vector<16xf32>, vector<16xi1> -> vector<16xf32>
        %reduce_sum3A_477 = vector.extract %reduce_sum3A_476[15] : f32 from vector<16xf32>
        %broadcast_in_dim3A_478 = vector.broadcast %reduce_sum3A_477 : f32 to vector<16xf32>
        %select_n3A_479 = arith.select %eq3A_473, %broadcast_in_dim3A_478, %select_n3A : vector<16xi1>, vector<16xf32>
        %mul3A_480 = arith.constant 16 : i32
        %mul3A_481 = arith.muli %scan3A_345, %mul3A_480 : i32
        %add3A_482 = arith.constant 2 : i32
        %add3A_483 = arith.addi %mul3A_481, %add3A_482 : i32
        %get3A_484 = arith.constant 0 : i32
        %get3A_485 = arith.index_cast %get3A_484 : i32 to index
        %get3A_486 = arith.index_cast %add3A_483 : i32 to index
        %get3A_487 = arith.constant 0 : index
        %get3A_488 = tpu.vector_load %arg11[%get3A_485, %get3A_486, %get3A_487] {strides = array<i32>} : memref<2x208x128xf32, #tpu.memory_space<vmem>>, vector<16xf32>,
        %mul3A_489 = arith.mulf %get3A_488, %get3A_315 : vector<16xf32>
        %get3A_490 = arith.constant 0 : i32
        %get3A_491 = arith.index_cast %get3A_490 : i32 to index
        %get3A_492 = arith.index_cast %add3A_483 : i32 to index
        %get3A_493 = arith.constant 16 : index
        %get3A_494 = tpu.vector_load %arg11[%get3A_491, %get3A_492, %get3A_493] {strides = array<i32>} : memref<2x208x128xf32, #tpu.memory_space<vmem>>, vector<16xf32>,
        %mul3A_495 = arith.mulf %get3A_494, %get3A_318 : vector<16xf32>
        %add3A_496 = arith.addf %mul3A_489, %mul3A_495 : vector<16xf32>
        %get3A_497 = arith.constant 0 : i32
        %get3A_498 = arith.index_cast %get3A_497 : i32 to index
        %get3A_499 = arith.index_cast %add3A_483 : i32 to index
        %get3A_500 = arith.constant 32 : index
        %get3A_501 = tpu.vector_load %arg11[%get3A_498, %get3A_499, %get3A_500] {strides = array<i32>} : memref<2x208x128xf32, #tpu.memory_space<vmem>>, vector<16xf32>,
        %mul3A_502 = arith.mulf %get3A_501, %get3A_321 : vector<16xf32>
        %add3A_503 = arith.addf %add3A_496, %mul3A_502 : vector<16xf32>
        %get3A_504 = arith.constant 0 : i32
        %get3A_505 = arith.index_cast %get3A_504 : i32 to index
        %get3A_506 = arith.index_cast %add3A_483 : i32 to index
        %get3A_507 = arith.constant 48 : index
        %get3A_508 = tpu.vector_load %arg11[%get3A_505, %get3A_506, %get3A_507] {strides = array<i32>} : memref<2x208x128xf32, #tpu.memory_space<vmem>>, vector<16xf32>,
        %mul3A_509 = arith.mulf %get3A_508, %get3A_324 : vector<16xf32>
        %add3A_510 = arith.addf %add3A_503, %mul3A_509 : vector<16xf32>
        %get3A_511 = arith.constant 0 : i32
        %get3A_512 = arith.index_cast %get3A_511 : i32 to index
        %get3A_513 = arith.index_cast %add3A_483 : i32 to index
        %get3A_514 = arith.constant 64 : index
        %get3A_515 = tpu.vector_load %arg11[%get3A_512, %get3A_513, %get3A_514] {strides = array<i32>} : memref<2x208x128xf32, #tpu.memory_space<vmem>>, vector<16xf32>,
        %mul3A_516 = arith.mulf %get3A_515, %get3A_327 : vector<16xf32>
        %add3A_517 = arith.addf %add3A_510, %mul3A_516 : vector<16xf32>
        %get3A_518 = arith.constant 0 : i32
        %get3A_519 = arith.index_cast %get3A_518 : i32 to index
        %get3A_520 = arith.index_cast %add3A_483 : i32 to index
        %get3A_521 = arith.constant 80 : index
        %get3A_522 = tpu.vector_load %arg11[%get3A_519, %get3A_520, %get3A_521] {strides = array<i32>} : memref<2x208x128xf32, #tpu.memory_space<vmem>>, vector<16xf32>,
        %mul3A_523 = arith.mulf %get3A_522, %get3A_330 : vector<16xf32>
        %add3A_524 = arith.addf %add3A_517, %mul3A_523 : vector<16xf32>
        %get3A_525 = arith.constant 0 : i32
        %get3A_526 = arith.index_cast %get3A_525 : i32 to index
        %get3A_527 = arith.index_cast %add3A_483 : i32 to index
        %get3A_528 = arith.constant 96 : index
        %get3A_529 = tpu.vector_load %arg11[%get3A_526, %get3A_527, %get3A_528] {strides = array<i32>} : memref<2x208x128xf32, #tpu.memory_space<vmem>>, vector<16xf32>,
        %mul3A_530 = arith.mulf %get3A_529, %get3A_333 : vector<16xf32>
        %add3A_531 = arith.addf %add3A_524, %mul3A_530 : vector<16xf32>
        %get3A_532 = arith.constant 0 : i32
        %get3A_533 = arith.index_cast %get3A_532 : i32 to index
        %get3A_534 = arith.index_cast %add3A_483 : i32 to index
        %get3A_535 = arith.constant 112 : index
        %get3A_536 = tpu.vector_load %arg11[%get3A_533, %get3A_534, %get3A_535] {strides = array<i32>} : memref<2x208x128xf32, #tpu.memory_space<vmem>>, vector<16xf32>,
        %mul3A_537 = arith.mulf %get3A_536, %get3A_336 : vector<16xf32>
        %add3A_538 = arith.addf %add3A_531, %mul3A_537 : vector<16xf32>
        %eq3A_539 = arith.constant 2 : i32
        %eq3A_540 = vector.broadcast %eq3A_539 : i32 to vector<16xi32>
        %eq3A_541 = arith.cmpi eq, %iota3A, %eq3A_540 : vector<16xi32>
        %reduce_sum3A_542 = arith.constant true
        %reduce_sum3A_543 = vector.broadcast %reduce_sum3A_542 : i1 to vector<16xi1>
        %reduce_sum3A_544 = tpu.scan <sum>, %add3A_538 masked %reduce_sum3A_543 : vector<16xf32>, vector<16xi1> -> vector<16xf32>
        %reduce_sum3A_545 = vector.extract %reduce_sum3A_544[15] : f32 from vector<16xf32>
        %broadcast_in_dim3A_546 = vector.broadcast %reduce_sum3A_545 : f32 to vector<16xf32>
        %select_n3A_547 = arith.select %eq3A_541, %broadcast_in_dim3A_546, %select_n3A_479 : vector<16xi1>, vector<16xf32>
        %mul3A_548 = arith.constant 16 : i32
        %mul3A_549 = arith.muli %scan3A_345, %mul3A_548 : i32
        %add3A_550 = arith.constant 3 : i32
        %add3A_551 = arith.addi %mul3A_549, %add3A_550 : i32
        %get3A_552 = arith.constant 0 : i32
        %get3A_553 = arith.index_cast %get3A_552 : i32 to index
        %get3A_554 = arith.index_cast %add3A_551 : i32 to index
        %get3A_555 = arith.constant 0 : index
        %get3A_556 = tpu.vector_load %arg11[%get3A_553, %get3A_554, %get3A_555] {strides = array<i32>} : memref<2x208x128xf32, #tpu.memory_space<vmem>>, vector<16xf32>,
        %mul3A_557 = arith.mulf %get3A_556, %get3A_315 : vector<16xf32>
        %get3A_558 = arith.constant 0 : i32
        %get3A_559 = arith.index_cast %get3A_558 : i32 to index
        %get3A_560 = arith.index_cast %add3A_551 : i32 to index
        %get3A_561 = arith.constant 16 : index
        %get3A_562 = tpu.vector_load %arg11[%get3A_559, %get3A_560, %get3A_561] {strides = array<i32>} : memref<2x208x128xf32, #tpu.memory_space<vmem>>, vector<16xf32>,
        %mul3A_563 = arith.mulf %get3A_562, %get3A_318 : vector<16xf32>
        %add3A_564 = arith.addf %mul3A_557, %mul3A_563 : vector<16xf32>
        %get3A_565 = arith.constant 0 : i32
        %get3A_566 = arith.index_cast %get3A_565 : i32 to index
        %get3A_567 = arith.index_cast %add3A_551 : i32 to index
        %get3A_568 = arith.constant 32 : index
        %get3A_569 = tpu.vector_load %arg11[%get3A_566, %get3A_567, %get3A_568] {strides = array<i32>} : memref<2x208x128xf32, #tpu.memory_space<vmem>>, vector<16xf32>,
        %mul3A_570 = arith.mulf %get3A_569, %get3A_321 : vector<16xf32>
        %add3A_571 = arith.addf %add3A_564, %mul3A_570 : vector<16xf32>
        %get3A_572 = arith.constant 0 : i32
        %get3A_573 = arith.index_cast %get3A_572 : i32 to index
        %get3A_574 = arith.index_cast %add3A_551 : i32 to index
        %get3A_575 = arith.constant 48 : index
        %get3A_576 = tpu.vector_load %arg11[%get3A_573, %get3A_574, %get3A_575] {strides = array<i32>} : memref<2x208x128xf32, #tpu.memory_space<vmem>>, vector<16xf32>,
        %mul3A_577 = arith.mulf %get3A_576, %get3A_324 : vector<16xf32>
        %add3A_578 = arith.addf %add3A_571, %mul3A_577 : vector<16xf32>
        %get3A_579 = arith.constant 0 : i32
        %get3A_580 = arith.index_cast %get3A_579 : i32 to index
        %get3A_581 = arith.index_cast %add3A_551 : i32 to index
        %get3A_582 = arith.constant 64 : index
        %get3A_583 = tpu.vector_load %arg11[%get3A_580, %get3A_581, %get3A_582] {strides = array<i32>} : memref<2x208x128xf32, #tpu.memory_space<vmem>>, vector<16xf32>,
        %mul3A_584 = arith.mulf %get3A_583, %get3A_327 : vector<16xf32>
        %add3A_585 = arith.addf %add3A_578, %mul3A_584 : vector<16xf32>
        %get3A_586 = arith.constant 0 : i32
        %get3A_587 = arith.index_cast %get3A_586 : i32 to index
        %get3A_588 = arith.index_cast %add3A_551 : i32 to index
        %get3A_589 = arith.constant 80 : index
        %get3A_590 = tpu.vector_load %arg11[%get3A_587, %get3A_588, %get3A_589] {strides = array<i32>} : memref<2x208x128xf32, #tpu.memory_space<vmem>>, vector<16xf32>,
        %mul3A_591 = arith.mulf %get3A_590, %get3A_330 : vector<16xf32>
        %add3A_592 = arith.addf %add3A_585, %mul3A_591 : vector<16xf32>
        %get3A_593 = arith.constant 0 : i32
        %get3A_594 = arith.index_cast %get3A_593 : i32 to index
        %get3A_595 = arith.index_cast %add3A_551 : i32 to index
        %get3A_596 = arith.constant 96 : index
        %get3A_597 = tpu.vector_load %arg11[%get3A_594, %get3A_595, %get3A_596] {strides = array<i32>} : memref<2x208x128xf32, #tpu.memory_space<vmem>>, vector<16xf32>,
        %mul3A_598 = arith.mulf %get3A_597, %get3A_333 : vector<16xf32>
        %add3A_599 = arith.addf %add3A_592, %mul3A_598 : vector<16xf32>
        %get3A_600 = arith.constant 0 : i32
        %get3A_601 = arith.index_cast %get3A_600 : i32 to index
        %get3A_602 = arith.index_cast %add3A_551 : i32 to index
        %get3A_603 = arith.constant 112 : index
        %get3A_604 = tpu.vector_load %arg11[%get3A_601, %get3A_602, %get3A_603] {strides = array<i32>} : memref<2x208x128xf32, #tpu.memory_space<vmem>>, vector<16xf32>,
        %mul3A_605 = arith.mulf %get3A_604, %get3A_336 : vector<16xf32>
        %add3A_606 = arith.addf %add3A_599, %mul3A_605 : vector<16xf32>
        %eq3A_607 = arith.constant 3 : i32
        %eq3A_608 = vector.broadcast %eq3A_607 : i32 to vector<16xi32>
        %eq3A_609 = arith.cmpi eq, %iota3A, %eq3A_608 : vector<16xi32>
        %reduce_sum3A_610 = arith.constant true
        %reduce_sum3A_611 = vector.broadcast %reduce_sum3A_610 : i1 to vector<16xi1>
        %reduce_sum3A_612 = tpu.scan <sum>, %add3A_606 masked %reduce_sum3A_611 : vector<16xf32>, vector<16xi1> -> vector<16xf32>
        %reduce_sum3A_613 = vector.extract %reduce_sum3A_612[15] : f32 from vector<16xf32>
        %broadcast_in_dim3A_614 = vector.broadcast %reduce_sum3A_613 : f32 to vector<16xf32>
        %select_n3A_615 = arith.select %eq3A_609, %broadcast_in_dim3A_614, %select_n3A_547 : vector<16xi1>, vector<16xf32>
        %mul3A_616 = arith.constant 16 : i32
        %mul3A_617 = arith.muli %scan3A_345, %mul3A_616 : i32
        %add3A_618 = arith.constant 4 : i32
        %add3A_619 = arith.addi %mul3A_617, %add3A_618 : i32
        %get3A_620 = arith.constant 0 : i32
        %get3A_621 = arith.index_cast %get3A_620 : i32 to index
        %get3A_622 = arith.index_cast %add3A_619 : i32 to index
        %get3A_623 = arith.constant 0 : index
        %get3A_624 = tpu.vector_load %arg11[%get3A_621, %get3A_622, %get3A_623] {strides = array<i32>} : memref<2x208x128xf32, #tpu.memory_space<vmem>>, vector<16xf32>,
        %mul3A_625 = arith.mulf %get3A_624, %get3A_315 : vector<16xf32>
        %get3A_626 = arith.constant 0 : i32
        %get3A_627 = arith.index_cast %get3A_626 : i32 to index
        %get3A_628 = arith.index_cast %add3A_619 : i32 to index
        %get3A_629 = arith.constant 16 : index
        %get3A_630 = tpu.vector_load %arg11[%get3A_627, %get3A_628, %get3A_629] {strides = array<i32>} : memref<2x208x128xf32, #tpu.memory_space<vmem>>, vector<16xf32>,
        %mul3A_631 = arith.mulf %get3A_630, %get3A_318 : vector<16xf32>
        %add3A_632 = arith.addf %mul3A_625, %mul3A_631 : vector<16xf32>
        %get3A_633 = arith.constant 0 : i32
        %get3A_634 = arith.index_cast %get3A_633 : i32 to index
        %get3A_635 = arith.index_cast %add3A_619 : i32 to index
        %get3A_636 = arith.constant 32 : index
        %get3A_637 = tpu.vector_load %arg11[%get3A_634, %get3A_635, %get3A_636] {strides = array<i32>} : memref<2x208x128xf32, #tpu.memory_space<vmem>>, vector<16xf32>,
        %mul3A_638 = arith.mulf %get3A_637, %get3A_321 : vector<16xf32>
        %add3A_639 = arith.addf %add3A_632, %mul3A_638 : vector<16xf32>
        %get3A_640 = arith.constant 0 : i32
        %get3A_641 = arith.index_cast %get3A_640 : i32 to index
        %get3A_642 = arith.index_cast %add3A_619 : i32 to index
        %get3A_643 = arith.constant 48 : index
        %get3A_644 = tpu.vector_load %arg11[%get3A_641, %get3A_642, %get3A_643] {strides = array<i32>} : memref<2x208x128xf32, #tpu.memory_space<vmem>>, vector<16xf32>,
        %mul3A_645 = arith.mulf %get3A_644, %get3A_324 : vector<16xf32>
        %add3A_646 = arith.addf %add3A_639, %mul3A_645 : vector<16xf32>
        %get3A_647 = arith.constant 0 : i32
        %get3A_648 = arith.index_cast %get3A_647 : i32 to index
        %get3A_649 = arith.index_cast %add3A_619 : i32 to index
        %get3A_650 = arith.constant 64 : index
        %get3A_651 = tpu.vector_load %arg11[%get3A_648, %get3A_649, %get3A_650] {strides = array<i32>} : memref<2x208x128xf32, #tpu.memory_space<vmem>>, vector<16xf32>,
        %mul3A_652 = arith.mulf %get3A_651, %get3A_327 : vector<16xf32>
        %add3A_653 = arith.addf %add3A_646, %mul3A_652 : vector<16xf32>
        %get3A_654 = arith.constant 0 : i32
        %get3A_655 = arith.index_cast %get3A_654 : i32 to index
        %get3A_656 = arith.index_cast %add3A_619 : i32 to index
        %get3A_657 = arith.constant 80 : index
        %get3A_658 = tpu.vector_load %arg11[%get3A_655, %get3A_656, %get3A_657] {strides = array<i32>} : memref<2x208x128xf32, #tpu.memory_space<vmem>>, vector<16xf32>,
        %mul3A_659 = arith.mulf %get3A_658, %get3A_330 : vector<16xf32>
        %add3A_660 = arith.addf %add3A_653, %mul3A_659 : vector<16xf32>
        %get3A_661 = arith.constant 0 : i32
        %get3A_662 = arith.index_cast %get3A_661 : i32 to index
        %get3A_663 = arith.index_cast %add3A_619 : i32 to index
        %get3A_664 = arith.constant 96 : index
        %get3A_665 = tpu.vector_load %arg11[%get3A_662, %get3A_663, %get3A_664] {strides = array<i32>} : memref<2x208x128xf32, #tpu.memory_space<vmem>>, vector<16xf32>,
        %mul3A_666 = arith.mulf %get3A_665, %get3A_333 : vector<16xf32>
        %add3A_667 = arith.addf %add3A_660, %mul3A_666 : vector<16xf32>
        %get3A_668 = arith.constant 0 : i32
        %get3A_669 = arith.index_cast %get3A_668 : i32 to index
        %get3A_670 = arith.index_cast %add3A_619 : i32 to index
        %get3A_671 = arith.constant 112 : index
        %get3A_672 = tpu.vector_load %arg11[%get3A_669, %get3A_670, %get3A_671] {strides = array<i32>} : memref<2x208x128xf32, #tpu.memory_space<vmem>>, vector<16xf32>,
        %mul3A_673 = arith.mulf %get3A_672, %get3A_336 : vector<16xf32>
        %add3A_674 = arith.addf %add3A_667, %mul3A_673 : vector<16xf32>
        %eq3A_675 = arith.constant 4 : i32
        %eq3A_676 = vector.broadcast %eq3A_675 : i32 to vector<16xi32>
        %eq3A_677 = arith.cmpi eq, %iota3A, %eq3A_676 : vector<16xi32>
        %reduce_sum3A_678 = arith.constant true
        %reduce_sum3A_679 = vector.broadcast %reduce_sum3A_678 : i1 to vector<16xi1>
        %reduce_sum3A_680 = tpu.scan <sum>, %add3A_674 masked %reduce_sum3A_679 : vector<16xf32>, vector<16xi1> -> vector<16xf32>
        %reduce_sum3A_681 = vector.extract %reduce_sum3A_680[15] : f32 from vector<16xf32>
        %broadcast_in_dim3A_682 = vector.broadcast %reduce_sum3A_681 : f32 to vector<16xf32>
        %select_n3A_683 = arith.select %eq3A_677, %broadcast_in_dim3A_682, %select_n3A_615 : vector<16xi1>, vector<16xf32>
        %mul3A_684 = arith.constant 16 : i32
        %mul3A_685 = arith.muli %scan3A_345, %mul3A_684 : i32
        %add3A_686 = arith.constant 5 : i32
        %add3A_687 = arith.addi %mul3A_685, %add3A_686 : i32
        %get3A_688 = arith.constant 0 : i32
        %get3A_689 = arith.index_cast %get3A_688 : i32 to index
        %get3A_690 = arith.index_cast %add3A_687 : i32 to index
        %get3A_691 = arith.constant 0 : index
        %get3A_692 = tpu.vector_load %arg11[%get3A_689, %get3A_690, %get3A_691] {strides = array<i32>} : memref<2x208x128xf32, #tpu.memory_space<vmem>>, vector<16xf32>,
        %mul3A_693 = arith.mulf %get3A_692, %get3A_315 : vector<16xf32>
        %get3A_694 = arith.constant 0 : i32
        %get3A_695 = arith.index_cast %get3A_694 : i32 to index
        %get3A_696 = arith.index_cast %add3A_687 : i32 to index
        %get3A_697 = arith.constant 16 : index
        %get3A_698 = tpu.vector_load %arg11[%get3A_695, %get3A_696, %get3A_697] {strides = array<i32>} : memref<2x208x128xf32, #tpu.memory_space<vmem>>, vector<16xf32>,
        %mul3A_699 = arith.mulf %get3A_698, %get3A_318 : vector<16xf32>
        %add3A_700 = arith.addf %mul3A_693, %mul3A_699 : vector<16xf32>
        %get3A_701 = arith.constant 0 : i32
        %get3A_702 = arith.index_cast %get3A_701 : i32 to index
        %get3A_703 = arith.index_cast %add3A_687 : i32 to index
        %get3A_704 = arith.constant 32 : index
        %get3A_705 = tpu.vector_load %arg11[%get3A_702, %get3A_703, %get3A_704] {strides = array<i32>} : memref<2x208x128xf32, #tpu.memory_space<vmem>>, vector<16xf32>,
        %mul3A_706 = arith.mulf %get3A_705, %get3A_321 : vector<16xf32>
        %add3A_707 = arith.addf %add3A_700, %mul3A_706 : vector<16xf32>
        %get3A_708 = arith.constant 0 : i32
        %get3A_709 = arith.index_cast %get3A_708 : i32 to index
        %get3A_710 = arith.index_cast %add3A_687 : i32 to index
        %get3A_711 = arith.constant 48 : index
        %get3A_712 = tpu.vector_load %arg11[%get3A_709, %get3A_710, %get3A_711] {strides = array<i32>} : memref<2x208x128xf32, #tpu.memory_space<vmem>>, vector<16xf32>,
        %mul3A_713 = arith.mulf %get3A_712, %get3A_324 : vector<16xf32>
        %add3A_714 = arith.addf %add3A_707, %mul3A_713 : vector<16xf32>
        %get3A_715 = arith.constant 0 : i32
        %get3A_716 = arith.index_cast %get3A_715 : i32 to index
        %get3A_717 = arith.index_cast %add3A_687 : i32 to index
        %get3A_718 = arith.constant 64 : index
        %get3A_719 = tpu.vector_load %arg11[%get3A_716, %get3A_717, %get3A_718] {strides = array<i32>} : memref<2x208x128xf32, #tpu.memory_space<vmem>>, vector<16xf32>,
        %mul3A_720 = arith.mulf %get3A_719, %get3A_327 : vector<16xf32>
        %add3A_721 = arith.addf %add3A_714, %mul3A_720 : vector<16xf32>
        %get3A_722 = arith.constant 0 : i32
        %get3A_723 = arith.index_cast %get3A_722 : i32 to index
        %get3A_724 = arith.index_cast %add3A_687 : i32 to index
        %get3A_725 = arith.constant 80 : index
        %get3A_726 = tpu.vector_load %arg11[%get3A_723, %get3A_724, %get3A_725] {strides = array<i32>} : memref<2x208x128xf32, #tpu.memory_space<vmem>>, vector<16xf32>,
        %mul3A_727 = arith.mulf %get3A_726, %get3A_330 : vector<16xf32>
        %add3A_728 = arith.addf %add3A_721, %mul3A_727 : vector<16xf32>
        %get3A_729 = arith.constant 0 : i32
        %get3A_730 = arith.index_cast %get3A_729 : i32 to index
        %get3A_731 = arith.index_cast %add3A_687 : i32 to index
        %get3A_732 = arith.constant 96 : index
        %get3A_733 = tpu.vector_load %arg11[%get3A_730, %get3A_731, %get3A_732] {strides = array<i32>} : memref<2x208x128xf32, #tpu.memory_space<vmem>>, vector<16xf32>,
        %mul3A_734 = arith.mulf %get3A_733, %get3A_333 : vector<16xf32>
        %add3A_735 = arith.addf %add3A_728, %mul3A_734 : vector<16xf32>
        %get3A_736 = arith.constant 0 : i32
        %get3A_737 = arith.index_cast %get3A_736 : i32 to index
        %get3A_738 = arith.index_cast %add3A_687 : i32 to index
        %get3A_739 = arith.constant 112 : index
        %get3A_740 = tpu.vector_load %arg11[%get3A_737, %get3A_738, %get3A_739] {strides = array<i32>} : memref<2x208x128xf32, #tpu.memory_space<vmem>>, vector<16xf32>,
        %mul3A_741 = arith.mulf %get3A_740, %get3A_336 : vector<16xf32>
        %add3A_742 = arith.addf %add3A_735, %mul3A_741 : vector<16xf32>
        %eq3A_743 = arith.constant 5 : i32
        %eq3A_744 = vector.broadcast %eq3A_743 : i32 to vector<16xi32>
        %eq3A_745 = arith.cmpi eq, %iota3A, %eq3A_744 : vector<16xi32>
        %reduce_sum3A_746 = arith.constant true
        %reduce_sum3A_747 = vector.broadcast %reduce_sum3A_746 : i1 to vector<16xi1>
        %reduce_sum3A_748 = tpu.scan <sum>, %add3A_742 masked %reduce_sum3A_747 : vector<16xf32>, vector<16xi1> -> vector<16xf32>
        %reduce_sum3A_749 = vector.extract %reduce_sum3A_748[15] : f32 from vector<16xf32>
        %broadcast_in_dim3A_750 = vector.broadcast %reduce_sum3A_749 : f32 to vector<16xf32>
        %select_n3A_751 = arith.select %eq3A_745, %broadcast_in_dim3A_750, %select_n3A_683 : vector<16xi1>, vector<16xf32>
        %mul3A_752 = arith.constant 16 : i32
        %mul3A_753 = arith.muli %scan3A_345, %mul3A_752 : i32
        %add3A_754 = arith.constant 6 : i32
        %add3A_755 = arith.addi %mul3A_753, %add3A_754 : i32
        %get3A_756 = arith.constant 0 : i32
        %get3A_757 = arith.index_cast %get3A_756 : i32 to index
        %get3A_758 = arith.index_cast %add3A_755 : i32 to index
        %get3A_759 = arith.constant 0 : index
        %get3A_760 = tpu.vector_load %arg11[%get3A_757, %get3A_758, %get3A_759] {strides = array<i32>} : memref<2x208x128xf32, #tpu.memory_space<vmem>>, vector<16xf32>,
        %mul3A_761 = arith.mulf %get3A_760, %get3A_315 : vector<16xf32>
        %get3A_762 = arith.constant 0 : i32
        %get3A_763 = arith.index_cast %get3A_762 : i32 to index
        %get3A_764 = arith.index_cast %add3A_755 : i32 to index
        %get3A_765 = arith.constant 16 : index
        %get3A_766 = tpu.vector_load %arg11[%get3A_763, %get3A_764, %get3A_765] {strides = array<i32>} : memref<2x208x128xf32, #tpu.memory_space<vmem>>, vector<16xf32>,
        %mul3A_767 = arith.mulf %get3A_766, %get3A_318 : vector<16xf32>
        %add3A_768 = arith.addf %mul3A_761, %mul3A_767 : vector<16xf32>
        %get3A_769 = arith.constant 0 : i32
        %get3A_770 = arith.index_cast %get3A_769 : i32 to index
        %get3A_771 = arith.index_cast %add3A_755 : i32 to index
        %get3A_772 = arith.constant 32 : index
        %get3A_773 = tpu.vector_load %arg11[%get3A_770, %get3A_771, %get3A_772] {strides = array<i32>} : memref<2x208x128xf32, #tpu.memory_space<vmem>>, vector<16xf32>,
        %mul3A_774 = arith.mulf %get3A_773, %get3A_321 : vector<16xf32>
        %add3A_775 = arith.addf %add3A_768, %mul3A_774 : vector<16xf32>
        %get3A_776 = arith.constant 0 : i32
        %get3A_777 = arith.index_cast %get3A_776 : i32 to index
        %get3A_778 = arith.index_cast %add3A_755 : i32 to index
        %get3A_779 = arith.constant 48 : index
        %get3A_780 = tpu.vector_load %arg11[%get3A_777, %get3A_778, %get3A_779] {strides = array<i32>} : memref<2x208x128xf32, #tpu.memory_space<vmem>>, vector<16xf32>,
        %mul3A_781 = arith.mulf %get3A_780, %get3A_324 : vector<16xf32>
        %add3A_782 = arith.addf %add3A_775, %mul3A_781 : vector<16xf32>
        %get3A_783 = arith.constant 0 : i32
        %get3A_784 = arith.index_cast %get3A_783 : i32 to index
        %get3A_785 = arith.index_cast %add3A_755 : i32 to index
        %get3A_786 = arith.constant 64 : index
        %get3A_787 = tpu.vector_load %arg11[%get3A_784, %get3A_785, %get3A_786] {strides = array<i32>} : memref<2x208x128xf32, #tpu.memory_space<vmem>>, vector<16xf32>,
        %mul3A_788 = arith.mulf %get3A_787, %get3A_327 : vector<16xf32>
        %add3A_789 = arith.addf %add3A_782, %mul3A_788 : vector<16xf32>
        %get3A_790 = arith.constant 0 : i32
        %get3A_791 = arith.index_cast %get3A_790 : i32 to index
        %get3A_792 = arith.index_cast %add3A_755 : i32 to index
        %get3A_793 = arith.constant 80 : index
        %get3A_794 = tpu.vector_load %arg11[%get3A_791, %get3A_792, %get3A_793] {strides = array<i32>} : memref<2x208x128xf32, #tpu.memory_space<vmem>>, vector<16xf32>,
        %mul3A_795 = arith.mulf %get3A_794, %get3A_330 : vector<16xf32>
        %add3A_796 = arith.addf %add3A_789, %mul3A_795 : vector<16xf32>
        %get3A_797 = arith.constant 0 : i32
        %get3A_798 = arith.index_cast %get3A_797 : i32 to index
        %get3A_799 = arith.index_cast %add3A_755 : i32 to index
        %get3A_800 = arith.constant 96 : index
        %get3A_801 = tpu.vector_load %arg11[%get3A_798, %get3A_799, %get3A_800] {strides = array<i32>} : memref<2x208x128xf32, #tpu.memory_space<vmem>>, vector<16xf32>,
        %mul3A_802 = arith.mulf %get3A_801, %get3A_333 : vector<16xf32>
        %add3A_803 = arith.addf %add3A_796, %mul3A_802 : vector<16xf32>
        %get3A_804 = arith.constant 0 : i32
        %get3A_805 = arith.index_cast %get3A_804 : i32 to index
        %get3A_806 = arith.index_cast %add3A_755 : i32 to index
        %get3A_807 = arith.constant 112 : index
        %get3A_808 = tpu.vector_load %arg11[%get3A_805, %get3A_806, %get3A_807] {strides = array<i32>} : memref<2x208x128xf32, #tpu.memory_space<vmem>>, vector<16xf32>,
        %mul3A_809 = arith.mulf %get3A_808, %get3A_336 : vector<16xf32>
        %add3A_810 = arith.addf %add3A_803, %mul3A_809 : vector<16xf32>
        %eq3A_811 = arith.constant 6 : i32
        %eq3A_812 = vector.broadcast %eq3A_811 : i32 to vector<16xi32>
        %eq3A_813 = arith.cmpi eq, %iota3A, %eq3A_812 : vector<16xi32>
        %reduce_sum3A_814 = arith.constant true
        %reduce_sum3A_815 = vector.broadcast %reduce_sum3A_814 : i1 to vector<16xi1>
        %reduce_sum3A_816 = tpu.scan <sum>, %add3A_810 masked %reduce_sum3A_815 : vector<16xf32>, vector<16xi1> -> vector<16xf32>
        %reduce_sum3A_817 = vector.extract %reduce_sum3A_816[15] : f32 from vector<16xf32>
        %broadcast_in_dim3A_818 = vector.broadcast %reduce_sum3A_817 : f32 to vector<16xf32>
        %select_n3A_819 = arith.select %eq3A_813, %broadcast_in_dim3A_818, %select_n3A_751 : vector<16xi1>, vector<16xf32>
        %mul3A_820 = arith.constant 16 : i32
        %mul3A_821 = arith.muli %scan3A_345, %mul3A_820 : i32
        %add3A_822 = arith.constant 7 : i32
        %add3A_823 = arith.addi %mul3A_821, %add3A_822 : i32
        %get3A_824 = arith.constant 0 : i32
        %get3A_825 = arith.index_cast %get3A_824 : i32 to index
        %get3A_826 = arith.index_cast %add3A_823 : i32 to index
        %get3A_827 = arith.constant 0 : index
        %get3A_828 = tpu.vector_load %arg11[%get3A_825, %get3A_826, %get3A_827] {strides = array<i32>} : memref<2x208x128xf32, #tpu.memory_space<vmem>>, vector<16xf32>,
        %mul3A_829 = arith.mulf %get3A_828, %get3A_315 : vector<16xf32>
        %get3A_830 = arith.constant 0 : i32
        %get3A_831 = arith.index_cast %get3A_830 : i32 to index
        %get3A_832 = arith.index_cast %add3A_823 : i32 to index
        %get3A_833 = arith.constant 16 : index
        %get3A_834 = tpu.vector_load %arg11[%get3A_831, %get3A_832, %get3A_833] {strides = array<i32>} : memref<2x208x128xf32, #tpu.memory_space<vmem>>, vector<16xf32>,
        %mul3A_835 = arith.mulf %get3A_834, %get3A_318 : vector<16xf32>
        %add3A_836 = arith.addf %mul3A_829, %mul3A_835 : vector<16xf32>
        %get3A_837 = arith.constant 0 : i32
        %get3A_838 = arith.index_cast %get3A_837 : i32 to index
        %get3A_839 = arith.index_cast %add3A_823 : i32 to index
        %get3A_840 = arith.constant 32 : index
        %get3A_841 = tpu.vector_load %arg11[%get3A_838, %get3A_839, %get3A_840] {strides = array<i32>} : memref<2x208x128xf32, #tpu.memory_space<vmem>>, vector<16xf32>,
        %mul3A_842 = arith.mulf %get3A_841, %get3A_321 : vector<16xf32>
        %add3A_843 = arith.addf %add3A_836, %mul3A_842 : vector<16xf32>
        %get3A_844 = arith.constant 0 : i32
        %get3A_845 = arith.index_cast %get3A_844 : i32 to index
        %get3A_846 = arith.index_cast %add3A_823 : i32 to index
        %get3A_847 = arith.constant 48 : index
        %get3A_848 = tpu.vector_load %arg11[%get3A_845, %get3A_846, %get3A_847] {strides = array<i32>} : memref<2x208x128xf32, #tpu.memory_space<vmem>>, vector<16xf32>,
        %mul3A_849 = arith.mulf %get3A_848, %get3A_324 : vector<16xf32>
        %add3A_850 = arith.addf %add3A_843, %mul3A_849 : vector<16xf32>
        %get3A_851 = arith.constant 0 : i32
        %get3A_852 = arith.index_cast %get3A_851 : i32 to index
        %get3A_853 = arith.index_cast %add3A_823 : i32 to index
        %get3A_854 = arith.constant 64 : index
        %get3A_855 = tpu.vector_load %arg11[%get3A_852, %get3A_853, %get3A_854] {strides = array<i32>} : memref<2x208x128xf32, #tpu.memory_space<vmem>>, vector<16xf32>,
        %mul3A_856 = arith.mulf %get3A_855, %get3A_327 : vector<16xf32>
        %add3A_857 = arith.addf %add3A_850, %mul3A_856 : vector<16xf32>
        %get3A_858 = arith.constant 0 : i32
        %get3A_859 = arith.index_cast %get3A_858 : i32 to index
        %get3A_860 = arith.index_cast %add3A_823 : i32 to index
        %get3A_861 = arith.constant 80 : index
        %get3A_862 = tpu.vector_load %arg11[%get3A_859, %get3A_860, %get3A_861] {strides = array<i32>} : memref<2x208x128xf32, #tpu.memory_space<vmem>>, vector<16xf32>,
        %mul3A_863 = arith.mulf %get3A_862, %get3A_330 : vector<16xf32>
        %add3A_864 = arith.addf %add3A_857, %mul3A_863 : vector<16xf32>
        %get3A_865 = arith.constant 0 : i32
        %get3A_866 = arith.index_cast %get3A_865 : i32 to index
        %get3A_867 = arith.index_cast %add3A_823 : i32 to index
        %get3A_868 = arith.constant 96 : index
        %get3A_869 = tpu.vector_load %arg11[%get3A_866, %get3A_867, %get3A_868] {strides = array<i32>} : memref<2x208x128xf32, #tpu.memory_space<vmem>>, vector<16xf32>,
        %mul3A_870 = arith.mulf %get3A_869, %get3A_333 : vector<16xf32>
        %add3A_871 = arith.addf %add3A_864, %mul3A_870 : vector<16xf32>
        %get3A_872 = arith.constant 0 : i32
        %get3A_873 = arith.index_cast %get3A_872 : i32 to index
        %get3A_874 = arith.index_cast %add3A_823 : i32 to index
        %get3A_875 = arith.constant 112 : index
        %get3A_876 = tpu.vector_load %arg11[%get3A_873, %get3A_874, %get3A_875] {strides = array<i32>} : memref<2x208x128xf32, #tpu.memory_space<vmem>>, vector<16xf32>,
        %mul3A_877 = arith.mulf %get3A_876, %get3A_336 : vector<16xf32>
        %add3A_878 = arith.addf %add3A_871, %mul3A_877 : vector<16xf32>
        %eq3A_879 = arith.constant 7 : i32
        %eq3A_880 = vector.broadcast %eq3A_879 : i32 to vector<16xi32>
        %eq3A_881 = arith.cmpi eq, %iota3A, %eq3A_880 : vector<16xi32>
        %reduce_sum3A_882 = arith.constant true
        %reduce_sum3A_883 = vector.broadcast %reduce_sum3A_882 : i1 to vector<16xi1>
        %reduce_sum3A_884 = tpu.scan <sum>, %add3A_878 masked %reduce_sum3A_883 : vector<16xf32>, vector<16xi1> -> vector<16xf32>
        %reduce_sum3A_885 = vector.extract %reduce_sum3A_884[15] : f32 from vector<16xf32>
        %broadcast_in_dim3A_886 = vector.broadcast %reduce_sum3A_885 : f32 to vector<16xf32>
        %select_n3A_887 = arith.select %eq3A_881, %broadcast_in_dim3A_886, %select_n3A_819 : vector<16xi1>, vector<16xf32>
        %mul3A_888 = arith.constant 16 : i32
        %mul3A_889 = arith.muli %scan3A_345, %mul3A_888 : i32
        %add3A_890 = arith.constant 8 : i32
        %add3A_891 = arith.addi %mul3A_889, %add3A_890 : i32
        %get3A_892 = arith.constant 0 : i32
        %get3A_893 = arith.index_cast %get3A_892 : i32 to index
        %get3A_894 = arith.index_cast %add3A_891 : i32 to index
        %get3A_895 = arith.constant 0 : index
        %get3A_896 = tpu.vector_load %arg11[%get3A_893, %get3A_894, %get3A_895] {strides = array<i32>} : memref<2x208x128xf32, #tpu.memory_space<vmem>>, vector<16xf32>,
        %mul3A_897 = arith.mulf %get3A_896, %get3A_315 : vector<16xf32>
        %get3A_898 = arith.constant 0 : i32
        %get3A_899 = arith.index_cast %get3A_898 : i32 to index
        %get3A_900 = arith.index_cast %add3A_891 : i32 to index
        %get3A_901 = arith.constant 16 : index
        %get3A_902 = tpu.vector_load %arg11[%get3A_899, %get3A_900, %get3A_901] {strides = array<i32>} : memref<2x208x128xf32, #tpu.memory_space<vmem>>, vector<16xf32>,
        %mul3A_903 = arith.mulf %get3A_902, %get3A_318 : vector<16xf32>
        %add3A_904 = arith.addf %mul3A_897, %mul3A_903 : vector<16xf32>
        %get3A_905 = arith.constant 0 : i32
        %get3A_906 = arith.index_cast %get3A_905 : i32 to index
        %get3A_907 = arith.index_cast %add3A_891 : i32 to index
        %get3A_908 = arith.constant 32 : index
        %get3A_909 = tpu.vector_load %arg11[%get3A_906, %get3A_907, %get3A_908] {strides = array<i32>} : memref<2x208x128xf32, #tpu.memory_space<vmem>>, vector<16xf32>,
        %mul3A_910 = arith.mulf %get3A_909, %get3A_321 : vector<16xf32>
        %add3A_911 = arith.addf %add3A_904, %mul3A_910 : vector<16xf32>
        %get3A_912 = arith.constant 0 : i32
        %get3A_913 = arith.index_cast %get3A_912 : i32 to index
        %get3A_914 = arith.index_cast %add3A_891 : i32 to index
        %get3A_915 = arith.constant 48 : index
        %get3A_916 = tpu.vector_load %arg11[%get3A_913, %get3A_914, %get3A_915] {strides = array<i32>} : memref<2x208x128xf32, #tpu.memory_space<vmem>>, vector<16xf32>,
        %mul3A_917 = arith.mulf %get3A_916, %get3A_324 : vector<16xf32>
        %add3A_918 = arith.addf %add3A_911, %mul3A_917 : vector<16xf32>
        %get3A_919 = arith.constant 0 : i32
        %get3A_920 = arith.index_cast %get3A_919 : i32 to index
        %get3A_921 = arith.index_cast %add3A_891 : i32 to index
        %get3A_922 = arith.constant 64 : index
        %get3A_923 = tpu.vector_load %arg11[%get3A_920, %get3A_921, %get3A_922] {strides = array<i32>} : memref<2x208x128xf32, #tpu.memory_space<vmem>>, vector<16xf32>,
        %mul3A_924 = arith.mulf %get3A_923, %get3A_327 : vector<16xf32>
        %add3A_925 = arith.addf %add3A_918, %mul3A_924 : vector<16xf32>
        %get3A_926 = arith.constant 0 : i32
        %get3A_927 = arith.index_cast %get3A_926 : i32 to index
        %get3A_928 = arith.index_cast %add3A_891 : i32 to index
        %get3A_929 = arith.constant 80 : index
        %get3A_930 = tpu.vector_load %arg11[%get3A_927, %get3A_928, %get3A_929] {strides = array<i32>} : memref<2x208x128xf32, #tpu.memory_space<vmem>>, vector<16xf32>,
        %mul3A_931 = arith.mulf %get3A_930, %get3A_330 : vector<16xf32>
        %add3A_932 = arith.addf %add3A_925, %mul3A_931 : vector<16xf32>
        %get3A_933 = arith.constant 0 : i32
        %get3A_934 = arith.index_cast %get3A_933 : i32 to index
        %get3A_935 = arith.index_cast %add3A_891 : i32 to index
        %get3A_936 = arith.constant 96 : index
        %get3A_937 = tpu.vector_load %arg11[%get3A_934, %get3A_935, %get3A_936] {strides = array<i32>} : memref<2x208x128xf32, #tpu.memory_space<vmem>>, vector<16xf32>,
        %mul3A_938 = arith.mulf %get3A_937, %get3A_333 : vector<16xf32>
        %add3A_939 = arith.addf %add3A_932, %mul3A_938 : vector<16xf32>
        %get3A_940 = arith.constant 0 : i32
        %get3A_941 = arith.index_cast %get3A_940 : i32 to index
        %get3A_942 = arith.index_cast %add3A_891 : i32 to index
        %get3A_943 = arith.constant 112 : index
        %get3A_944 = tpu.vector_load %arg11[%get3A_941, %get3A_942, %get3A_943] {strides = array<i32>} : memref<2x208x128xf32, #tpu.memory_space<vmem>>, vector<16xf32>,
        %mul3A_945 = arith.mulf %get3A_944, %get3A_336 : vector<16xf32>
        %add3A_946 = arith.addf %add3A_939, %mul3A_945 : vector<16xf32>
        %eq3A_947 = arith.constant 8 : i32
        %eq3A_948 = vector.broadcast %eq3A_947 : i32 to vector<16xi32>
        %eq3A_949 = arith.cmpi eq, %iota3A, %eq3A_948 : vector<16xi32>
        %reduce_sum3A_950 = arith.constant true
        %reduce_sum3A_951 = vector.broadcast %reduce_sum3A_950 : i1 to vector<16xi1>
        %reduce_sum3A_952 = tpu.scan <sum>, %add3A_946 masked %reduce_sum3A_951 : vector<16xf32>, vector<16xi1> -> vector<16xf32>
        %reduce_sum3A_953 = vector.extract %reduce_sum3A_952[15] : f32 from vector<16xf32>
        %broadcast_in_dim3A_954 = vector.broadcast %reduce_sum3A_953 : f32 to vector<16xf32>
        %select_n3A_955 = arith.select %eq3A_949, %broadcast_in_dim3A_954, %select_n3A_887 : vector<16xi1>, vector<16xf32>
        %mul3A_956 = arith.constant 16 : i32
        %mul3A_957 = arith.muli %scan3A_345, %mul3A_956 : i32
        %add3A_958 = arith.constant 9 : i32
        %add3A_959 = arith.addi %mul3A_957, %add3A_958 : i32
        %get3A_960 = arith.constant 0 : i32
        %get3A_961 = arith.index_cast %get3A_960 : i32 to index
        %get3A_962 = arith.index_cast %add3A_959 : i32 to index
        %get3A_963 = arith.constant 0 : index
        %get3A_964 = tpu.vector_load %arg11[%get3A_961, %get3A_962, %get3A_963] {strides = array<i32>} : memref<2x208x128xf32, #tpu.memory_space<vmem>>, vector<16xf32>,
        %mul3A_965 = arith.mulf %get3A_964, %get3A_315 : vector<16xf32>
        %get3A_966 = arith.constant 0 : i32
        %get3A_967 = arith.index_cast %get3A_966 : i32 to index
        %get3A_968 = arith.index_cast %add3A_959 : i32 to index
        %get3A_969 = arith.constant 16 : index
        %get3A_970 = tpu.vector_load %arg11[%get3A_967, %get3A_968, %get3A_969] {strides = array<i32>} : memref<2x208x128xf32, #tpu.memory_space<vmem>>, vector<16xf32>,
        %mul3A_971 = arith.mulf %get3A_970, %get3A_318 : vector<16xf32>
        %add3A_972 = arith.addf %mul3A_965, %mul3A_971 : vector<16xf32>
        %get3A_973 = arith.constant 0 : i32
        %get3A_974 = arith.index_cast %get3A_973 : i32 to index
        %get3A_975 = arith.index_cast %add3A_959 : i32 to index
        %get3A_976 = arith.constant 32 : index
        %get3A_977 = tpu.vector_load %arg11[%get3A_974, %get3A_975, %get3A_976] {strides = array<i32>} : memref<2x208x128xf32, #tpu.memory_space<vmem>>, vector<16xf32>,
        %mul3A_978 = arith.mulf %get3A_977, %get3A_321 : vector<16xf32>
        %add3A_979 = arith.addf %add3A_972, %mul3A_978 : vector<16xf32>
        %get3A_980 = arith.constant 0 : i32
        %get3A_981 = arith.index_cast %get3A_980 : i32 to index
        %get3A_982 = arith.index_cast %add3A_959 : i32 to index
        %get3A_983 = arith.constant 48 : index
        %get3A_984 = tpu.vector_load %arg11[%get3A_981, %get3A_982, %get3A_983] {strides = array<i32>} : memref<2x208x128xf32, #tpu.memory_space<vmem>>, vector<16xf32>,
        %mul3A_985 = arith.mulf %get3A_984, %get3A_324 : vector<16xf32>
        %add3A_986 = arith.addf %add3A_979, %mul3A_985 : vector<16xf32>
        %get3A_987 = arith.constant 0 : i32
        %get3A_988 = arith.index_cast %get3A_987 : i32 to index
        %get3A_989 = arith.index_cast %add3A_959 : i32 to index
        %get3A_990 = arith.constant 64 : index
        %get3A_991 = tpu.vector_load %arg11[%get3A_988, %get3A_989, %get3A_990] {strides = array<i32>} : memref<2x208x128xf32, #tpu.memory_space<vmem>>, vector<16xf32>,
        %mul3A_992 = arith.mulf %get3A_991, %get3A_327 : vector<16xf32>
        %add3A_993 = arith.addf %add3A_986, %mul3A_992 : vector<16xf32>
        %get3A_994 = arith.constant 0 : i32
        %get3A_995 = arith.index_cast %get3A_994 : i32 to index
        %get3A_996 = arith.index_cast %add3A_959 : i32 to index
        %get3A_997 = arith.constant 80 : index
        %get3A_998 = tpu.vector_load %arg11[%get3A_995, %get3A_996, %get3A_997] {strides = array<i32>} : memref<2x208x128xf32, #tpu.memory_space<vmem>>, vector<16xf32>,
        %mul3A_999 = arith.mulf %get3A_998, %get3A_330 : vector<16xf32>
        %add3A_1000 = arith.addf %add3A_993, %mul3A_999 : vector<16xf32>
        %get3A_1001 = arith.constant 0 : i32
        %get3A_1002 = arith.index_cast %get3A_1001 : i32 to index
        %get3A_1003 = arith.index_cast %add3A_959 : i32 to index
        %get3A_1004 = arith.constant 96 : index
        %get3A_1005 = tpu.vector_load %arg11[%get3A_1002, %get3A_1003, %get3A_1004] {strides = array<i32>} : memref<2x208x128xf32, #tpu.memory_space<vmem>>, vector<16xf32>,
        %mul3A_1006 = arith.mulf %get3A_1005, %get3A_333 : vector<16xf32>
        %add3A_1007 = arith.addf %add3A_1000, %mul3A_1006 : vector<16xf32>
        %get3A_1008 = arith.constant 0 : i32
        %get3A_1009 = arith.index_cast %get3A_1008 : i32 to index
        %get3A_1010 = arith.index_cast %add3A_959 : i32 to index
        %get3A_1011 = arith.constant 112 : index
        %get3A_1012 = tpu.vector_load %arg11[%get3A_1009, %get3A_1010, %get3A_1011] {strides = array<i32>} : memref<2x208x128xf32, #tpu.memory_space<vmem>>, vector<16xf32>,
        %mul3A_1013 = arith.mulf %get3A_1012, %get3A_336 : vector<16xf32>
        %add3A_1014 = arith.addf %add3A_1007, %mul3A_1013 : vector<16xf32>
        %eq3A_1015 = arith.constant 9 : i32
        %eq3A_1016 = vector.broadcast %eq3A_1015 : i32 to vector<16xi32>
        %eq3A_1017 = arith.cmpi eq, %iota3A, %eq3A_1016 : vector<16xi32>
        %reduce_sum3A_1018 = arith.constant true
        %reduce_sum3A_1019 = vector.broadcast %reduce_sum3A_1018 : i1 to vector<16xi1>
        %reduce_sum3A_1020 = tpu.scan <sum>, %add3A_1014 masked %reduce_sum3A_1019 : vector<16xf32>, vector<16xi1> -> vector<16xf32>
        %reduce_sum3A_1021 = vector.extract %reduce_sum3A_1020[15] : f32 from vector<16xf32>
        %broadcast_in_dim3A_1022 = vector.broadcast %reduce_sum3A_1021 : f32 to vector<16xf32>
        %select_n3A_1023 = arith.select %eq3A_1017, %broadcast_in_dim3A_1022, %select_n3A_955 : vector<16xi1>, vector<16xf32>
        %mul3A_1024 = arith.constant 16 : i32
        %mul3A_1025 = arith.muli %scan3A_345, %mul3A_1024 : i32
        %add3A_1026 = arith.constant 10 : i32
        %add3A_1027 = arith.addi %mul3A_1025, %add3A_1026 : i32
        %get3A_1028 = arith.constant 0 : i32
        %get3A_1029 = arith.index_cast %get3A_1028 : i32 to index
        %get3A_1030 = arith.index_cast %add3A_1027 : i32 to index
        %get3A_1031 = arith.constant 0 : index
        %get3A_1032 = tpu.vector_load %arg11[%get3A_1029, %get3A_1030, %get3A_1031] {strides = array<i32>} : memref<2x208x128xf32, #tpu.memory_space<vmem>>, vector<16xf32>,
        %mul3A_1033 = arith.mulf %get3A_1032, %get3A_315 : vector<16xf32>
        %get3A_1034 = arith.constant 0 : i32
        %get3A_1035 = arith.index_cast %get3A_1034 : i32 to index
        %get3A_1036 = arith.index_cast %add3A_1027 : i32 to index
        %get3A_1037 = arith.constant 16 : index
        %get3A_1038 = tpu.vector_load %arg11[%get3A_1035, %get3A_1036, %get3A_1037] {strides = array<i32>} : memref<2x208x128xf32, #tpu.memory_space<vmem>>, vector<16xf32>,
        %mul3A_1039 = arith.mulf %get3A_1038, %get3A_318 : vector<16xf32>
        %add3A_1040 = arith.addf %mul3A_1033, %mul3A_1039 : vector<16xf32>
        %get3A_1041 = arith.constant 0 : i32
        %get3A_1042 = arith.index_cast %get3A_1041 : i32 to index
        %get3A_1043 = arith.index_cast %add3A_1027 : i32 to index
        %get3A_1044 = arith.constant 32 : index
        %get3A_1045 = tpu.vector_load %arg11[%get3A_1042, %get3A_1043, %get3A_1044] {strides = array<i32>} : memref<2x208x128xf32, #tpu.memory_space<vmem>>, vector<16xf32>,
        %mul3A_1046 = arith.mulf %get3A_1045, %get3A_321 : vector<16xf32>
        %add3A_1047 = arith.addf %add3A_1040, %mul3A_1046 : vector<16xf32>
        %get3A_1048 = arith.constant 0 : i32
        %get3A_1049 = arith.index_cast %get3A_1048 : i32 to index
        %get3A_1050 = arith.index_cast %add3A_1027 : i32 to index
        %get3A_1051 = arith.constant 48 : index
        %get3A_1052 = tpu.vector_load %arg11[%get3A_1049, %get3A_1050, %get3A_1051] {strides = array<i32>} : memref<2x208x128xf32, #tpu.memory_space<vmem>>, vector<16xf32>,
        %mul3A_1053 = arith.mulf %get3A_1052, %get3A_324 : vector<16xf32>
        %add3A_1054 = arith.addf %add3A_1047, %mul3A_1053 : vector<16xf32>
        %get3A_1055 = arith.constant 0 : i32
        %get3A_1056 = arith.index_cast %get3A_1055 : i32 to index
        %get3A_1057 = arith.index_cast %add3A_1027 : i32 to index
        %get3A_1058 = arith.constant 64 : index
        %get3A_1059 = tpu.vector_load %arg11[%get3A_1056, %get3A_1057, %get3A_1058] {strides = array<i32>} : memref<2x208x128xf32, #tpu.memory_space<vmem>>, vector<16xf32>,
        %mul3A_1060 = arith.mulf %get3A_1059, %get3A_327 : vector<16xf32>
        %add3A_1061 = arith.addf %add3A_1054, %mul3A_1060 : vector<16xf32>
        %get3A_1062 = arith.constant 0 : i32
        %get3A_1063 = arith.index_cast %get3A_1062 : i32 to index
        %get3A_1064 = arith.index_cast %add3A_1027 : i32 to index
        %get3A_1065 = arith.constant 80 : index
        %get3A_1066 = tpu.vector_load %arg11[%get3A_1063, %get3A_1064, %get3A_1065] {strides = array<i32>} : memref<2x208x128xf32, #tpu.memory_space<vmem>>, vector<16xf32>,
        %mul3A_1067 = arith.mulf %get3A_1066, %get3A_330 : vector<16xf32>
        %add3A_1068 = arith.addf %add3A_1061, %mul3A_1067 : vector<16xf32>
        %get3A_1069 = arith.constant 0 : i32
        %get3A_1070 = arith.index_cast %get3A_1069 : i32 to index
        %get3A_1071 = arith.index_cast %add3A_1027 : i32 to index
        %get3A_1072 = arith.constant 96 : index
        %get3A_1073 = tpu.vector_load %arg11[%get3A_1070, %get3A_1071, %get3A_1072] {strides = array<i32>} : memref<2x208x128xf32, #tpu.memory_space<vmem>>, vector<16xf32>,
        %mul3A_1074 = arith.mulf %get3A_1073, %get3A_333 : vector<16xf32>
        %add3A_1075 = arith.addf %add3A_1068, %mul3A_1074 : vector<16xf32>
        %get3A_1076 = arith.constant 0 : i32
        %get3A_1077 = arith.index_cast %get3A_1076 : i32 to index
        %get3A_1078 = arith.index_cast %add3A_1027 : i32 to index
        %get3A_1079 = arith.constant 112 : index
        %get3A_1080 = tpu.vector_load %arg11[%get3A_1077, %get3A_1078, %get3A_1079] {strides = array<i32>} : memref<2x208x128xf32, #tpu.memory_space<vmem>>, vector<16xf32>,
        %mul3A_1081 = arith.mulf %get3A_1080, %get3A_336 : vector<16xf32>
        %add3A_1082 = arith.addf %add3A_1075, %mul3A_1081 : vector<16xf32>
        %eq3A_1083 = arith.constant 10 : i32
        %eq3A_1084 = vector.broadcast %eq3A_1083 : i32 to vector<16xi32>
        %eq3A_1085 = arith.cmpi eq, %iota3A, %eq3A_1084 : vector<16xi32>
        %reduce_sum3A_1086 = arith.constant true
        %reduce_sum3A_1087 = vector.broadcast %reduce_sum3A_1086 : i1 to vector<16xi1>
        %reduce_sum3A_1088 = tpu.scan <sum>, %add3A_1082 masked %reduce_sum3A_1087 : vector<16xf32>, vector<16xi1> -> vector<16xf32>
        %reduce_sum3A_1089 = vector.extract %reduce_sum3A_1088[15] : f32 from vector<16xf32>
        %broadcast_in_dim3A_1090 = vector.broadcast %reduce_sum3A_1089 : f32 to vector<16xf32>
        %select_n3A_1091 = arith.select %eq3A_1085, %broadcast_in_dim3A_1090, %select_n3A_1023 : vector<16xi1>, vector<16xf32>
        %mul3A_1092 = arith.constant 16 : i32
        %mul3A_1093 = arith.muli %scan3A_345, %mul3A_1092 : i32
        %add3A_1094 = arith.constant 11 : i32
        %add3A_1095 = arith.addi %mul3A_1093, %add3A_1094 : i32
        %get3A_1096 = arith.constant 0 : i32
        %get3A_1097 = arith.index_cast %get3A_1096 : i32 to index
        %get3A_1098 = arith.index_cast %add3A_1095 : i32 to index
        %get3A_1099 = arith.constant 0 : index
        %get3A_1100 = tpu.vector_load %arg11[%get3A_1097, %get3A_1098, %get3A_1099] {strides = array<i32>} : memref<2x208x128xf32, #tpu.memory_space<vmem>>, vector<16xf32>,
        %mul3A_1101 = arith.mulf %get3A_1100, %get3A_315 : vector<16xf32>
        %get3A_1102 = arith.constant 0 : i32
        %get3A_1103 = arith.index_cast %get3A_1102 : i32 to index
        %get3A_1104 = arith.index_cast %add3A_1095 : i32 to index
        %get3A_1105 = arith.constant 16 : index
        %get3A_1106 = tpu.vector_load %arg11[%get3A_1103, %get3A_1104, %get3A_1105] {strides = array<i32>} : memref<2x208x128xf32, #tpu.memory_space<vmem>>, vector<16xf32>,
        %mul3A_1107 = arith.mulf %get3A_1106, %get3A_318 : vector<16xf32>
        %add3A_1108 = arith.addf %mul3A_1101, %mul3A_1107 : vector<16xf32>
        %get3A_1109 = arith.constant 0 : i32
        %get3A_1110 = arith.index_cast %get3A_1109 : i32 to index
        %get3A_1111 = arith.index_cast %add3A_1095 : i32 to index
        %get3A_1112 = arith.constant 32 : index
        %get3A_1113 = tpu.vector_load %arg11[%get3A_1110, %get3A_1111, %get3A_1112] {strides = array<i32>} : memref<2x208x128xf32, #tpu.memory_space<vmem>>, vector<16xf32>,
        %mul3A_1114 = arith.mulf %get3A_1113, %get3A_321 : vector<16xf32>
        %add3A_1115 = arith.addf %add3A_1108, %mul3A_1114 : vector<16xf32>
        %get3A_1116 = arith.constant 0 : i32
        %get3A_1117 = arith.index_cast %get3A_1116 : i32 to index
        %get3A_1118 = arith.index_cast %add3A_1095 : i32 to index
        %get3A_1119 = arith.constant 48 : index
        %get3A_1120 = tpu.vector_load %arg11[%get3A_1117, %get3A_1118, %get3A_1119] {strides = array<i32>} : memref<2x208x128xf32, #tpu.memory_space<vmem>>, vector<16xf32>,
        %mul3A_1121 = arith.mulf %get3A_1120, %get3A_324 : vector<16xf32>
        %add3A_1122 = arith.addf %add3A_1115, %mul3A_1121 : vector<16xf32>
        %get3A_1123 = arith.constant 0 : i32
        %get3A_1124 = arith.index_cast %get3A_1123 : i32 to index
        %get3A_1125 = arith.index_cast %add3A_1095 : i32 to index
        %get3A_1126 = arith.constant 64 : index
        %get3A_1127 = tpu.vector_load %arg11[%get3A_1124, %get3A_1125, %get3A_1126] {strides = array<i32>} : memref<2x208x128xf32, #tpu.memory_space<vmem>>, vector<16xf32>,
        %mul3A_1128 = arith.mulf %get3A_1127, %get3A_327 : vector<16xf32>
        %add3A_1129 = arith.addf %add3A_1122, %mul3A_1128 : vector<16xf32>
        %get3A_1130 = arith.constant 0 : i32
        %get3A_1131 = arith.index_cast %get3A_1130 : i32 to index
        %get3A_1132 = arith.index_cast %add3A_1095 : i32 to index
        %get3A_1133 = arith.constant 80 : index
        %get3A_1134 = tpu.vector_load %arg11[%get3A_1131, %get3A_1132, %get3A_1133] {strides = array<i32>} : memref<2x208x128xf32, #tpu.memory_space<vmem>>, vector<16xf32>,
        %mul3A_1135 = arith.mulf %get3A_1134, %get3A_330 : vector<16xf32>
        %add3A_1136 = arith.addf %add3A_1129, %mul3A_1135 : vector<16xf32>
        %get3A_1137 = arith.constant 0 : i32
        %get3A_1138 = arith.index_cast %get3A_1137 : i32 to index
        %get3A_1139 = arith.index_cast %add3A_1095 : i32 to index
        %get3A_1140 = arith.constant 96 : index
        %get3A_1141 = tpu.vector_load %arg11[%get3A_1138, %get3A_1139, %get3A_1140] {strides = array<i32>} : memref<2x208x128xf32, #tpu.memory_space<vmem>>, vector<16xf32>,
        %mul3A_1142 = arith.mulf %get3A_1141, %get3A_333 : vector<16xf32>
        %add3A_1143 = arith.addf %add3A_1136, %mul3A_1142 : vector<16xf32>
        %get3A_1144 = arith.constant 0 : i32
        %get3A_1145 = arith.index_cast %get3A_1144 : i32 to index
        %get3A_1146 = arith.index_cast %add3A_1095 : i32 to index
        %get3A_1147 = arith.constant 112 : index
        %get3A_1148 = tpu.vector_load %arg11[%get3A_1145, %get3A_1146, %get3A_1147] {strides = array<i32>} : memref<2x208x128xf32, #tpu.memory_space<vmem>>, vector<16xf32>,
        %mul3A_1149 = arith.mulf %get3A_1148, %get3A_336 : vector<16xf32>
        %add3A_1150 = arith.addf %add3A_1143, %mul3A_1149 : vector<16xf32>
        %eq3A_1151 = arith.constant 11 : i32
        %eq3A_1152 = vector.broadcast %eq3A_1151 : i32 to vector<16xi32>
        %eq3A_1153 = arith.cmpi eq, %iota3A, %eq3A_1152 : vector<16xi32>
        %reduce_sum3A_1154 = arith.constant true
        %reduce_sum3A_1155 = vector.broadcast %reduce_sum3A_1154 : i1 to vector<16xi1>
        %reduce_sum3A_1156 = tpu.scan <sum>, %add3A_1150 masked %reduce_sum3A_1155 : vector<16xf32>, vector<16xi1> -> vector<16xf32>
        %reduce_sum3A_1157 = vector.extract %reduce_sum3A_1156[15] : f32 from vector<16xf32>
        %broadcast_in_dim3A_1158 = vector.broadcast %reduce_sum3A_1157 : f32 to vector<16xf32>
        %select_n3A_1159 = arith.select %eq3A_1153, %broadcast_in_dim3A_1158, %select_n3A_1091 : vector<16xi1>, vector<16xf32>
        %mul3A_1160 = arith.constant 16 : i32
        %mul3A_1161 = arith.muli %scan3A_345, %mul3A_1160 : i32
        %add3A_1162 = arith.constant 12 : i32
        %add3A_1163 = arith.addi %mul3A_1161, %add3A_1162 : i32
        %get3A_1164 = arith.constant 0 : i32
        %get3A_1165 = arith.index_cast %get3A_1164 : i32 to index
        %get3A_1166 = arith.index_cast %add3A_1163 : i32 to index
        %get3A_1167 = arith.constant 0 : index
        %get3A_1168 = tpu.vector_load %arg11[%get3A_1165, %get3A_1166, %get3A_1167] {strides = array<i32>} : memref<2x208x128xf32, #tpu.memory_space<vmem>>, vector<16xf32>,
        %mul3A_1169 = arith.mulf %get3A_1168, %get3A_315 : vector<16xf32>
        %get3A_1170 = arith.constant 0 : i32
        %get3A_1171 = arith.index_cast %get3A_1170 : i32 to index
        %get3A_1172 = arith.index_cast %add3A_1163 : i32 to index
        %get3A_1173 = arith.constant 16 : index
        %get3A_1174 = tpu.vector_load %arg11[%get3A_1171, %get3A_1172, %get3A_1173] {strides = array<i32>} : memref<2x208x128xf32, #tpu.memory_space<vmem>>, vector<16xf32>,
        %mul3A_1175 = arith.mulf %get3A_1174, %get3A_318 : vector<16xf32>
        %add3A_1176 = arith.addf %mul3A_1169, %mul3A_1175 : vector<16xf32>
        %get3A_1177 = arith.constant 0 : i32
        %get3A_1178 = arith.index_cast %get3A_1177 : i32 to index
        %get3A_1179 = arith.index_cast %add3A_1163 : i32 to index
        %get3A_1180 = arith.constant 32 : index
        %get3A_1181 = tpu.vector_load %arg11[%get3A_1178, %get3A_1179, %get3A_1180] {strides = array<i32>} : memref<2x208x128xf32, #tpu.memory_space<vmem>>, vector<16xf32>,
        %mul3A_1182 = arith.mulf %get3A_1181, %get3A_321 : vector<16xf32>
        %add3A_1183 = arith.addf %add3A_1176, %mul3A_1182 : vector<16xf32>
        %get3A_1184 = arith.constant 0 : i32
        %get3A_1185 = arith.index_cast %get3A_1184 : i32 to index
        %get3A_1186 = arith.index_cast %add3A_1163 : i32 to index
        %get3A_1187 = arith.constant 48 : index
        %get3A_1188 = tpu.vector_load %arg11[%get3A_1185, %get3A_1186, %get3A_1187] {strides = array<i32>} : memref<2x208x128xf32, #tpu.memory_space<vmem>>, vector<16xf32>,
        %mul3A_1189 = arith.mulf %get3A_1188, %get3A_324 : vector<16xf32>
        %add3A_1190 = arith.addf %add3A_1183, %mul3A_1189 : vector<16xf32>
        %get3A_1191 = arith.constant 0 : i32
        %get3A_1192 = arith.index_cast %get3A_1191 : i32 to index
        %get3A_1193 = arith.index_cast %add3A_1163 : i32 to index
        %get3A_1194 = arith.constant 64 : index
        %get3A_1195 = tpu.vector_load %arg11[%get3A_1192, %get3A_1193, %get3A_1194] {strides = array<i32>} : memref<2x208x128xf32, #tpu.memory_space<vmem>>, vector<16xf32>,
        %mul3A_1196 = arith.mulf %get3A_1195, %get3A_327 : vector<16xf32>
        %add3A_1197 = arith.addf %add3A_1190, %mul3A_1196 : vector<16xf32>
        %get3A_1198 = arith.constant 0 : i32
        %get3A_1199 = arith.index_cast %get3A_1198 : i32 to index
        %get3A_1200 = arith.index_cast %add3A_1163 : i32 to index
        %get3A_1201 = arith.constant 80 : index
        %get3A_1202 = tpu.vector_load %arg11[%get3A_1199, %get3A_1200, %get3A_1201] {strides = array<i32>} : memref<2x208x128xf32, #tpu.memory_space<vmem>>, vector<16xf32>,
        %mul3A_1203 = arith.mulf %get3A_1202, %get3A_330 : vector<16xf32>
        %add3A_1204 = arith.addf %add3A_1197, %mul3A_1203 : vector<16xf32>
        %get3A_1205 = arith.constant 0 : i32
        %get3A_1206 = arith.index_cast %get3A_1205 : i32 to index
        %get3A_1207 = arith.index_cast %add3A_1163 : i32 to index
        %get3A_1208 = arith.constant 96 : index
        %get3A_1209 = tpu.vector_load %arg11[%get3A_1206, %get3A_1207, %get3A_1208] {strides = array<i32>} : memref<2x208x128xf32, #tpu.memory_space<vmem>>, vector<16xf32>,
        %mul3A_1210 = arith.mulf %get3A_1209, %get3A_333 : vector<16xf32>
        %add3A_1211 = arith.addf %add3A_1204, %mul3A_1210 : vector<16xf32>
        %get3A_1212 = arith.constant 0 : i32
        %get3A_1213 = arith.index_cast %get3A_1212 : i32 to index
        %get3A_1214 = arith.index_cast %add3A_1163 : i32 to index
        %get3A_1215 = arith.constant 112 : index
        %get3A_1216 = tpu.vector_load %arg11[%get3A_1213, %get3A_1214, %get3A_1215] {strides = array<i32>} : memref<2x208x128xf32, #tpu.memory_space<vmem>>, vector<16xf32>,
        %mul3A_1217 = arith.mulf %get3A_1216, %get3A_336 : vector<16xf32>
        %add3A_1218 = arith.addf %add3A_1211, %mul3A_1217 : vector<16xf32>
        %eq3A_1219 = arith.constant 12 : i32
        %eq3A_1220 = vector.broadcast %eq3A_1219 : i32 to vector<16xi32>
        %eq3A_1221 = arith.cmpi eq, %iota3A, %eq3A_1220 : vector<16xi32>
        %reduce_sum3A_1222 = arith.constant true
        %reduce_sum3A_1223 = vector.broadcast %reduce_sum3A_1222 : i1 to vector<16xi1>
        %reduce_sum3A_1224 = tpu.scan <sum>, %add3A_1218 masked %reduce_sum3A_1223 : vector<16xf32>, vector<16xi1> -> vector<16xf32>
        %reduce_sum3A_1225 = vector.extract %reduce_sum3A_1224[15] : f32 from vector<16xf32>
        %broadcast_in_dim3A_1226 = vector.broadcast %reduce_sum3A_1225 : f32 to vector<16xf32>
        %select_n3A_1227 = arith.select %eq3A_1221, %broadcast_in_dim3A_1226, %select_n3A_1159 : vector<16xi1>, vector<16xf32>
        %mul3A_1228 = arith.constant 16 : i32
        %mul3A_1229 = arith.muli %scan3A_345, %mul3A_1228 : i32
        %add3A_1230 = arith.constant 13 : i32
        %add3A_1231 = arith.addi %mul3A_1229, %add3A_1230 : i32
        %get3A_1232 = arith.constant 0 : i32
        %get3A_1233 = arith.index_cast %get3A_1232 : i32 to index
        %get3A_1234 = arith.index_cast %add3A_1231 : i32 to index
        %get3A_1235 = arith.constant 0 : index
        %get3A_1236 = tpu.vector_load %arg11[%get3A_1233, %get3A_1234, %get3A_1235] {strides = array<i32>} : memref<2x208x128xf32, #tpu.memory_space<vmem>>, vector<16xf32>,
        %mul3A_1237 = arith.mulf %get3A_1236, %get3A_315 : vector<16xf32>
        %get3A_1238 = arith.constant 0 : i32
        %get3A_1239 = arith.index_cast %get3A_1238 : i32 to index
        %get3A_1240 = arith.index_cast %add3A_1231 : i32 to index
        %get3A_1241 = arith.constant 16 : index
        %get3A_1242 = tpu.vector_load %arg11[%get3A_1239, %get3A_1240, %get3A_1241] {strides = array<i32>} : memref<2x208x128xf32, #tpu.memory_space<vmem>>, vector<16xf32>,
        %mul3A_1243 = arith.mulf %get3A_1242, %get3A_318 : vector<16xf32>
        %add3A_1244 = arith.addf %mul3A_1237, %mul3A_1243 : vector<16xf32>
        %get3A_1245 = arith.constant 0 : i32
        %get3A_1246 = arith.index_cast %get3A_1245 : i32 to index
        %get3A_1247 = arith.index_cast %add3A_1231 : i32 to index
        %get3A_1248 = arith.constant 32 : index
        %get3A_1249 = tpu.vector_load %arg11[%get3A_1246, %get3A_1247, %get3A_1248] {strides = array<i32>} : memref<2x208x128xf32, #tpu.memory_space<vmem>>, vector<16xf32>,
        %mul3A_1250 = arith.mulf %get3A_1249, %get3A_321 : vector<16xf32>
        %add3A_1251 = arith.addf %add3A_1244, %mul3A_1250 : vector<16xf32>
        %get3A_1252 = arith.constant 0 : i32
        %get3A_1253 = arith.index_cast %get3A_1252 : i32 to index
        %get3A_1254 = arith.index_cast %add3A_1231 : i32 to index
        %get3A_1255 = arith.constant 48 : index
        %get3A_1256 = tpu.vector_load %arg11[%get3A_1253, %get3A_1254, %get3A_1255] {strides = array<i32>} : memref<2x208x128xf32, #tpu.memory_space<vmem>>, vector<16xf32>,
        %mul3A_1257 = arith.mulf %get3A_1256, %get3A_324 : vector<16xf32>
        %add3A_1258 = arith.addf %add3A_1251, %mul3A_1257 : vector<16xf32>
        %get3A_1259 = arith.constant 0 : i32
        %get3A_1260 = arith.index_cast %get3A_1259 : i32 to index
        %get3A_1261 = arith.index_cast %add3A_1231 : i32 to index
        %get3A_1262 = arith.constant 64 : index
        %get3A_1263 = tpu.vector_load %arg11[%get3A_1260, %get3A_1261, %get3A_1262] {strides = array<i32>} : memref<2x208x128xf32, #tpu.memory_space<vmem>>, vector<16xf32>,
        %mul3A_1264 = arith.mulf %get3A_1263, %get3A_327 : vector<16xf32>
        %add3A_1265 = arith.addf %add3A_1258, %mul3A_1264 : vector<16xf32>
        %get3A_1266 = arith.constant 0 : i32
        %get3A_1267 = arith.index_cast %get3A_1266 : i32 to index
        %get3A_1268 = arith.index_cast %add3A_1231 : i32 to index
        %get3A_1269 = arith.constant 80 : index
        %get3A_1270 = tpu.vector_load %arg11[%get3A_1267, %get3A_1268, %get3A_1269] {strides = array<i32>} : memref<2x208x128xf32, #tpu.memory_space<vmem>>, vector<16xf32>,
        %mul3A_1271 = arith.mulf %get3A_1270, %get3A_330 : vector<16xf32>
        %add3A_1272 = arith.addf %add3A_1265, %mul3A_1271 : vector<16xf32>
        %get3A_1273 = arith.constant 0 : i32
        %get3A_1274 = arith.index_cast %get3A_1273 : i32 to index
        %get3A_1275 = arith.index_cast %add3A_1231 : i32 to index
        %get3A_1276 = arith.constant 96 : index
        %get3A_1277 = tpu.vector_load %arg11[%get3A_1274, %get3A_1275, %get3A_1276] {strides = array<i32>} : memref<2x208x128xf32, #tpu.memory_space<vmem>>, vector<16xf32>,
        %mul3A_1278 = arith.mulf %get3A_1277, %get3A_333 : vector<16xf32>
        %add3A_1279 = arith.addf %add3A_1272, %mul3A_1278 : vector<16xf32>
        %get3A_1280 = arith.constant 0 : i32
        %get3A_1281 = arith.index_cast %get3A_1280 : i32 to index
        %get3A_1282 = arith.index_cast %add3A_1231 : i32 to index
        %get3A_1283 = arith.constant 112 : index
        %get3A_1284 = tpu.vector_load %arg11[%get3A_1281, %get3A_1282, %get3A_1283] {strides = array<i32>} : memref<2x208x128xf32, #tpu.memory_space<vmem>>, vector<16xf32>,
        %mul3A_1285 = arith.mulf %get3A_1284, %get3A_336 : vector<16xf32>
        %add3A_1286 = arith.addf %add3A_1279, %mul3A_1285 : vector<16xf32>
        %eq3A_1287 = arith.constant 13 : i32
        %eq3A_1288 = vector.broadcast %eq3A_1287 : i32 to vector<16xi32>
        %eq3A_1289 = arith.cmpi eq, %iota3A, %eq3A_1288 : vector<16xi32>
        %reduce_sum3A_1290 = arith.constant true
        %reduce_sum3A_1291 = vector.broadcast %reduce_sum3A_1290 : i1 to vector<16xi1>
        %reduce_sum3A_1292 = tpu.scan <sum>, %add3A_1286 masked %reduce_sum3A_1291 : vector<16xf32>, vector<16xi1> -> vector<16xf32>
        %reduce_sum3A_1293 = vector.extract %reduce_sum3A_1292[15] : f32 from vector<16xf32>
        %broadcast_in_dim3A_1294 = vector.broadcast %reduce_sum3A_1293 : f32 to vector<16xf32>
        %select_n3A_1295 = arith.select %eq3A_1289, %broadcast_in_dim3A_1294, %select_n3A_1227 : vector<16xi1>, vector<16xf32>
        %mul3A_1296 = arith.constant 16 : i32
        %mul3A_1297 = arith.muli %scan3A_345, %mul3A_1296 : i32
        %add3A_1298 = arith.constant 14 : i32
        %add3A_1299 = arith.addi %mul3A_1297, %add3A_1298 : i32
        %get3A_1300 = arith.constant 0 : i32
        %get3A_1301 = arith.index_cast %get3A_1300 : i32 to index
        %get3A_1302 = arith.index_cast %add3A_1299 : i32 to index
        %get3A_1303 = arith.constant 0 : index
        %get3A_1304 = tpu.vector_load %arg11[%get3A_1301, %get3A_1302, %get3A_1303] {strides = array<i32>} : memref<2x208x128xf32, #tpu.memory_space<vmem>>, vector<16xf32>,
        %mul3A_1305 = arith.mulf %get3A_1304, %get3A_315 : vector<16xf32>
        %get3A_1306 = arith.constant 0 : i32
        %get3A_1307 = arith.index_cast %get3A_1306 : i32 to index
        %get3A_1308 = arith.index_cast %add3A_1299 : i32 to index
        %get3A_1309 = arith.constant 16 : index
        %get3A_1310 = tpu.vector_load %arg11[%get3A_1307, %get3A_1308, %get3A_1309] {strides = array<i32>} : memref<2x208x128xf32, #tpu.memory_space<vmem>>, vector<16xf32>,
        %mul3A_1311 = arith.mulf %get3A_1310, %get3A_318 : vector<16xf32>
        %add3A_1312 = arith.addf %mul3A_1305, %mul3A_1311 : vector<16xf32>
        %get3A_1313 = arith.constant 0 : i32
        %get3A_1314 = arith.index_cast %get3A_1313 : i32 to index
        %get3A_1315 = arith.index_cast %add3A_1299 : i32 to index
        %get3A_1316 = arith.constant 32 : index
        %get3A_1317 = tpu.vector_load %arg11[%get3A_1314, %get3A_1315, %get3A_1316] {strides = array<i32>} : memref<2x208x128xf32, #tpu.memory_space<vmem>>, vector<16xf32>,
        %mul3A_1318 = arith.mulf %get3A_1317, %get3A_321 : vector<16xf32>
        %add3A_1319 = arith.addf %add3A_1312, %mul3A_1318 : vector<16xf32>
        %get3A_1320 = arith.constant 0 : i32
        %get3A_1321 = arith.index_cast %get3A_1320 : i32 to index
        %get3A_1322 = arith.index_cast %add3A_1299 : i32 to index
        %get3A_1323 = arith.constant 48 : index
        %get3A_1324 = tpu.vector_load %arg11[%get3A_1321, %get3A_1322, %get3A_1323] {strides = array<i32>} : memref<2x208x128xf32, #tpu.memory_space<vmem>>, vector<16xf32>,
        %mul3A_1325 = arith.mulf %get3A_1324, %get3A_324 : vector<16xf32>
        %add3A_1326 = arith.addf %add3A_1319, %mul3A_1325 : vector<16xf32>
        %get3A_1327 = arith.constant 0 : i32
        %get3A_1328 = arith.index_cast %get3A_1327 : i32 to index
        %get3A_1329 = arith.index_cast %add3A_1299 : i32 to index
        %get3A_1330 = arith.constant 64 : index
        %get3A_1331 = tpu.vector_load %arg11[%get3A_1328, %get3A_1329, %get3A_1330] {strides = array<i32>} : memref<2x208x128xf32, #tpu.memory_space<vmem>>, vector<16xf32>,
        %mul3A_1332 = arith.mulf %get3A_1331, %get3A_327 : vector<16xf32>
        %add3A_1333 = arith.addf %add3A_1326, %mul3A_1332 : vector<16xf32>
        %get3A_1334 = arith.constant 0 : i32
        %get3A_1335 = arith.index_cast %get3A_1334 : i32 to index
        %get3A_1336 = arith.index_cast %add3A_1299 : i32 to index
        %get3A_1337 = arith.constant 80 : index
        %get3A_1338 = tpu.vector_load %arg11[%get3A_1335, %get3A_1336, %get3A_1337] {strides = array<i32>} : memref<2x208x128xf32, #tpu.memory_space<vmem>>, vector<16xf32>,
        %mul3A_1339 = arith.mulf %get3A_1338, %get3A_330 : vector<16xf32>
        %add3A_1340 = arith.addf %add3A_1333, %mul3A_1339 : vector<16xf32>
        %get3A_1341 = arith.constant 0 : i32
        %get3A_1342 = arith.index_cast %get3A_1341 : i32 to index
        %get3A_1343 = arith.index_cast %add3A_1299 : i32 to index
        %get3A_1344 = arith.constant 96 : index
        %get3A_1345 = tpu.vector_load %arg11[%get3A_1342, %get3A_1343, %get3A_1344] {strides = array<i32>} : memref<2x208x128xf32, #tpu.memory_space<vmem>>, vector<16xf32>,
        %mul3A_1346 = arith.mulf %get3A_1345, %get3A_333 : vector<16xf32>
        %add3A_1347 = arith.addf %add3A_1340, %mul3A_1346 : vector<16xf32>
        %get3A_1348 = arith.constant 0 : i32
        %get3A_1349 = arith.index_cast %get3A_1348 : i32 to index
        %get3A_1350 = arith.index_cast %add3A_1299 : i32 to index
        %get3A_1351 = arith.constant 112 : index
        %get3A_1352 = tpu.vector_load %arg11[%get3A_1349, %get3A_1350, %get3A_1351] {strides = array<i32>} : memref<2x208x128xf32, #tpu.memory_space<vmem>>, vector<16xf32>,
        %mul3A_1353 = arith.mulf %get3A_1352, %get3A_336 : vector<16xf32>
        %add3A_1354 = arith.addf %add3A_1347, %mul3A_1353 : vector<16xf32>
        %eq3A_1355 = arith.constant 14 : i32
        %eq3A_1356 = vector.broadcast %eq3A_1355 : i32 to vector<16xi32>
        %eq3A_1357 = arith.cmpi eq, %iota3A, %eq3A_1356 : vector<16xi32>
        %reduce_sum3A_1358 = arith.constant true
        %reduce_sum3A_1359 = vector.broadcast %reduce_sum3A_1358 : i1 to vector<16xi1>
        %reduce_sum3A_1360 = tpu.scan <sum>, %add3A_1354 masked %reduce_sum3A_1359 : vector<16xf32>, vector<16xi1> -> vector<16xf32>
        %reduce_sum3A_1361 = vector.extract %reduce_sum3A_1360[15] : f32 from vector<16xf32>
        %broadcast_in_dim3A_1362 = vector.broadcast %reduce_sum3A_1361 : f32 to vector<16xf32>
        %select_n3A_1363 = arith.select %eq3A_1357, %broadcast_in_dim3A_1362, %select_n3A_1295 : vector<16xi1>, vector<16xf32>
        %mul3A_1364 = arith.constant 16 : i32
        %mul3A_1365 = arith.muli %scan3A_345, %mul3A_1364 : i32
        %add3A_1366 = arith.constant 15 : i32
        %add3A_1367 = arith.addi %mul3A_1365, %add3A_1366 : i32
        %get3A_1368 = arith.constant 0 : i32
        %get3A_1369 = arith.index_cast %get3A_1368 : i32 to index
        %get3A_1370 = arith.index_cast %add3A_1367 : i32 to index
        %get3A_1371 = arith.constant 0 : index
        %get3A_1372 = tpu.vector_load %arg11[%get3A_1369, %get3A_1370, %get3A_1371] {strides = array<i32>} : memref<2x208x128xf32, #tpu.memory_space<vmem>>, vector<16xf32>,
        %mul3A_1373 = arith.mulf %get3A_1372, %get3A_315 : vector<16xf32>
        %get3A_1374 = arith.constant 0 : i32
        %get3A_1375 = arith.index_cast %get3A_1374 : i32 to index
        %get3A_1376 = arith.index_cast %add3A_1367 : i32 to index
        %get3A_1377 = arith.constant 16 : index
        %get3A_1378 = tpu.vector_load %arg11[%get3A_1375, %get3A_1376, %get3A_1377] {strides = array<i32>} : memref<2x208x128xf32, #tpu.memory_space<vmem>>, vector<16xf32>,
        %mul3A_1379 = arith.mulf %get3A_1378, %get3A_318 : vector<16xf32>
        %add3A_1380 = arith.addf %mul3A_1373, %mul3A_1379 : vector<16xf32>
        %get3A_1381 = arith.constant 0 : i32
        %get3A_1382 = arith.index_cast %get3A_1381 : i32 to index
        %get3A_1383 = arith.index_cast %add3A_1367 : i32 to index
        %get3A_1384 = arith.constant 32 : index
        %get3A_1385 = tpu.vector_load %arg11[%get3A_1382, %get3A_1383, %get3A_1384] {strides = array<i32>} : memref<2x208x128xf32, #tpu.memory_space<vmem>>, vector<16xf32>,
        %mul3A_1386 = arith.mulf %get3A_1385, %get3A_321 : vector<16xf32>
        %add3A_1387 = arith.addf %add3A_1380, %mul3A_1386 : vector<16xf32>
        %get3A_1388 = arith.constant 0 : i32
        %get3A_1389 = arith.index_cast %get3A_1388 : i32 to index
        %get3A_1390 = arith.index_cast %add3A_1367 : i32 to index
        %get3A_1391 = arith.constant 48 : index
        %get3A_1392 = tpu.vector_load %arg11[%get3A_1389, %get3A_1390, %get3A_1391] {strides = array<i32>} : memref<2x208x128xf32, #tpu.memory_space<vmem>>, vector<16xf32>,
        %mul3A_1393 = arith.mulf %get3A_1392, %get3A_324 : vector<16xf32>
        %add3A_1394 = arith.addf %add3A_1387, %mul3A_1393 : vector<16xf32>
        %get3A_1395 = arith.constant 0 : i32
        %get3A_1396 = arith.index_cast %get3A_1395 : i32 to index
        %get3A_1397 = arith.index_cast %add3A_1367 : i32 to index
        %get3A_1398 = arith.constant 64 : index
        %get3A_1399 = tpu.vector_load %arg11[%get3A_1396, %get3A_1397, %get3A_1398] {strides = array<i32>} : memref<2x208x128xf32, #tpu.memory_space<vmem>>, vector<16xf32>,
        %mul3A_1400 = arith.mulf %get3A_1399, %get3A_327 : vector<16xf32>
        %add3A_1401 = arith.addf %add3A_1394, %mul3A_1400 : vector<16xf32>
        %get3A_1402 = arith.constant 0 : i32
        %get3A_1403 = arith.index_cast %get3A_1402 : i32 to index
        %get3A_1404 = arith.index_cast %add3A_1367 : i32 to index
        %get3A_1405 = arith.constant 80 : index
        %get3A_1406 = tpu.vector_load %arg11[%get3A_1403, %get3A_1404, %get3A_1405] {strides = array<i32>} : memref<2x208x128xf32, #tpu.memory_space<vmem>>, vector<16xf32>,
        %mul3A_1407 = arith.mulf %get3A_1406, %get3A_330 : vector<16xf32>
        %add3A_1408 = arith.addf %add3A_1401, %mul3A_1407 : vector<16xf32>
        %get3A_1409 = arith.constant 0 : i32
        %get3A_1410 = arith.index_cast %get3A_1409 : i32 to index
        %get3A_1411 = arith.index_cast %add3A_1367 : i32 to index
        %get3A_1412 = arith.constant 96 : index
        %get3A_1413 = tpu.vector_load %arg11[%get3A_1410, %get3A_1411, %get3A_1412] {strides = array<i32>} : memref<2x208x128xf32, #tpu.memory_space<vmem>>, vector<16xf32>,
        %mul3A_1414 = arith.mulf %get3A_1413, %get3A_333 : vector<16xf32>
        %add3A_1415 = arith.addf %add3A_1408, %mul3A_1414 : vector<16xf32>
        %get3A_1416 = arith.constant 0 : i32
        %get3A_1417 = arith.index_cast %get3A_1416 : i32 to index
        %get3A_1418 = arith.index_cast %add3A_1367 : i32 to index
        %get3A_1419 = arith.constant 112 : index
        %get3A_1420 = tpu.vector_load %arg11[%get3A_1417, %get3A_1418, %get3A_1419] {strides = array<i32>} : memref<2x208x128xf32, #tpu.memory_space<vmem>>, vector<16xf32>,
        %mul3A_1421 = arith.mulf %get3A_1420, %get3A_336 : vector<16xf32>
        %add3A_1422 = arith.addf %add3A_1415, %mul3A_1421 : vector<16xf32>
        %eq3A_1423 = arith.constant 15 : i32
        %eq3A_1424 = vector.broadcast %eq3A_1423 : i32 to vector<16xi32>
        %eq3A_1425 = arith.cmpi eq, %iota3A, %eq3A_1424 : vector<16xi32>
        %reduce_sum3A_1426 = arith.constant true
        %reduce_sum3A_1427 = vector.broadcast %reduce_sum3A_1426 : i1 to vector<16xi1>
        %reduce_sum3A_1428 = tpu.scan <sum>, %add3A_1422 masked %reduce_sum3A_1427 : vector<16xf32>, vector<16xi1> -> vector<16xf32>
        %reduce_sum3A_1429 = vector.extract %reduce_sum3A_1428[15] : f32 from vector<16xf32>
        %broadcast_in_dim3A_1430 = vector.broadcast %reduce_sum3A_1429 : f32 to vector<16xf32>
        %select_n3A_1431 = arith.select %eq3A_1425, %broadcast_in_dim3A_1430, %select_n3A_1363 : vector<16xi1>, vector<16xf32>
        %mul3A_1432 = arith.constant 16 : i32
        %mul3A_1433 = arith.muli %scan3A_345, %mul3A_1432 : i32
        %swap3A = arith.index_cast %mul3A_1433 : i32 to index
        %swap3A_1434 = tpu.vector_load %arg14[%swap3A] {strides = array<i32>} : memref<208xf32, #tpu.memory_space<vmem>>, vector<16xf32>,
        tpu.vector_store %arg14[%swap3A], %select_n3A_1431 {strides = array<i32>} : memref<208xf32, #tpu.memory_space<vmem>>, vector<16xf32>,
      }
      %scan3A_342 = arith.constant 13 : i32
      %mul3A_343 = arith.constant 208 : i32
      %mul3A_344 = arith.muli %add3A_271, %mul3A_343 : i32
      "tpu.region"() ({
        %run_scoped3A = tpu.sem_alloc : memref<!tpu.dma_semaphore, #tpu.memory_space<semaphore_mem>>
        %dma_start3A_345 = tpu.memref_slice %arg7[%mul3A_344] : memref<3407872xf32, #tpu.memory_space<hbm>> -> memref<208xf32, #tpu.memory_space<hbm>>
        %dma_start3A_346 = tpu.memref_slice %arg7[%mul3A_344] : memref<3407872xf32, #tpu.memory_space<hbm>> -> memref<208xf32, #tpu.memory_space<hbm>>
        tpu.enqueue_dma source(%arg14 : memref<208xf32, #tpu.memory_space<vmem>>) target(%dma_start3A_346 : memref<208xf32, #tpu.memory_space<hbm>>) target_semaphore(%run_scoped3A : memref<!tpu.dma_semaphore, #tpu.memory_space<semaphore_mem>>)
        %dma_wait3A_347 = tpu.memref_slice %arg7[%mul3A_344] : memref<3407872xf32, #tpu.memory_space<hbm>> -> memref<208xf32, #tpu.memory_space<hbm>>
        %dma_wait3A_348 = tpu.memref_slice %arg7[%mul3A_344] : memref<3407872xf32, #tpu.memory_space<hbm>> -> memref<208xf32, #tpu.memory_space<hbm>>
        tpu.wait_dma2 semaphore(%run_scoped3A : memref<!tpu.dma_semaphore, #tpu.memory_space<semaphore_mem>>) src(%arg14 : memref<208xf32, #tpu.memory_space<vmem>>) dst(%dma_wait3A_348 : memref<208xf32, #tpu.memory_space<hbm>>)
        tpu.yield
      }) : () -> ()
    }
    %scan3A_269 = arith.constant 512 : i32
    return
  }
}

module attributes {stable_mosaic.version = 14 : i64} {
  func.func @_loss_kernel(%arg0: i32, %arg1: memref<1024x16xf32, #tpu.memory_space<vmem>>, %arg2: memref<1024x208xf32, #tpu.memory_space<vmem>>, %arg3: memref<1x1xf32, #tpu.memory_space<smem>>) attributes {dimension_semantics = [#tpu.dimension_semantics<arbitrary>], iteration_bounds = array<i64: 16>, scalar_prefetch = 0 : i64, scratch_operands = 0 : i64, tpu.core_type = #tpu.core_type<tc>, window_params = [{transform_indices = @transform_0, window_bounds = array<i64: 1024, 16>}, {transform_indices = @transform_1, window_bounds = array<i64: 1024, 208>}, {transform_indices = @transform_2, window_bounds = array<i64: 1, 1>}]} {
    %get3A = arith.constant 0 : index
    %get3A_0 = arith.constant 0 : index
    %get3A_1 = vector.load %arg1[%get3A, %get3A_0] : memref<1024x16xf32, #tpu.memory_space<vmem>>, vector<1024x16xf32>
    %reduce_sum3A = arith.constant dense<0.000000e+00> : vector<1024xf32>
    %reduce_sum3A_2 = vector.multi_reduction <add>, %get3A_1, %reduce_sum3A [1] : vector<1024x16xf32> to vector<1024xf32>
    %broadcast_in_dim3A = vector.shape_cast %reduce_sum3A_2 : vector<1024xf32> to vector<1024x1xf32>
    %mul3A = arith.constant 5.000000e+00 : f32
    %mul3A_3 = vector.broadcast %mul3A : f32 to vector<1024x1xf32>
    %mul3A_4 = arith.mulf %broadcast_in_dim3A, %mul3A_3 : vector<1024x1xf32>
    %get3A_5 = arith.constant 0 : index
    %get3A_6 = arith.constant 0 : index
    %get3A_7 = vector.load %arg2[%get3A_5, %get3A_6] : memref<1024x208xf32, #tpu.memory_space<vmem>>, vector<1024x208xf32>
    %mul3A_8 = arith.constant 5.000000e+00 : f32
    %mul3A_9 = vector.broadcast %mul3A_8 : f32 to vector<1024x208xf32>
    %mul3A_10 = arith.mulf %get3A_7, %mul3A_9 : vector<1024x208xf32>
    %iota3A = tpu.iota {dimensions = array<i32: 1>} : vector<1024x208xi32>
    %lt3A = arith.constant 200 : i32
    %lt3A_11 = vector.broadcast %lt3A : i32 to vector<1024x208xi32>
    %lt3A_12 = arith.cmpi slt, %iota3A, %lt3A_11 : vector<1024x208xi32>
    %neg3A = arith.constant 0.000000e+00 : f32
    %neg3A_13 = vector.broadcast %neg3A : f32 to vector<1024x208xf32>
    %neg3A_14 = arith.subf %neg3A_13, %mul3A_10 : vector<1024x208xf32>
    %min3A = arith.constant 0.000000e+00 : f32
    %min3A_15 = vector.broadcast %min3A : f32 to vector<1024x208xf32>
    %min3A_16 = arith.minimumf %neg3A_14, %min3A_15 : vector<1024x208xf32>
    %abs3A = math.absf %neg3A_14 : vector<1024x208xf32>
    %neg3A_17 = arith.constant 0.000000e+00 : f32
    %neg3A_18 = vector.broadcast %neg3A_17 : f32 to vector<1024x208xf32>
    %neg3A_19 = arith.subf %neg3A_18, %abs3A : vector<1024x208xf32>
    %exp3A = math.exp %neg3A_19 : vector<1024x208xf32>
    %log1p3A = math.log1p %exp3A : vector<1024x208xf32>
    %sub3A = arith.subf %min3A_16, %log1p3A : vector<1024x208xf32>
    %jit3A = arith.constant 0.000000e+00 : f32
    %broadcast_in_dim3A_20 = vector.broadcast %jit3A : f32 to vector<1024x208xf32>
    %select_n3A = arith.select %lt3A_12, %sub3A, %broadcast_in_dim3A_20 : vector<1024x208xi1>, vector<1024x208xf32>
    %min3A_21 = arith.constant 0.000000e+00 : f32
    %min3A_22 = vector.broadcast %min3A_21 : f32 to vector<1024x1xf32>
    %min3A_23 = arith.minimumf %mul3A_4, %min3A_22 : vector<1024x1xf32>
    %abs3A_24 = math.absf %mul3A_4 : vector<1024x1xf32>
    %neg3A_25 = arith.constant 0.000000e+00 : f32
    %neg3A_26 = vector.broadcast %neg3A_25 : f32 to vector<1024x1xf32>
    %neg3A_27 = arith.subf %neg3A_26, %abs3A_24 : vector<1024x1xf32>
    %exp3A_28 = math.exp %neg3A_27 : vector<1024x1xf32>
    %log1p3A_29 = math.log1p %exp3A_28 : vector<1024x1xf32>
    %sub3A_30 = arith.subf %min3A_23, %log1p3A_29 : vector<1024x1xf32>
    %reduce_sum3A_31 = vector.shape_cast %sub3A_30 : vector<1024x1xf32> to vector<1x1024x1xf32>
    %reduce_sum3A_32 = arith.constant dense<0.000000e+00> : vector<1xf32>
    %reduce_sum3A_33 = vector.multi_reduction <add>, %reduce_sum3A_31, %reduce_sum3A_32 [1, 2] : vector<1x1024x1xf32> to vector<1xf32>
    %reduce_sum3A_34 = vector.shape_cast %reduce_sum3A_33 : vector<1xf32> to vector<1x1x1xf32>
    %reduce_sum3A_35 = vector.extract %reduce_sum3A_34[0, 0, 0] : f32 from vector<1x1x1xf32>
    %neg3A_36 = arith.constant 0.000000e+00 : f32
    %neg3A_37 = arith.subf %neg3A_36, %reduce_sum3A_35 : f32
    %div3A = arith.constant 1.638400e+04 : f32
    %div3A_38 = arith.divf %neg3A_37, %div3A : f32
    %reduce_sum3A_39 = vector.shape_cast %select_n3A : vector<1024x208xf32> to vector<1x1024x208xf32>
    %reduce_sum3A_40 = arith.constant dense<0.000000e+00> : vector<1xf32>
    %reduce_sum3A_41 = vector.multi_reduction <add>, %reduce_sum3A_39, %reduce_sum3A_40 [1, 2] : vector<1x1024x208xf32> to vector<1xf32>
    %reduce_sum3A_42 = vector.shape_cast %reduce_sum3A_41 : vector<1xf32> to vector<1x1x1xf32>
    %reduce_sum3A_43 = vector.extract %reduce_sum3A_42[0, 0, 0] : f32 from vector<1x1x1xf32>
    %div3A_44 = arith.constant 3.276800e+06 : f32
    %div3A_45 = arith.divf %reduce_sum3A_43, %div3A_44 : f32
    %sub3A_46 = arith.subf %div3A_38, %div3A_45 : f32
    %eq3A = arith.constant 0 : i32
    %eq3A_47 = arith.cmpi eq, %arg0, %eq3A : i32
    %convert_element_type3A = arith.extui %eq3A_47 : i1 to i32
    %cond3A = arith.constant 0 : i32
    %cond3A_48 = arith.cmpi ne, %convert_element_type3A, %cond3A : i32
    scf.if %cond3A_48 {
      %swap3A_54 = arith.constant 0.000000e+00 : f32
      %swap3A_55 = arith.constant 0 : index
      %swap3A_56 = arith.constant 0 : index
      %swap3A_57 = memref.load %arg3[%swap3A_55, %swap3A_56] : memref<1x1xf32, #tpu.memory_space<smem>>
      memref.store %swap3A_54, %arg3[%swap3A_55, %swap3A_56] : memref<1x1xf32, #tpu.memory_space<smem>>
    } else {
    }
    %get3A_49 = arith.constant 0 : index
    %get3A_50 = arith.constant 0 : index
    %get3A_51 = memref.load %arg3[%get3A_49, %get3A_50] : memref<1x1xf32, #tpu.memory_space<smem>>
    %add3A = arith.addf %get3A_51, %sub3A_46 : f32
    %swap3A = arith.constant 0 : index
    %swap3A_52 = arith.constant 0 : index
    %swap3A_53 = memref.load %arg3[%swap3A, %swap3A_52] : memref<1x1xf32, #tpu.memory_space<smem>>
    memref.store %add3A, %arg3[%swap3A, %swap3A_52] : memref<1x1xf32, #tpu.memory_space<smem>>
    return
  }
  func.func @transform_0(%arg0: i32) -> (i32, i32) {
    %c0_i32 = arith.constant 0 : i32
    %c0_i32_0 = arith.constant 0 : i32
    return %arg0, %c0_i32 : i32, i32
  }
  func.func @transform_1(%arg0: i32) -> (i32, i32) {
    %c0_i32 = arith.constant 0 : i32
    %c0_i32_0 = arith.constant 0 : i32
    return %arg0, %c0_i32 : i32, i32
  }
  func.func @transform_2(%arg0: i32) -> (i32, i32) {
    %c0_i32 = arith.constant 0 : i32
    %c0_i32_0 = arith.constant 0 : i32
    %c0_i32_1 = arith.constant 0 : i32
    return %c0_i32, %c0_i32_0 : i32, i32
  }
}

</mosaic_0001>

<sc_bundles>
// kernel: kernel.4.cloned.1.call-start
scs
__scs_entry_jumppad:
0x0: {  	(pc) =	sbr.rel $0x88, $3  }
0x1: {  	(tag) =	ssettag $0x0;
	lr =	simm.s32 $0x1  }
0x2: {  	[smem:$0x3F9D] =	sst lr;
	_ =	strace $0xD0000000  }
0x3: {  	_ = 	snop  }
0x4: {  	_ = 	snop  }
0x5: {  	_ = 	snop  }
0x6: {  	_ = 	snop  }
0x7: {  	_ = 	snop  }
__scs_overlays_trampoline_lowered:
0x8: {  	[smem:$0x3FAC] =	sst s0  }
0x9: {  	[smem:$0x3FAD] =	sst s1  }
0xa: {  	[smem:$0x3FAE] =	sst s2  }
0xb: {  	[smem:$0x3FAF] =	sst s3  }
0xc: {  	[smem:$0x3FB0] =	sst s4  }
0xd: {  	[smem:$0x3FB1] =	sst s5  }
0xe: {  	[smem:$0x3FB2] =	sst s6  }
0xf: {  	[smem:$0x3FB3] =	sst s7  }
0x10: {  	[smem:$0x3FB4] =	sst s8  }
0x11: {  	[smem:$0x3FB5] =	sst s9;
	s0 =	simm.s32 @!p0 $0x0  }
0x12: {  	s1 =	sld [smem:$0x3F9B];
	s0 =	simm.s32 @p0 $0x1  }
0x13: {  	[smem:$0x3FB6] =	sst s0;
	s0 =	simm.s32 @!p1 $0x0  }
0x14: {  	s2 =	sld [smem:$0x3F9A];
	s0 =	simm.s32 @p1 $0x1  }
0x15: {  	[smem:$0x3FB7] =	sst s0;
	s0 =	simm.s32 @!p2 $0x0  }
0x16: {  	s3 =	sld [smem:$0x3FDB];
	s0 =	simm.s32 @p2 $0x1  }
0x17: {  	s4 =	simm.s32 $0x1BF5;
	[smem:$0x3FB9] =	sst s0  }
0x18: {  	s0 =	sld [smem:$0x3F9C];
	_ =	swait.ge [sflag:s4], $0x0  }
0x19: {  	s7 =	sld [smem:$0x3F9D]  }
0x1a: {  	s8 =	sadd.s32 $0xFFFFE003, lr  }
0x1b: {  	s9 =	sadd.s32 $0xFFFFFEF7, lr;
	s5 =	simm.s32 $0xFFFFFFFF;
	p2 =	slt.u32 s8, $0xFFFFF086  }
0x1c: {  	p1 =	slt.u32 s9, $0xF7A;
	s5 =	simm.s32 @!p2 $0x0  }
0x1d: {  	s5 =	simm.s32 @p1 $0x1;
	p0 =	seq.s32 s7, s2  }
0x1e: {  	s7 =	smul.u32 @!p0 $0xF7A, s2;
	p2 =	seq.s32 @!p0 s5, $0x0  }
0x1f: {  	s9 =	smul.u32 $0xF7A, s1;
	s8 =	simm.s32 @!p0 $0x1BF5;
	p2 =	por !p2, p0  }
0x20: {  	[sflag:s8] =	ssyncset.s32 @!p0 $0xFFFFF086;
	s6 =	sadd.s32 @!p0 s3, s7;
	s7 =	simm.s32 @!p0 $0x108  }
0x21: {  	s3 =	sadd.s32 s3, s9;
	s6 =	sadd.s32 @!p0 $0x88, s6;
	s7 =	simm.s32 @p2 $0x1082  }
0x22: {  	[simem:s7], [sflag:s8] =	dma.local @!p0 [hbm:s6], $0xF7A  }
0x23: {  	s9 =	sor.u32 $0xD0000000, s2;
	s6 =	simm.s32 $0x108;
	_ =	swait.ge @!p0 [sflag:s8], $0x0  }
0x24: {  	s3 =	sadd.s32 $0x88, s3;
	s6 =	simm.s32 @!p1 $0x1082;
	[sflag:s4] =	ssyncset.s32 $0xFFFFF086  }
0x25: {  	[simem:s6], [sflag:s4] =	dma.local [hbm:s3], $0xF7A  }
0x26: {  	[smem:$0x3F9D] =	sst s1;
	(tag) =	ssettag s2;
	_ =	strace s9  }
0x27: {  	s1 =	sld [smem:$0x3FAD]  }
0x28: {  	s2 =	sld [smem:$0x3FAE]  }
0x29: {  	s4 =	sld [smem:$0x3FB0]  }
0x2a: {  	p0 =	seq.s32 s5, $0x0;
	s5 =	sld [smem:$0x3FB1]  }
0x2b: {  	s6 =	sld [smem:$0x3FB2]  }
0x2c: {  	s7 =	sld [smem:$0x3FB3]  }
0x2d: {  	s3 =	simm.s32 $0x108;
	s8 =	sld [smem:$0x3FB4]  }
0x2e: {  	s3 =	simm.s32 @!p0 $0x1082;
	s9 =	sld [smem:$0x3FB5]  }
0x2f: {  	lr =	sadd.s32 s0, s3;
	s0 =	sld [smem:$0x3FAC]  }
0x30: {  	s3 =	sld [smem:$0x3FAF]  }
0x31: {  	[smem:$0x3FB8] =	sst s10  }
0x32: {  	s10 =	sld [smem:$0x3FB6];
	_ =	sdelay $0x3  }
0x33: {  	p0 =	seq.s32 s10, $0x1;
	s10 =	sld [smem:$0x3FB8];
	_ =	sdelay $0x3  }
0x34: {  	[smem:$0x3FB8] =	sst s10  }
0x35: {  	s10 =	sld [smem:$0x3FB7];
	_ =	sdelay $0x3  }
0x36: {  	p1 =	seq.s32 s10, $0x1;
	s10 =	sld [smem:$0x3FB8];
	_ =	sdelay $0x3  }
0x37: {  	[smem:$0x3FB8] =	sst s10  }
0x38: {  	s10 =	sld [smem:$0x3FB9]  }
0x39: {  	_ = 	snop;
	(pc) =	sbr.ind lr, $3  }
0x3a: {  	_ = 	snop  }
0x3b: {  	_ = 	snop  }
0x3c: {  	p2 =	seq.s32 s10, $0x1;
	s10 =	sld [smem:$0x3FB8]  }
0x3d: {  	_ =	shalt  }
0x3e: {  	_ =	shalt  }
0x3f: {  	_ =	shalt  }
0x40: {  	_ =	shalt  }
0x41: {  	_ =	shalt  }
0x42: {  	_ =	shalt  }
0x43: {  	_ =	shalt  }
0x44: {  	_ =	shalt  }
0x45: {  	_ =	shalt  }
0x46: {  	_ =	shalt  }
0x47: {  	_ =	shalt  }
0x48: {  	_ =	shalt  }
0x49: {  	_ =	shalt  }
0x4a: {  	_ =	shalt  }
0x4b: {  	_ =	shalt  }
0x4c: {  	_ =	shalt  }
0x4d: {  	_ =	shalt  }
0x4e: {  	_ =	shalt  }
0x4f: {  	_ =	shalt  }
0x50: {  	_ =	shalt  }
0x51: {  	_ =	shalt  }
0x52: {  	_ =	shalt  }
0x53: {  	_ =	shalt  }
0x54: {  	_ =	shalt  }
0x55: {  	_ =	shalt  }
0x56: {  	_ =	shalt  }
0x57: {  	_ =	shalt  }
0x58: {  	_ =	shalt  }
0x59: {  	_ =	shalt  }
0x5a: {  	_ =	shalt  }
0x5b: {  	_ =	shalt  }
0x5c: {  	_ =	shalt  }
0x5d: {  	_ =	shalt  }
0x5e: {  	_ =	shalt  }
0x5f: {  	_ =	shalt  }
0x60: {  	_ =	shalt  }
0x61: {  	_ =	shalt  }
0x62: {  	_ =	shalt  }
0x63: {  	_ =	shalt  }
0x64: {  	_ =	shalt  }
0x65: {  	_ =	shalt  }
0x66: {  	_ =	shalt  }
0x67: {  	_ =	shalt  }
0x68: {  	_ =	shalt  }
0x69: {  	_ =	shalt  }
0x6a: {  	_ =	shalt  }
0x6b: {  	_ =	shalt  }
0x6c: {  	_ =	shalt  }
0x6d: {  	_ =	shalt  }
0x6e: {  	_ =	shalt  }
0x6f: {  	_ =	shalt  }
0x70: {  	_ =	shalt  }
0x71: {  	_ =	shalt  }
0x72: {  	_ =	shalt  }
0x73: {  	_ =	shalt  }
0x74: {  	_ =	shalt  }
0x75: {  	_ =	shalt  }
0x76: {  	_ =	shalt  }
0x77: {  	_ =	shalt  }
0x78: {  	_ =	shalt  }
0x79: {  	_ =	shalt  }
0x7a: {  	_ =	shalt  }
0x7b: {  	_ =	shalt  }
0x7c: {  	_ =	shalt  }
0x7d: {  	_ =	shalt  }
0x7e: {  	_ =	shalt  }
0x7f: {  	_ =	shalt  }
0x80: {  	_ =	shalt  }
0x81: {  	_ =	shalt  }
0x82: {  	_ =	shalt  }
0x83: {  	_ =	shalt  }
0x84: {  	_ =	shalt  }
0x85: {  	_ =	shalt  }
0x86: {  	_ =	shalt  }
0x87: {  	_ =	shalt  }
.Lfunc_end0:
.L_simem_size_0:
called_computation_lowered:
.L_overlay_start_0:
0x88: {  	s2 =	sld [smem:$0x3FD9]  }
0x89: {  	s3 =	sld [smem:$0x3FFE];
	_ =	sdelay $0x1  }
0x8a: {  	s1 =	srdreg.scid  }
0x8b: {  	s0 =	sand.u32 $0x1, s1  }
0x8c: {  	s17 =	sshll.u32 s0, $0xA;
	s2 =	sadd.s32 s3, s2  }
0x8d: {  	s2 =	sadd.s32 s2, s17  }
0x8e: {  	[smem:$0x3FC4] =	sst s2  }
0x8f: {  	_ = 	snop  }
0x90: {  	s2 =	sld [smem:$0x3FC9]  }
0x91: {  	s18 =	sld [smem:$0x3FC8]  }
0x92: {  	s4 =	sld [smem:$0x3FC7];
	(tm) =	ssettm $0x1  }
0x93: {  	s5 =	sld [smem:$0x3FFB];
	_ =	sdelay $0x3  }
0x94: {  	_ =	strace s5  }
0x95: {  	s5 =	sld [smem:$0x3FFC];
	_ =	sdelay $0x3  }
0x96: {  	_ =	strace s5  }
0x97: {  	s5 =	sld [smem:$0x3FFD];
	_ =	sdelay $0x3  }
0x98: {  	_ =	strace s5  }
0x99: {  	_ =	strace $0x8FFFFFFF  }
0x9a: {  	s19 =	sld [smem:$0x3FDB];
	_ =	sdelay $0x1  }
0x9b: {  	s6 =	simm.s32 $_scs_section_size  }
0x9c: {  	s7 =	simm.s32 $_size__tile_overlayer_lowered;
	s8 =	simm.s32 $_tile_overlayer_lowered  }
0x9d: {  	s22 =	simm.s32 $0x1BFF;
	s21 =	sshll.u32 s8, $0x1;
	s5 =	sadd.s32 s6, s19  }
0x9e: {  	s9 =	simm.s32 $0x0;
	s20 =	sshll.u32 s7, $0x1;
	s7 =	sadd.s32 s21, s5  }
0x9f: {  	[timem:s9], [sflag:s22] =	dma.local [hbm:s7], s20  }
0xa0: {  	_ =	swait.ge [sflag:s22], s20  }
0xa1: {  	s6 =	ssub.s32 $0x0, s20;
	[sflag:s22] =	ssyncset.done $0x0  }
0xa2: {  	[sflag:s22] =	ssyncadd.s32 s6;
	_ =	sdelay $0x1  }
0xa3: {  	s23 =	simm.s32 $0x1B8B  }
0xa4: {  	_ =	swait.ge [sflag:s23], $0x1  }
0xa5: {  	[sflag:s23] =	ssyncset.done $0x0  }
0xa6: {  	s25 =	simm.s32 $0x1B8E;
	s24 =	sld [smem:$0x3FFE];
	[sflag:s23] =	ssyncadd.s32 $0xFFFFFFFF  }
0xa7: {  	s26 =	simm.s32 $execute0_lowered;
	[smem:$0x3FD2] =	sst s25  }
0xa8: {  	s7 =	sshll.u32 s26, $0x1;
	_ =	strace $0x80000046;
	[dreg:$0x1] =	wrdreg $0xFFFFFFFF  }
0xa9: {  	s28 =	simm.s32 $_size_execute0_lowered;
	s5 =	sadd.s32 s5, s7;
	[dreg:$0x0] =	wrdreg $0x0  }
0xaa: {  	s7 =	sshll.u32 s28, $0x1;
	[dreg:$0x2] =	wrdreg s5  }
0xab: {  	[dreg:$0x3] =	wrdreg s7  }
0xac: {  	[dreg:$0x4] =	wrdreg $0xC0  }
0xad: {  	_ =	task [dreg:s9], $0x5FFFF  }
0xae: {  	[dreg:$0x1] =	wrdreg $0xFFFFFFFF  }
0xaf: {  	[dreg:$0x0] =	wrdreg $0x60  }
0xb0: {  	[dreg:$0x2] =	wrdreg s2  }
0xb1: {  	[dreg:$0x3] =	wrdreg s18  }
0xb2: {  	[dreg:$0x4] =	wrdreg s4  }
0xb3: {  	[dreg:$0x5] =	wrdreg s24  }
0xb4: {  	[dreg:$0x6] =	wrdreg $0x9  }
0xb5: {  	_ =	task.clear_ibuf [dreg:s9], $0x7FFFF;
	_ =	strace $0x90000046  }
0xb6: {  	s29 =	simm.s32 $0x9;
	_ =	strace $0x80000048  }
0xb7: {  	_ =	swait.ge [sflag:s29], $0x1  }
0xb8: {  	[sflag:s29] =	ssyncadd.s32 $0xFFFFFFFF  }
0xb9: {  	_ =	strace $0x90000048  }
0xba: {  	_ =	sfence  }
0xbb: {  	s30 =	sld [smem:$0x0];
	_ =	sdelay $0x2  }
0xbc: {  	s31 =	sshll.u32 s1, $0xD;
	s1 =	sshrl.u32 s1, $0x2  }
0xbd: {  	s3 =	sand.u32 $0x4000, s31;
	s1 =	sadd.s32 s1, s30  }
0xbe: {  	s0 =	sor.u32 s3, s0;
	s1 =	sshll.u32 s1, $0x11  }
0xbf: {  	s0 =	sor.u32 s1, s0  }
0xc0: {  	s0 =	sadd.s32 $0x8F2B, s0  }
0xc1: {  	[sflag:s0] =	ssyncadd.remote.s32 $0x1  }
0xc2: {  	_ =	sfence.sel $0xFFFF  }
0xc3: {  	[dreg:$0x0] =	wrdreg $0xFFFFFFFF;
	(pc) =	sbr.abs _section_cstart, $3  }
0xc4: {  	[dreg:$0x1] =	wrdreg $0xFFFFFFFF  }
0xc5: {  	_ =	task.clear_ibuf [dreg:s9], $0x2FFFF;
	_ =	strace $0x9FFFFFFF  }
0xc6: {  	(tm) =	ssettm $0x7FFFFFFF  }
0xc7: {  	_ =	shalt  }
tec
execute0_lowered:
.L_overlay_start_1:
0x0: {  	(tag) =	ssettag $0x1  }
0x1: {  	s1 =	rddreg [dreg:$0x0]  }
0x2: {  	s0 =	rddreg [dreg:$0x1]  }
0x3: {  	s2 =	rddreg [dreg:$0x2]  }
0x4: {  	s5 =	rddreg [dreg:$0x3];
	s3 =	simm.s32 $0x0  }
0x5: {  	s4 =	srdreg.scid;
	s7 =	stileid.u32;
	s14 =	simm.s32 $0x3  }
0x6: {  	s16 =	simm.s32 $0x80;
	s17 =	simm.s32 $0x10400;
	s18 =	simm.s32 $0x16C00  }
0x7: {  	s19 =	simm.s32 $0x1;
	s20 =	simm.s32 $0x2;
	s30 =	simm.s32 $0x180  }
0x8: {  	s31 =	simm.s32 $0x1D600;
	s21 =	simm.s32 $0x1D480;
	s23 =	simm.s32 $0x14400  }
0x9: {  	s28 =	simm.s32 $0x0;
	s29 =	simm.s32 $0x0;
	[smem:$0x7FF] =	sst s3  }
0xa: {  	s6 =	sand.u32 $0x1, s4;
	s24 =	sshll.u32 s7, $0x1;
	s4 =	sadd.s32 $0xA00, s5  }
0xb: {  	_ =	strace $0x80000047;
	s7 =	sor.u32 s6, s24;
	s6 =	ssub.s32 $0x2, s6  }
0xc: {  	s8 =	sshll.u32 s7, $0xA;
	s25 =	sshrl.u32 s6, $0x1;
	s26 =	sshll.u32 s7, $0x6  }
0xd: {  	vm0 =	vmmov $0x1;
	vm1 =	vmmov $0x3;
	vm2 =	vmmov $0x7;
	s12 =	sadd.s32 s8, s5;
	s5 =	sadd.s32 $0x64A00, s5;
	s13 =	ssub.s32 s6, s25  }
0xe: {  	vm3 =	vmmov $0xf;
	vm4 =	vmmov $0x1f;
	vm5 =	vmmov $0x3f;
	s6 =	sshll.u32 s7, $0x9;
	s7 =	sadd.s32 s0, s26;
	s8 =	sadd.s32 s2, s26  }
0xf: {  	vm6 =	vmmov $0x7f;
	vm7 =	vmmov $0xff;
	vm8 =	vmmov $0x1ff;
	s26 =	simm.s32 $0x100;
	s0 =	simm.s32 $0x1D400;
	s2 =	simm.s32 $0x48  }
0x10: {  	vm9 =	vmmov $0x3ff;
	vm10 =	vmmov $0x7ff;
	vm11 =	vmmov $0xfff;
	s25 =	simm.s32 $0x1D500;
	s9 =	sadd.s32 $0xCCA00, s12;
	s10 =	sadd.s32 $0xCCB00, s12  }
0x11: {  	vm12 =	vmmov $0x1fff;
	vm13 =	vmmov $0x3fff;
	vm14 =	vmmov $0x7fff;
	s11 =	sadd.s32 $0xCCC00, s12;
	s12 =	sadd.s32 $0xCCD00, s12;
	s13 =	smax.u32 s13, $0x1  }
.LBB2_1:
0x12: {  	[tilespmem:s3], [sflag:$0x3] =	stream.linear.gather [hbm4b:s7+s3], $0x200, $0x38;
	[tilespmem:$0x1DE00] =	vst v63  }
0x13: {  	_ =	swait.ge [sflag:s14], $0x200  }
0x14: {  	[sflag:s14] =	ssyncset.done $0x0  }
0x15: {  	s15 =	simm.s32 $0x200;
	[sflag:s14] =	ssyncadd.s32 $0xFFFFFE00  }
0x16: {  	[tilespmem:s15], [sflag:$0x3] =	stream.linear.gather [hbm4b:s8+s3], $0x200, $0x38;
	[tilespmem:$0x1DE00] =	vst v63  }
0x17: {  	_ =	swait.ge [sflag:s14], $0x200  }
0x18: {  	[sflag:s14] =	ssyncset.done $0x0  }
0x19: {  	[sflag:s14] =	ssyncadd.s32 $0xFFFFFE00  }
0x1a: {  	[tilespmem:s17], [sflag:$0x1] =	stream.indirect.gather [hbm4b:s1+s16], $0x80, s3, s16, $0xb8;
	[tilespmem:$0x1DE00] =	vst v63  }
0x1b: {  	_ = 	snop  }
0x1c: {  	[tilespmem:s18], [sflag:$0x2] =	stream.indirect.gather [hbm4b:s1+s16], $0x80, s15, s16, $0xb8;
	[tilespmem:$0x1DE00] =	vst v63  }
0x1d: {  	_ =	swait.ge [sflag:s19], $0x4000  }
0x1e: {  	[sflag:s19] =	ssyncset.done $0x0  }
0x1f: {  	[sflag:s19] =	ssyncadd.s32 $0xFFFFC000  }
0x20: {  	_ =	swait.ge [sflag:s20], $0x4000  }
0x21: {  	[sflag:s20] =	ssyncset.done $0x0  }
0x22: {  	s24 =	simm.s32 $0x0;
	[sflag:s20] =	ssyncadd.s32 $0xFFFFC000  }
0x23: {  	v0 =	vld [tilespmem:s24+$0x16C00]  }
0x24: {  	v1 =	vld [tilespmem:s24+$0x10400]  }
0x25: {  	v2 =	vld [tilespmem:s24+$0x10410]  }
0x26: {  	v3 =	vld [tilespmem:s24+$0x16C10]  }
0x27: {  	v4 =	vld [tilespmem:s24+$0x10420]  }
0x28: {  	v5 =	vld [tilespmem:s24+$0x16C20]  }
0x29: {  	v6 =	vld [tilespmem:s24+$0x16C30];
	v0 =	vmul.f32 v0, v1  }
0x2a: {  	v1 =	vld [tilespmem:s24+$0x10430]  }
0x2b: {  	v7 =	vld [tilespmem:s24+$0x16C40];
	v2 =	vmul.f32 v3, v2;
	v0 =	vadd.f32 $0.0e+00, v0  }
0x2c: {  	v3 =	vld [tilespmem:s24+$0x10440]  }
0x2d: {  	v60 =	vld [tilespmem:s24+$0x10450];
	v0 =	vadd.f32 v2, v0;
	v2 =	vmul.f32 v5, v4  }
0x2e: {  	v61 =	vld [tilespmem:s24+$0x16C50]  }
0x2f: {  	v62 =	vld [tilespmem:s24+$0x16C60];
	v1 =	vmul.f32 v6, v1;
	v0 =	vadd.f32 v2, v0  }
0x30: {  	v2 =	vld [tilespmem:s24+$0x10460]  }
0x31: {  	v63 =	vld [tilespmem:s24+$0x16C70];
	v0 =	vadd.f32 v1, v0;
	v1 =	vmul.f32 v7, v3  }
0x32: {  	v3 =	vld [tilespmem:s24+$0x10470]  }
0x33: {  	v0 =	vadd.f32 v1, v0;
	v1 =	vmul.f32 v61, v60;
	_ =	sdelay $0x1  }
0x34: {  	v0 =	vadd.f32 v1, v0;
	v1 =	vmul.f32 v62, v2;
	_ =	sdelay $0x1  }
0x35: {  	v0 =	vadd.f32 v1, v0;
	v1 =	vmul.f32 v63, v3;
	_ =	sdelay $0x1  }
0x36: {  	v0 =	vadd.f32 v1, v0;
	_ =	sdelay $0x1  }
0x37: {  	s22 =	simm.s32 $0x80;
	[tilespmem:s31+$0x0] =	vst v0  }
0x38: {  	s15 =	simm.s32 $0x1D600;
	s24 =	simm.s32 $0x400;
	v0 =	vld [tilespmem:s22+$0x16C00]  }
.LBB2_2:
0x39: {  	p0 =	sne.s32 s24, $0xFE00;
	v1 =	vld [tilespmem:s22+$0x10400]  }
0x3a: {  	v2 =	vld [tilespmem:s22+$0x10410]  }
0x3b: {  	v3 =	vld [tilespmem:s22+$0x16C10]  }
0x3c: {  	v4 =	vld [tilespmem:s22+$0x10420]  }
0x3d: {  	v5 =	vld [tilespmem:s22+$0x16C20]  }
0x3e: {  	v0 =	vmul.f32 v0, v1;
	v1 =	vld [tilespmem:s22+$0x10430]  }
0x3f: {  	v6 =	vld [tilespmem:s22+$0x16C30]  }
0x40: {  	v0 =	vadd.f32 $0.0e+00, v0;
	v2 =	vmul.f32 v3, v2;
	v3 =	vld [tilespmem:s22+$0x10440]  }
0x41: {  	v7 =	vld [tilespmem:s22+$0x16C40]  }
0x42: {  	v0 =	vadd.f32 v2, v0;
	v2 =	vmul.f32 v5, v4;
	v4 =	vld [tilespmem:s22+$0x10450]  }
0x43: {  	v5 =	vld [tilespmem:s22+$0x16C50]  }
0x44: {  	v0 =	vadd.f32 v2, v0;
	v1 =	vmul.f32 v6, v1;
	v2 =	vld [tilespmem:s22+$0x10460]  }
0x45: {  	v6 =	vld [tilespmem:s22+$0x16C60]  }
0x46: {  	v0 =	vadd.f32 v1, v0;
	v1 =	vmul.f32 v7, v3;
	v3 =	vld [tilespmem:s22+$0x10470]  }
0x47: {  	v7 =	vld [tilespmem:s22+$0x16C70]  }
0x48: {  	v0 =	vadd.f32 v1, v0;
	v1 =	vmul.f32 v5, v4;
	_ =	sdelay $0x1  }
0x49: {  	v0 =	vadd.f32 v1, v0;
	v1 =	vmul.f32 v6, v2;
	_ =	sdelay $0x1  }
0x4a: {  	v0 =	vadd.f32 v1, v0;
	v1 =	vmul.f32 v7, v3  }
.Ltmp0:
0x4b: {  	(pc) =	sbr.rel @p0 .LBB2_2-.Ltmp0, $4  }
0x4c: {  	v0 =	vadd.f32 v1, v0  }
0x4d: {  	s15 =	sadd.s32 $0x10, s15  }
0x4e: {  	s22 =	sshra.s32 s24, $0x2;
	[tilespmem:s15+$0x0] =	vst v0  }
0x4f: {  	s24 =	sadd.s32 $0x200, s24;
	v0 =	vld [tilespmem:s22+$0x16C00]  }
0x50: {  	v1 =	vld [tilespmem:s22+$0x10400]  }
0x51: {  	v2 =	vld [tilespmem:s22+$0x10410]  }
0x52: {  	v3 =	vld [tilespmem:s22+$0x16C10]  }
0x53: {  	v4 =	vld [tilespmem:s22+$0x10420]  }
0x54: {  	v5 =	vld [tilespmem:s22+$0x16C20]  }
0x55: {  	v6 =	vld [tilespmem:s22+$0x16C30];
	v0 =	vmul.f32 v0, v1  }
0x56: {  	v1 =	vld [tilespmem:s22+$0x10430]  }
0x57: {  	v7 =	vld [tilespmem:s22+$0x16C40];
	v2 =	vmul.f32 v3, v2;
	v0 =	vadd.f32 $0.0e+00, v0  }
0x58: {  	v3 =	vld [tilespmem:s22+$0x10440]  }
0x59: {  	v52 =	vld [tilespmem:s22+$0x10450];
	v0 =	vadd.f32 v2, v0;
	v2 =	vmul.f32 v5, v4  }
0x5a: {  	v53 =	vld [tilespmem:s22+$0x16C50]  }
0x5b: {  	v54 =	vld [tilespmem:s22+$0x16C60];
	v1 =	vmul.f32 v6, v1;
	v0 =	vadd.f32 v2, v0  }
0x5c: {  	v2 =	vld [tilespmem:s22+$0x10460]  }
0x5d: {  	v55 =	vld [tilespmem:s22+$0x16C70];
	v0 =	vadd.f32 v1, v0;
	v1 =	vmul.f32 v7, v3  }
0x5e: {  	v3 =	vld [tilespmem:s22+$0x10470]  }
0x5f: {  	v0 =	vadd.f32 v1, v0;
	v1 =	vmul.f32 v53, v52;
	_ =	sdelay $0x1  }
0x60: {  	v0 =	vadd.f32 v1, v0;
	v1 =	vmul.f32 v54, v2;
	_ =	sdelay $0x1  }
0x61: {  	v0 =	vadd.f32 v1, v0;
	v1 =	vmul.f32 v55, v3;
	_ =	sdelay $0x1  }
0x62: {  	v0 =	vadd.f32 v1, v0  }
0x63: {  	s15 =	sadd.s32 $0x10, s15  }
0x64: {  	s24 =	simm.s32 $0x0;
	[tilespmem:s15+$0x0] =	vst v0;
	s15 =	simm.s32 $0x1D600  }
0x65: {  	[hbm4b:s9+s24] =	stream.linear.scatter [tilespmem:s15], [sflag:$0x3], $0x800, $0x38;
	[tilespmem:$0x1DE00] =	vst v63  }
0x66: {  	_ =	swait.ge [sflag:s14], $0x800  }
0x67: {  	[sflag:s14] =	ssyncset.done $0x0  }
0x68: {  	[sflag:s14] =	ssyncadd.s32 $0xFFFFF800  }
0x69: {  	[tilespmem:s17], [sflag:$0x1] =	stream.indirect.gather [hbm4b:s1+s16], $0x80, s16, s16, $0xb8;
	[tilespmem:$0x1DE00] =	vst v63  }
0x6a: {  	s24 =	simm.s32 $0x280  }
0x6b: {  	[tilespmem:s18], [sflag:$0x2] =	stream.indirect.gather [hbm4b:s1+s16], $0x80, s24, s16, $0xb8;
	[tilespmem:$0x1DE00] =	vst v63  }
0x6c: {  	_ =	swait.ge [sflag:s19], $0x4000  }
0x6d: {  	[sflag:s19] =	ssyncset.done $0x0  }
0x6e: {  	[sflag:s19] =	ssyncadd.s32 $0xFFFFC000  }
0x6f: {  	_ =	swait.ge [sflag:s20], $0x4000  }
0x70: {  	[sflag:s20] =	ssyncset.done $0x0  }
0x71: {  	s24 =	simm.s32 $0x0;
	[sflag:s20] =	ssyncadd.s32 $0xFFFFC000  }
0x72: {  	v0 =	vld [tilespmem:s24+$0x16C00]  }
0x73: {  	v1 =	vld [tilespmem:s24+$0x10400]  }
0x74: {  	v2 =	vld [tilespmem:s24+$0x10410]  }
0x75: {  	v3 =	vld [tilespmem:s24+$0x16C10]  }
0x76: {  	v56 =	vld [tilespmem:s24+$0x10420]  }
0x77: {  	v57 =	vld [tilespmem:s24+$0x16C20]  }
0x78: {  	v58 =	vld [tilespmem:s24+$0x16C30];
	v0 =	vmul.f32 v0, v1  }
0x79: {  	v1 =	vld [tilespmem:s24+$0x10430]  }
0x7a: {  	v59 =	vld [tilespmem:s24+$0x16C40];
	v2 =	vmul.f32 v3, v2;
	v0 =	vadd.f32 $0.0e+00, v0  }
0x7b: {  	v3 =	vld [tilespmem:s24+$0x10440]  }
0x7c: {  	v60 =	vld [tilespmem:s24+$0x10450];
	v0 =	vadd.f32 v2, v0;
	v2 =	vmul.f32 v57, v56  }
0x7d: {  	v61 =	vld [tilespmem:s24+$0x16C50]  }
0x7e: {  	v62 =	vld [tilespmem:s24+$0x16C60];
	v1 =	vmul.f32 v58, v1;
	v0 =	vadd.f32 v2, v0  }
0x7f: {  	v2 =	vld [tilespmem:s24+$0x10460]  }
0x80: {  	v63 =	vld [tilespmem:s24+$0x16C70];
	v0 =	vadd.f32 v1, v0;
	v1 =	vmul.f32 v59, v3  }
0x81: {  	v3 =	vld [tilespmem:s24+$0x10470]  }
0x82: {  	v0 =	vadd.f32 v1, v0;
	v1 =	vmul.f32 v61, v60;
	_ =	sdelay $0x1  }
0x83: {  	v0 =	vadd.f32 v1, v0;
	v1 =	vmul.f32 v62, v2;
	_ =	sdelay $0x1  }
0x84: {  	v0 =	vadd.f32 v1, v0;
	v1 =	vmul.f32 v63, v3;
	_ =	sdelay $0x1  }
0x85: {  	v0 =	vadd.f32 v1, v0;
	_ =	sdelay $0x1  }
0x86: {  	s22 =	simm.s32 $0x80;
	[tilespmem:s15+$0x0] =	vst v0  }
0x87: {  	s24 =	simm.s32 $0x400;
	v0 =	vld [tilespmem:s22+$0x16C00]  }
.LBB2_4:
0x88: {  	p0 =	sne.s32 s24, $0xFE00;
	v1 =	vld [tilespmem:s22+$0x10400]  }
0x89: {  	v2 =	vld [tilespmem:s22+$0x10410]  }
0x8a: {  	v3 =	vld [tilespmem:s22+$0x16C10]  }
0x8b: {  	v4 =	vld [tilespmem:s22+$0x10420]  }
0x8c: {  	v5 =	vld [tilespmem:s22+$0x16C20]  }
0x8d: {  	v0 =	vmul.f32 v0, v1;
	v1 =	vld [tilespmem:s22+$0x10430]  }
0x8e: {  	v6 =	vld [tilespmem:s22+$0x16C30]  }
0x8f: {  	v0 =	vadd.f32 $0.0e+00, v0;
	v2 =	vmul.f32 v3, v2;
	v3 =	vld [tilespmem:s22+$0x10440]  }
0x90: {  	v7 =	vld [tilespmem:s22+$0x16C40]  }
0x91: {  	v0 =	vadd.f32 v2, v0;
	v2 =	vmul.f32 v5, v4;
	v4 =	vld [tilespmem:s22+$0x10450]  }
0x92: {  	v5 =	vld [tilespmem:s22+$0x16C50]  }
0x93: {  	v0 =	vadd.f32 v2, v0;
	v1 =	vmul.f32 v6, v1;
	v2 =	vld [tilespmem:s22+$0x10460]  }
0x94: {  	v6 =	vld [tilespmem:s22+$0x16C60]  }
0x95: {  	v0 =	vadd.f32 v1, v0;
	v1 =	vmul.f32 v7, v3;
	v3 =	vld [tilespmem:s22+$0x10470]  }
0x96: {  	v7 =	vld [tilespmem:s22+$0x16C70]  }
0x97: {  	v0 =	vadd.f32 v1, v0;
	v1 =	vmul.f32 v5, v4;
	_ =	sdelay $0x1  }
0x98: {  	v0 =	vadd.f32 v1, v0;
	v1 =	vmul.f32 v6, v2;
	_ =	sdelay $0x1  }
0x99: {  	v0 =	vadd.f32 v1, v0;
	v1 =	vmul.f32 v7, v3  }
.Ltmp1:
0x9a: {  	(pc) =	sbr.rel @p0 .LBB2_4-.Ltmp1, $4  }
0x9b: {  	v0 =	vadd.f32 v1, v0  }
0x9c: {  	s15 =	sadd.s32 $0x10, s15  }
0x9d: {  	s22 =	sshra.s32 s24, $0x2;
	[tilespmem:s15+$0x0] =	vst v0  }
0x9e: {  	s24 =	sadd.s32 $0x200, s24;
	v0 =	vld [tilespmem:s22+$0x16C00]  }
0x9f: {  	v1 =	vld [tilespmem:s22+$0x10400]  }
0xa0: {  	v2 =	vld [tilespmem:s22+$0x10410]  }
0xa1: {  	v3 =	vld [tilespmem:s22+$0x16C10]  }
0xa2: {  	v4 =	vld [tilespmem:s22+$0x10420]  }
0xa3: {  	v5 =	vld [tilespmem:s22+$0x16C20]  }
0xa4: {  	v6 =	vld [tilespmem:s22+$0x16C30];
	v0 =	vmul.f32 v0, v1  }
0xa5: {  	v1 =	vld [tilespmem:s22+$0x10430]  }
0xa6: {  	v7 =	vld [tilespmem:s22+$0x16C40];
	v2 =	vmul.f32 v3, v2;
	v0 =	vadd.f32 $0.0e+00, v0  }
0xa7: {  	v3 =	vld [tilespmem:s22+$0x10440]  }
0xa8: {  	v52 =	vld [tilespmem:s22+$0x10450];
	v0 =	vadd.f32 v2, v0;
	v2 =	vmul.f32 v5, v4  }
0xa9: {  	v53 =	vld [tilespmem:s22+$0x16C50]  }
0xaa: {  	v54 =	vld [tilespmem:s22+$0x16C60];
	v1 =	vmul.f32 v6, v1;
	v0 =	vadd.f32 v2, v0  }
0xab: {  	v2 =	vld [tilespmem:s22+$0x10460]  }
0xac: {  	v55 =	vld [tilespmem:s22+$0x16C70];
	v0 =	vadd.f32 v1, v0;
	v1 =	vmul.f32 v7, v3  }
0xad: {  	v3 =	vld [tilespmem:s22+$0x10470]  }
0xae: {  	v0 =	vadd.f32 v1, v0;
	v1 =	vmul.f32 v53, v52;
	_ =	sdelay $0x1  }
0xaf: {  	v0 =	vadd.f32 v1, v0;
	v1 =	vmul.f32 v54, v2;
	_ =	sdelay $0x1  }
0xb0: {  	v0 =	vadd.f32 v1, v0;
	v1 =	vmul.f32 v55, v3;
	_ =	sdelay $0x1  }
0xb1: {  	v0 =	vadd.f32 v1, v0  }
0xb2: {  	s15 =	sadd.s32 $0x10, s15  }
0xb3: {  	s24 =	simm.s32 $0x0;
	[tilespmem:s15+$0x0] =	vst v0;
	s15 =	simm.s32 $0x1D600  }
0xb4: {  	[hbm4b:s10+s24] =	stream.linear.scatter [tilespmem:s15], [sflag:$0x3], $0x800, $0x38;
	[tilespmem:$0x1DE00] =	vst v63  }
0xb5: {  	_ =	swait.ge [sflag:s14], $0x800  }
0xb6: {  	[sflag:s14] =	ssyncset.done $0x0  }
0xb7: {  	[sflag:s14] =	ssyncadd.s32 $0xFFFFF800  }
0xb8: {  	[tilespmem:s17], [sflag:$0x1] =	stream.indirect.gather [hbm4b:s1+s16], $0x80, s26, s16, $0xb8;
	[tilespmem:$0x1DE00] =	vst v63  }
0xb9: {  	s24 =	simm.s32 $0x300  }
0xba: {  	[tilespmem:s18], [sflag:$0x2] =	stream.indirect.gather [hbm4b:s1+s16], $0x80, s24, s16, $0xb8;
	[tilespmem:$0x1DE00] =	vst v63  }
0xbb: {  	_ =	swait.ge [sflag:s19], $0x4000  }
0xbc: {  	[sflag:s19] =	ssyncset.done $0x0  }
0xbd: {  	[sflag:s19] =	ssyncadd.s32 $0xFFFFC000  }
0xbe: {  	_ =	swait.ge [sflag:s20], $0x4000  }
0xbf: {  	[sflag:s20] =	ssyncset.done $0x0  }
0xc0: {  	s24 =	simm.s32 $0x0;
	[sflag:s20] =	ssyncadd.s32 $0xFFFFC000  }
0xc1: {  	v0 =	vld [tilespmem:s24+$0x16C00]  }
0xc2: {  	v1 =	vld [tilespmem:s24+$0x10400]  }
0xc3: {  	v2 =	vld [tilespmem:s24+$0x10410]  }
0xc4: {  	v3 =	vld [tilespmem:s24+$0x16C10]  }
0xc5: {  	v56 =	vld [tilespmem:s24+$0x10420]  }
0xc6: {  	v57 =	vld [tilespmem:s24+$0x16C20]  }
0xc7: {  	v58 =	vld [tilespmem:s24+$0x16C30];
	v0 =	vmul.f32 v0, v1  }
0xc8: {  	v1 =	vld [tilespmem:s24+$0x10430]  }
0xc9: {  	v59 =	vld [tilespmem:s24+$0x16C40];
	v2 =	vmul.f32 v3, v2;
	v0 =	vadd.f32 $0.0e+00, v0  }
0xca: {  	v3 =	vld [tilespmem:s24+$0x10440]  }
0xcb: {  	v60 =	vld [tilespmem:s24+$0x10450];
	v0 =	vadd.f32 v2, v0;
	v2 =	vmul.f32 v57, v56  }
0xcc: {  	v61 =	vld [tilespmem:s24+$0x16C50]  }
0xcd: {  	v62 =	vld [tilespmem:s24+$0x16C60];
	v1 =	vmul.f32 v58, v1;
	v0 =	vadd.f32 v2, v0  }
0xce: {  	v2 =	vld [tilespmem:s24+$0x10460]  }
0xcf: {  	v63 =	vld [tilespmem:s24+$0x16C70];
	v0 =	vadd.f32 v1, v0;
	v1 =	vmul.f32 v59, v3  }
0xd0: {  	v3 =	vld [tilespmem:s24+$0x10470]  }
0xd1: {  	v0 =	vadd.f32 v1, v0;
	v1 =	vmul.f32 v61, v60;
	_ =	sdelay $0x1  }
0xd2: {  	v0 =	vadd.f32 v1, v0;
	v1 =	vmul.f32 v62, v2;
	_ =	sdelay $0x1  }
0xd3: {  	v0 =	vadd.f32 v1, v0;
	v1 =	vmul.f32 v63, v3;
	_ =	sdelay $0x1  }
0xd4: {  	v0 =	vadd.f32 v1, v0;
	_ =	sdelay $0x1  }
0xd5: {  	s22 =	simm.s32 $0x80;
	[tilespmem:s15+$0x0] =	vst v0  }
0xd6: {  	s24 =	simm.s32 $0x400;
	v0 =	vld [tilespmem:s22+$0x16C00]  }
.LBB2_6:
0xd7: {  	p0 =	sne.s32 s24, $0xFE00;
	v1 =	vld [tilespmem:s22+$0x10400]  }
0xd8: {  	v2 =	vld [tilespmem:s22+$0x10410]  }
0xd9: {  	v3 =	vld [tilespmem:s22+$0x16C10]  }
0xda: {  	v4 =	vld [tilespmem:s22+$0x10420]  }
0xdb: {  	v5 =	vld [tilespmem:s22+$0x16C20]  }
0xdc: {  	v0 =	vmul.f32 v0, v1;
	v1 =	vld [tilespmem:s22+$0x10430]  }
0xdd: {  	v6 =	vld [tilespmem:s22+$0x16C30]  }
0xde: {  	v0 =	vadd.f32 $0.0e+00, v0;
	v2 =	vmul.f32 v3, v2;
	v3 =	vld [tilespmem:s22+$0x10440]  }
0xdf: {  	v7 =	vld [tilespmem:s22+$0x16C40]  }
0xe0: {  	v0 =	vadd.f32 v2, v0;
	v2 =	vmul.f32 v5, v4;
	v4 =	vld [tilespmem:s22+$0x10450]  }
0xe1: {  	v5 =	vld [tilespmem:s22+$0x16C50]  }
0xe2: {  	v0 =	vadd.f32 v2, v0;
	v1 =	vmul.f32 v6, v1;
	v2 =	vld [tilespmem:s22+$0x10460]  }
0xe3: {  	v6 =	vld [tilespmem:s22+$0x16C60]  }
0xe4: {  	v0 =	vadd.f32 v1, v0;
	v1 =	vmul.f32 v7, v3;
	v3 =	vld [tilespmem:s22+$0x10470]  }
0xe5: {  	v7 =	vld [tilespmem:s22+$0x16C70]  }
0xe6: {  	v0 =	vadd.f32 v1, v0;
	v1 =	vmul.f32 v5, v4;
	_ =	sdelay $0x1  }
0xe7: {  	v0 =	vadd.f32 v1, v0;
	v1 =	vmul.f32 v6, v2;
	_ =	sdelay $0x1  }
0xe8: {  	v0 =	vadd.f32 v1, v0;
	v1 =	vmul.f32 v7, v3  }
.Ltmp2:
0xe9: {  	(pc) =	sbr.rel @p0 .LBB2_6-.Ltmp2, $4  }
0xea: {  	v0 =	vadd.f32 v1, v0  }
0xeb: {  	s15 =	sadd.s32 $0x10, s15  }
0xec: {  	s22 =	sshra.s32 s24, $0x2;
	[tilespmem:s15+$0x0] =	vst v0  }
0xed: {  	s24 =	sadd.s32 $0x200, s24;
	v0 =	vld [tilespmem:s22+$0x16C00]  }
0xee: {  	v1 =	vld [tilespmem:s22+$0x10400]  }
0xef: {  	v2 =	vld [tilespmem:s22+$0x10410]  }
0xf0: {  	v3 =	vld [tilespmem:s22+$0x16C10]  }
0xf1: {  	v4 =	vld [tilespmem:s22+$0x10420]  }
0xf2: {  	v5 =	vld [tilespmem:s22+$0x16C20]  }
0xf3: {  	v6 =	vld [tilespmem:s22+$0x16C30];
	v0 =	vmul.f32 v0, v1  }
0xf4: {  	v1 =	vld [tilespmem:s22+$0x10430]  }
0xf5: {  	v7 =	vld [tilespmem:s22+$0x16C40];
	v2 =	vmul.f32 v3, v2;
	v0 =	vadd.f32 $0.0e+00, v0  }
0xf6: {  	v3 =	vld [tilespmem:s22+$0x10440]  }
0xf7: {  	v52 =	vld [tilespmem:s22+$0x10450];
	v0 =	vadd.f32 v2, v0;
	v2 =	vmul.f32 v5, v4  }
0xf8: {  	v53 =	vld [tilespmem:s22+$0x16C50]  }
0xf9: {  	v54 =	vld [tilespmem:s22+$0x16C60];
	v1 =	vmul.f32 v6, v1;
	v0 =	vadd.f32 v2, v0  }
0xfa: {  	v2 =	vld [tilespmem:s22+$0x10460]  }
0xfb: {  	v55 =	vld [tilespmem:s22+$0x16C70];
	v0 =	vadd.f32 v1, v0;
	v1 =	vmul.f32 v7, v3  }
0xfc: {  	v3 =	vld [tilespmem:s22+$0x10470]  }
0xfd: {  	v0 =	vadd.f32 v1, v0;
	v1 =	vmul.f32 v53, v52;
	_ =	sdelay $0x1  }
0xfe: {  	v0 =	vadd.f32 v1, v0;
	v1 =	vmul.f32 v54, v2;
	_ =	sdelay $0x1  }
0xff: {  	v0 =	vadd.f32 v1, v0;
	v1 =	vmul.f32 v55, v3;
	_ =	sdelay $0x1  }
0x100: {  	v0 =	vadd.f32 v1, v0  }
0x101: {  	s15 =	sadd.s32 $0x10, s15  }
0x102: {  	s24 =	simm.s32 $0x0;
	[tilespmem:s15+$0x0] =	vst v0;
	s15 =	simm.s32 $0x1D600  }
0x103: {  	[hbm4b:s11+s24] =	stream.linear.scatter [tilespmem:s15], [sflag:$0x3], $0x800, $0x38;
	[tilespmem:$0x1DE00] =	vst v63  }
0x104: {  	_ =	swait.ge [sflag:s14], $0x800  }
0x105: {  	[sflag:s14] =	ssyncset.done $0x0  }
0x106: {  	[sflag:s14] =	ssyncadd.s32 $0xFFFFF800  }
0x107: {  	[tilespmem:s17], [sflag:$0x1] =	stream.indirect.gather [hbm4b:s1+s16], $0x80, s30, s16, $0xb8;
	[tilespmem:$0x1DE00] =	vst v63  }
0x108: {  	s24 =	simm.s32 $0x380  }
0x109: {  	[tilespmem:s18], [sflag:$0x2] =	stream.indirect.gather [hbm4b:s1+s16], $0x80, s24, s16, $0xb8;
	[tilespmem:$0x1DE00] =	vst v63  }
0x10a: {  	_ =	swait.ge [sflag:s19], $0x4000  }
0x10b: {  	[sflag:s19] =	ssyncset.done $0x0  }
0x10c: {  	[sflag:s19] =	ssyncadd.s32 $0xFFFFC000  }
0x10d: {  	_ =	swait.ge [sflag:s20], $0x4000  }
0x10e: {  	[sflag:s20] =	ssyncset.done $0x0  }
0x10f: {  	s24 =	simm.s32 $0x0;
	[sflag:s20] =	ssyncadd.s32 $0xFFFFC000  }
0x110: {  	v0 =	vld [tilespmem:s24+$0x16C00]  }
0x111: {  	v1 =	vld [tilespmem:s24+$0x10400]  }
0x112: {  	v2 =	vld [tilespmem:s24+$0x10410]  }
0x113: {  	v3 =	vld [tilespmem:s24+$0x16C10]  }
0x114: {  	v56 =	vld [tilespmem:s24+$0x10420]  }
0x115: {  	v57 =	vld [tilespmem:s24+$0x16C20]  }
0x116: {  	v58 =	vld [tilespmem:s24+$0x16C30];
	v0 =	vmul.f32 v0, v1  }
0x117: {  	v1 =	vld [tilespmem:s24+$0x10430]  }
0x118: {  	v59 =	vld [tilespmem:s24+$0x16C40];
	v2 =	vmul.f32 v3, v2;
	v0 =	vadd.f32 $0.0e+00, v0  }
0x119: {  	v3 =	vld [tilespmem:s24+$0x10440]  }
0x11a: {  	v60 =	vld [tilespmem:s24+$0x10450];
	v0 =	vadd.f32 v2, v0;
	v2 =	vmul.f32 v57, v56  }
0x11b: {  	v61 =	vld [tilespmem:s24+$0x16C50]  }
0x11c: {  	v62 =	vld [tilespmem:s24+$0x16C60];
	v1 =	vmul.f32 v58, v1;
	v0 =	vadd.f32 v2, v0  }
0x11d: {  	v2 =	vld [tilespmem:s24+$0x10460]  }
0x11e: {  	v63 =	vld [tilespmem:s24+$0x16C70];
	v0 =	vadd.f32 v1, v0;
	v1 =	vmul.f32 v59, v3  }
0x11f: {  	v3 =	vld [tilespmem:s24+$0x10470]  }
0x120: {  	v0 =	vadd.f32 v1, v0;
	v1 =	vmul.f32 v61, v60;
	_ =	sdelay $0x1  }
0x121: {  	v0 =	vadd.f32 v1, v0;
	v1 =	vmul.f32 v62, v2;
	_ =	sdelay $0x1  }
0x122: {  	v0 =	vadd.f32 v1, v0;
	v1 =	vmul.f32 v63, v3;
	_ =	sdelay $0x1  }
0x123: {  	v0 =	vadd.f32 v1, v0;
	_ =	sdelay $0x1  }
0x124: {  	s22 =	simm.s32 $0x80;
	[tilespmem:s15+$0x0] =	vst v0  }
0x125: {  	s24 =	simm.s32 $0x400;
	v0 =	vld [tilespmem:s22+$0x16C00]  }
.LBB2_8:
0x126: {  	p0 =	sne.s32 s24, $0xFE00;
	v1 =	vld [tilespmem:s22+$0x10400]  }
0x127: {  	v2 =	vld [tilespmem:s22+$0x10410]  }
0x128: {  	v3 =	vld [tilespmem:s22+$0x16C10]  }
0x129: {  	v4 =	vld [tilespmem:s22+$0x10420]  }
0x12a: {  	v5 =	vld [tilespmem:s22+$0x16C20]  }
0x12b: {  	v0 =	vmul.f32 v0, v1;
	v1 =	vld [tilespmem:s22+$0x10430]  }
0x12c: {  	v6 =	vld [tilespmem:s22+$0x16C30]  }
0x12d: {  	v0 =	vadd.f32 $0.0e+00, v0;
	v2 =	vmul.f32 v3, v2;
	v3 =	vld [tilespmem:s22+$0x10440]  }
0x12e: {  	v7 =	vld [tilespmem:s22+$0x16C40]  }
0x12f: {  	v0 =	vadd.f32 v2, v0;
	v2 =	vmul.f32 v5, v4;
	v4 =	vld [tilespmem:s22+$0x10450]  }
0x130: {  	v5 =	vld [tilespmem:s22+$0x16C50]  }
0x131: {  	v0 =	vadd.f32 v2, v0;
	v1 =	vmul.f32 v6, v1;
	v2 =	vld [tilespmem:s22+$0x10460]  }
0x132: {  	v6 =	vld [tilespmem:s22+$0x16C60]  }
0x133: {  	v0 =	vadd.f32 v1, v0;
	v1 =	vmul.f32 v7, v3;
	v3 =	vld [tilespmem:s22+$0x10470]  }
0x134: {  	v7 =	vld [tilespmem:s22+$0x16C70]  }
0x135: {  	v0 =	vadd.f32 v1, v0;
	v1 =	vmul.f32 v5, v4;
	_ =	sdelay $0x1  }
0x136: {  	v0 =	vadd.f32 v1, v0;
	v1 =	vmul.f32 v6, v2;
	_ =	sdelay $0x1  }
0x137: {  	v0 =	vadd.f32 v1, v0;
	v1 =	vmul.f32 v7, v3  }
.Ltmp3:
0x138: {  	(pc) =	sbr.rel @p0 .LBB2_8-.Ltmp3, $4  }
0x139: {  	v0 =	vadd.f32 v1, v0  }
0x13a: {  	s15 =	sadd.s32 $0x10, s15  }
0x13b: {  	s22 =	sshra.s32 s24, $0x2;
	[tilespmem:s15+$0x0] =	vst v0  }
0x13c: {  	s24 =	sadd.s32 $0x200, s24;
	v0 =	vld [tilespmem:s22+$0x16C00]  }
0x13d: {  	v1 =	vld [tilespmem:s22+$0x10400]  }
0x13e: {  	v2 =	vld [tilespmem:s22+$0x10410]  }
0x13f: {  	v3 =	vld [tilespmem:s22+$0x16C10]  }
0x140: {  	v4 =	vld [tilespmem:s22+$0x10420]  }
0x141: {  	v5 =	vld [tilespmem:s22+$0x16C20]  }
0x142: {  	v51 =	vld [tilespmem:s22+$0x10430];
	v0 =	vmul.f32 v0, v1  }
0x143: {  	v6 =	vld [tilespmem:s22+$0x16C30]  }
0x144: {  	v52 =	vld [tilespmem:s22+$0x10440];
	v2 =	vmul.f32 v3, v2;
	v0 =	vadd.f32 $0.0e+00, v0  }
0x145: {  	v7 =	vld [tilespmem:s22+$0x16C40]  }
0x146: {  	v54 =	vld [tilespmem:s22+$0x10450];
	v53 =	vmul.f32 v5, v4;
	v0 =	vadd.f32 v2, v0  }
0x147: {  	v55 =	vld [tilespmem:s22+$0x16C50]  }
0x148: {  	v56 =	vld [tilespmem:s22+$0x10460];
	v1 =	vmul.f32 v6, v51;
	v0 =	vadd.f32 v53, v0  }
0x149: {  	v57 =	vld [tilespmem:s22+$0x16C60]  }
0x14a: {  	v59 =	vld [tilespmem:s22+$0x10470];
	v58 =	vmul.f32 v7, v52;
	v0 =	vadd.f32 v1, v0  }
0x14b: {  	v60 =	vld [tilespmem:s22+$0x16C70]  }
0x14c: {  	v61 =	vmul.f32 v55, v54;
	v0 =	vadd.f32 v58, v0;
	_ =	sdelay $0x1  }
0x14d: {  	v62 =	vmul.f32 v57, v56;
	v0 =	vadd.f32 v61, v0;
	_ =	sdelay $0x1  }
0x14e: {  	v63 =	vmul.f32 v60, v59;
	v0 =	vadd.f32 v62, v0;
	_ =	sdelay $0x1  }
0x14f: {  	v0 =	vadd.f32 v63, v0  }
0x150: {  	s15 =	sadd.s32 $0x10, s15  }
0x151: {  	[tilespmem:s15+$0x0] =	vst v0  }
0x152: {  	[hbm4b:s12+s29] =	stream.linear.scatter [tilespmem:s31], [sflag:$0x3], $0x800, $0x38;
	[tilespmem:$0x1DE00] =	vst v63  }
0x153: {  	_ =	swait.ge [sflag:s14], $0x800  }
0x154: {  	[sflag:s14] =	ssyncset.done $0x0  }
0x155: {  	s31 =	simm.s32 $0x400;
	[sflag:s14] =	ssyncadd.s32 $0xFFFFF800  }
0x156: {  	[tilespmem:s31], [sflag:$0x1] =	stream.indirect.gather [hbm4b:s1+s16], $0x80, s29, s16, $0xb8;
	[tilespmem:$0x1DE00] =	vst v63  }
0x157: {  	_ =	swait.ge [sflag:s19], $0x4000  }
0x158: {  	[sflag:s19] =	ssyncset.done $0x0  }
0x159: {  	s22 =	simm.s32 $0x4400;
	[sflag:s19] =	ssyncadd.s32 $0xFFFFC000  }
0x15a: {  	[tilespmem:s22], [sflag:$0x1] =	stream.indirect.gather [hbm4b:s1+s16], $0x80, s16, s16, $0xb8;
	[tilespmem:$0x1DE00] =	vst v63  }
0x15b: {  	_ =	swait.ge [sflag:s19], $0x4000  }
0x15c: {  	[sflag:s19] =	ssyncset.done $0x0  }
0x15d: {  	s24 =	simm.s32 $0x8400;
	[sflag:s19] =	ssyncadd.s32 $0xFFFFC000  }
0x15e: {  	[tilespmem:s24], [sflag:$0x1] =	stream.indirect.gather [hbm4b:s1+s16], $0x80, s26, s16, $0xb8;
	[tilespmem:$0x1DE00] =	vst v63  }
0x15f: {  	_ =	swait.ge [sflag:s19], $0x4000  }
0x160: {  	[sflag:s19] =	ssyncset.done $0x0  }
0x161: {  	s31 =	simm.s32 $0xC400;
	[sflag:s19] =	ssyncadd.s32 $0xFFFFC000  }
0x162: {  	[tilespmem:s31], [sflag:$0x1] =	stream.indirect.gather [hbm4b:s1+s16], $0x80, s30, s16, $0xb8;
	[tilespmem:$0x1DE00] =	vst v63  }
0x163: {  	_ =	swait.ge [sflag:s19], $0x4000  }
0x164: {  	[sflag:s19] =	ssyncset.done $0x0  }
0x165: {  	s30 =	simm.s32 $0x0;
	[sflag:s19] =	ssyncadd.s32 $0xFFFFC000  }
.LBB2_10:
0x166: {  	s31 =	sadd.s32 s6, s30  }
0x167: {  	s15 =	smul.u32 $0x19, s31;
	_ =	sdelay $0x1  }
0x168: {  	s15 =	sadd.s32 s4, s15  }
0x169: {  	[tilespmem:s0], [sflag:$0x3] =	stream.linear.gather [hbm4b:s15+s29], $0xC8, $0x38;
	[tilespmem:$0x1DE00] =	vst v63  }
0x16a: {  	_ =	swait.ge [sflag:s14], $0xC8  }
0x16b: {  	[sflag:s14] =	ssyncset.done $0x0  }
0x16c: {  	[sflag:s14] =	ssyncadd.s32 $0xFFFFFF38  }
0x16d: {  	[tilespmem:s17], [sflag:$0x1] =	stream.indirect.gather [hbm4b:s1+s16], $0x80, s0, s16, $0xb8;
	[tilespmem:$0x1DE00] =	vst v63  }
0x16e: {  	_ = 	snop  }
0x16f: {  	[tilespmem:s23], [sflag:$0x2] =	stream.indirect.gather [hbm4b:s1+s2], $0x80, s21, s2, $0xb8;
	[tilespmem:$0x1DE00] =	vst v63  }
0x170: {  	_ =	swait.ge [sflag:s19], $0x4000  }
0x171: {  	[sflag:s19] =	ssyncset.done $0x0  }
0x172: {  	[sflag:s19] =	ssyncadd.s32 $0xFFFFC000  }
0x173: {  	_ =	swait.ge [sflag:s20], $0x2400  }
0x174: {  	s26 =	sshll.u32 s30, $0x7;
	[sflag:s20] =	ssyncset.done $0x0  }
0x175: {  	s15 =	sand.u32 $0x3FFFFF80, s26;
	[sflag:s20] =	ssyncadd.s32 $0xFFFFDC00  }
0x176: {  	v6 =	vld [tilespmem:s15+$0x400]  }
0x177: {  	v7 =	vld [tilespmem:s15+$0x410]  }
0x178: {  	v5 =	vld [tilespmem:s15+$0x420]  }
0x179: {  	v4 =	vld [tilespmem:s15+$0x430]  }
0x17a: {  	v3 =	vld [tilespmem:s15+$0x440]  }
0x17b: {  	v2 =	vld [tilespmem:s15+$0x450]  }
0x17c: {  	v1 =	vld [tilespmem:s15+$0x460]  }
0x17d: {  	v63 =	vld [tilespmem:s15+$0x470];
	s15 =	simm.s32 $0x10800  }
0x17e: {  	v10 =	vld [tilespmem:s15+$0x370]  }
0x17f: {  	v14 =	vld [tilespmem:s15+$0x360]  }
0x180: {  	v61 =	vld [tilespmem:s15+$0x3C0]  }
0x181: {  	v32 =	vld [tilespmem:s15+$0x270]  }
0x182: {  	v24 =	vld [tilespmem:s15+$0x350]  }
0x183: {  	v9 =	vld [tilespmem:s15+$0x3B0]  }
0x184: {  	v33 =	vld [tilespmem:s15+$0x1F0]  }
0x185: {  	v34 =	vld [tilespmem:s15+$0x260]  }
0x186: {  	v25 =	vld [tilespmem:s15+$0x340]  }
0x187: {  	v11 =	vld [tilespmem:s15+$0x3A0]  }
0x188: {  	v35 =	vld [tilespmem:s15+$0x1E0]  }
0x189: {  	v36 =	vld [tilespmem:s15+$0x250]  }
0x18a: {  	v12 =	vld [tilespmem:s15+$0x2C0]  }
0x18b: {  	v21 =	vld [tilespmem:s15+$0x330]  }
0x18c: {  	v27 =	vld [tilespmem:s15+$0x380]  }
0x18d: {  	v37 =	vld [tilespmem:s15+$0x390]  }
0x18e: {  	v18 =	vld [tilespmem:s15+$0xF0]  }
0x18f: {  	v38 =	vld [tilespmem:s15+$0x1D0]  }
0x190: {  	v39 =	vld [tilespmem:s15+$0x240]  }
0x191: {  	v13 =	vld [tilespmem:s15+$0x2B0]  }
0x192: {  	v23 =	vld [tilespmem:s15+$0x320]  }
0x193: {  	v15 =	vld [tilespmem:s15+$0x70]  }
0x194: {  	v31 =	vld [tilespmem:s15+$0xE0]  }
0x195: {  	v40 =	vld [tilespmem:s15+$0x1C0]  }
0x196: {  	v41 =	vld [tilespmem:s15+$0x230]  }
0x197: {  	v29 =	vld [tilespmem:s15+$0x2A0]  }
0x198: {  	v26 =	vld [tilespmem:s15+$0x300]  }
0x199: {  	v42 =	vld [tilespmem:s15+$0x310]  }
0x19a: {  	v30 =	vld [tilespmem:s15+$0x60]  }
0x19b: {  	v43 =	vld [tilespmem:s15+$0xD0]  }
0x19c: {  	v16 =	vld [tilespmem:s15+$0x140]  }
0x19d: {  	v44 =	vld [tilespmem:s15+$0x1B0]  }
0x19e: {  	v45 =	vld [tilespmem:s15+$0x220]  }
0x19f: {  	v46 =	vld [tilespmem:s15+$0x280]  }
0x1a0: {  	v47 =	vld [tilespmem:s15+$0x290]  }
0x1a1: {  	v22 =	vld [tilespmem:s15+$0xFFFFFF70]  }
0x1a2: {  	v48 =	vld [tilespmem:s15+$0x50]  }
0x1a3: {  	v49 =	vld [tilespmem:s15+$0xC0]  }
0x1a4: {  	v17 =	vld [tilespmem:s15+$0x130]  }
0x1a5: {  	v50 =	vld [tilespmem:s15+$0x1A0]  }
0x1a6: {  	v51 =	vld [tilespmem:s15+$0x200]  }
0x1a7: {  	v52 =	vld [tilespmem:s15+$0x210]  }
0x1a8: {  	v28 =	vld [tilespmem:s15+$0xFFFFFEF0]  }
0x1a9: {  	v19 =	vld [tilespmem:s15+$0xFFFFFF60]  }
0x1aa: {  	v53 =	vld [tilespmem:s15+$0x40]  }
0x1ab: {  	v54 =	vld [tilespmem:s15+$0xB0]  }
0x1ac: {  	v20 =	vld [tilespmem:s15+$0x120]  }
0x1ad: {  	v55 =	vld [tilespmem:s15+$0x180]  }
0x1ae: {  	v56 =	vld [tilespmem:s15+$0x190]  }
0x1af: {  	v58 =	vld [tilespmem:s15+$0x30];
	v26 =	vmul.f32 v26, v6  }
0x1b0: {  	v42 =	vmul.f32 v42, v7;
	v57 =	vmul.f32 v23, v5;
	v23 =	vld [tilespmem:s15+$0xFFFFFF50]  }
0x1b1: {  	v60 =	vmul.f32 v21, v4;
	v21 =	vld [tilespmem:s15+$0xFFFFFFC0];
	v59 =	vmul.f32 v24, v2  }
0x1b2: {  	v24 =	vld [tilespmem:s15+$0xFFFFFDF0];
	v51 =	vmul.f32 v51, v6;
	v52 =	vmul.f32 v52, v7  }
0x1b3: {  	v55 =	vmul.f32 v55, v6;
	v56 =	vmul.f32 v56, v7;
	v42 =	vadd.f32 v42, v26;
	v26 =	vld [tilespmem:s15+$0xFFFFFEE0]  }
0x1b4: {  	v45 =	vmul.f32 v45, v5;
	v51 =	vadd.f32 v52, v51;
	v52 =	vld [tilespmem:s15+$0xFFFFFF40]  }
0x1b5: {  	v27 =	vmul.f32 v27, v6;
	v37 =	vmul.f32 v37, v7;
	v55 =	vadd.f32 v56, v55;
	v56 =	vld [tilespmem:s15+$0x80]  }
0x1b6: {  	v50 =	vmul.f32 v50, v5;
	v46 =	vmul.f32 v46, v6;
	v42 =	vadd.f32 v57, v42;
	v57 =	vld [tilespmem:s15+$0xA0]  }
0x1b7: {  	v47 =	vmul.f32 v47, v7;
	v0 =	vadd.f32 v37, v27;
	v45 =	vadd.f32 v45, v51;
	v51 =	vld [tilespmem:s15+$0x90]  }
0x1b8: {  	v25 =	vmul.f32 v25, v3;
	v50 =	vadd.f32 v50, v55;
	v55 =	vld [tilespmem:s15+$0xFFFFFFB0]  }
0x1b9: {  	v14 =	vmul.f32 v14, v1;
	[tilespmem:$0x1FFE0] =	vst v0;
	v0 =	vadd.f32 v47, v46;
	v46 =	vld [tilespmem:s15+$0xFFFFFFA0];
	v42 =	vadd.f32 v60, v42  }
0x1ba: {  	v41 =	vmul.f32 v41, v4;
	v62 =	vmul.f32 v10, v63;
	v47 =	vld [tilespmem:s15+$0xFFFFFF20]  }
0x1bb: {  	v44 =	vmul.f32 v44, v4;
	v39 =	vmul.f32 v39, v3;
	v60 =	vld [tilespmem:s15+$0x100];
	v25 =	vadd.f32 v25, v42  }
0x1bc: {  	v36 =	vmul.f32 v36, v2;
	v38 =	vmul.f32 v38, v2;
	v10 =	vadd.f32 v41, v45;
	v41 =	vld [tilespmem:s15+$0x20]  }
0x1bd: {  	v34 =	vmul.f32 v34, v1;
	v50 =	vadd.f32 v44, v50;
	v44 =	vld [tilespmem:s15+$0xFFFFFD70];
	v59 =	vadd.f32 v59, v25  }
0x1be: {  	v35 =	vmul.f32 v35, v1;
	v32 =	vmul.f32 v32, v63;
	v45 =	vld [tilespmem:s15+$0x0]  }
0x1bf: {  	v33 =	vmul.f32 v33, v63;
	v8 =	vmul.f32 v11, v5;
	v42 =	vld [tilespmem:s15+$0x110];
	v14 =	vadd.f32 v14, v59  }
0x1c0: {  	v43 =	vmul.f32 v43, v2;
	v31 =	vmul.f32 v31, v1;
	v37 =	vadd.f32 v39, v10;
	v39 =	vld [tilespmem:s15+$0xFFFFFDE0]  }
0x1c1: {  	v13 =	vmul.f32 v13, v4;
	v25 =	vld [tilespmem:s15+$0xFFFFFED0];
	v27 =	vadd.f32 v62, v14;
	v14 =	vmul.f32 v40, v3  }
0x1c2: {  	v30 =	vmul.f32 v30, v1;
	v16 =	vmul.f32 v16, v3;
	v36 =	vadd.f32 v36, v37;
	v37 =	vld [tilespmem:s15+$0x10]  }
0x1c3: {  	v59 =	vmul.f32 v51, v7;
	v51 =	vld [tilespmem:s15+$0xFFFFFEC0];
	v62 =	vmul.f32 v57, v5;
	v40 =	vadd.f32 v14, v50  }
0x1c4: {  	v57 =	vmul.f32 v45, v6;
	v45 =	vld [tilespmem:s15+$0xFFFFFF00];
	v14 =	vmul.f32 v56, v6  }
0x1c5: {  	v17 =	vmul.f32 v17, v4;
	v11 =	vmul.f32 v60, v6;
	v38 =	vadd.f32 v38, v40;
	v40 =	vld [tilespmem:s15+$0xFFFFFF30]  }
0x1c6: {  	v34 =	vadd.f32 v34, v36;
	v50 =	vadd.f32 v59, v14;
	v59 =	vmul.f32 v49, v3;
	v49 =	vld [tilespmem:s15+$0xFFFFFC60]  }
0x1c7: {  	v42 =	vmul.f32 v42, v7;
	v37 =	vmul.f32 v37, v7;
	v35 =	vadd.f32 v35, v38;
	v38 =	vld [tilespmem:s15+$0xFFFFFC70]  }
0x1c8: {  	v56 =	vmul.f32 v54, v4;
	v10 =	vadd.f32 v62, v50;
	v50 =	vadd.f32 v32, v34;
	v34 =	vld [tilespmem:s15+$0xFFFFFD60]  }
0x1c9: {  	v41 =	vmul.f32 v41, v5;
	v32 =	vadd.f32 v37, v57;
	v37 =	vld [tilespmem:s15+$0xFFFFFEB0];
	v57 =	vmul.f32 v58, v4  }
0x1ca: {  	v58 =	vmul.f32 v18, v63;
	v18 =	vadd.f32 v42, v11;
	v11 =	vld [tilespmem:s15+$0xFFFFFEA0];
	v36 =	vadd.f32 v56, v10  }
0x1cb: {  	v24 =	vmul.f32 v24, v63;
	v60 =	vmul.f32 v12, v3;
	v32 =	vadd.f32 v41, v32;
	v41 =	vld [tilespmem:s15+$0xFFFFFF10]  }
0x1cc: {  	v45 =	vmul.f32 v45, v6;
	v35 =	vadd.f32 v33, v35;
	v33 =	vld [tilespmem:s15+$0xFFFFFDD0];
	v36 =	vadd.f32 v59, v36  }
0x1cd: {  	v62 =	vmul.f32 v9, v4;
	v9 =	vmul.f32 v53, v3;
	v59 =	vld [tilespmem:s15+$0xFFFFFE90];
	v32 =	vadd.f32 v57, v32  }
0x1ce: {  	v53 =	vmul.f32 v15, v63;
	v15 =	vmul.f32 v29, v5;
	v36 =	vadd.f32 v43, v36;
	v43 =	vld [tilespmem:s15+$0xFFFFFE80]  }
0x1cf: {  	v10 =	vmul.f32 v48, v2;
	v56 =	vmul.f32 v28, v63;
	v48 =	vld [tilespmem:s15+$0xFFFFFD40];
	v32 =	vadd.f32 v9, v32  }
0x1d0: {  	v57 =	vld [tilespmem:s15+$0xFFFFFDC0];
	v11 =	vmul.f32 v11, v5;
	v41 =	vmul.f32 v41, v7;
	v29 =	vadd.f32 v31, v36  }
0x1d1: {  	v31 =	vld [tilespmem:s15+$0xFFFFFF80];
	v32 =	vadd.f32 v10, v32;
	v10 =	vmul.f32 v47, v5;
	v36 =	vmul.f32 v33, v2  }
0x1d2: {  	v47 =	vld [tilespmem:s15+$0xFFFFFC50];
	v42 =	vmul.f32 v59, v7;
	v54 =	vadd.f32 v58, v29;
	v58 =	vmul.f32 v26, v1  }
0x1d3: {  	v59 =	vld [tilespmem:s15+$0xFFFFFDB0];
	v30 =	vadd.f32 v30, v32;
	v9 =	vmul.f32 v43, v6;
	v43 =	vmul.f32 v22, v63  }
0x1d4: {  	v29 =	vld [tilespmem:s15+$0xFFFFFF90];
	v22 =	vadd.f32 v41, v45;
	v41 =	vmul.f32 v19, v1;
	v19 =	vmul.f32 v20, v5  }
0x1d5: {  	v32 =	vld [tilespmem:s15+$0xFFFFFD30];
	v20 =	vmul.f32 v21, v3;
	v21 =	vmul.f32 v52, v3;
	v28 =	vadd.f32 v42, v9  }
0x1d6: {  	v52 =	vld [tilespmem:s15+$0xFFFFFE00];
	v22 =	vadd.f32 v10, v22;
	v9 =	vmul.f32 v23, v2;
	v23 =	vmul.f32 v37, v4  }
0x1d7: {  	v45 =	vld [tilespmem:s15+$0xFFFFFD50];
	v10 =	vmul.f32 v25, v2;
	v26 =	vadd.f32 v11, v28;
	v28 =	vmul.f32 v40, v4  }
0x1d8: {  	v37 =	vld [tilespmem:s15+$0xFFFFFD80];
	v25 =	vmul.f32 v38, v63;
	v33 =	vmul.f32 v47, v2  }
0x1d9: {  	v38 =	vmul.f32 v48, v3;
	v47 =	vmul.f32 v59, v4;
	v40 =	vld [tilespmem:s15+$0xFFFFFD90];
	v22 =	vadd.f32 v28, v22  }
0x1da: {  	v42 =	vld [tilespmem:s15+$0xFFFFFC00];
	v23 =	vadd.f32 v23, v26;
	v26 =	vmul.f32 v31, v6;
	v28 =	vmul.f32 v29, v7  }
0x1db: {  	v30 =	vadd.f32 v53, v30;
	v48 =	vmul.f32 v52, v6;
	v29 =	vmul.f32 v51, v3;
	v51 =	vld [tilespmem:s15+$0xFFFFFDA0]  }
0x1dc: {  	v31 =	vadd.f32 v21, v22;
	v26 =	vadd.f32 v28, v26;
	v28 =	vmul.f32 v39, v1;
	v39 =	vld [tilespmem:s15+$0xFFFFFE10]  }
0x1dd: {  	v37 =	vmul.f32 v37, v6;
	v29 =	vadd.f32 v29, v23;
	v23 =	vmul.f32 v46, v5;
	v46 =	vld [tilespmem:s15+$0xFFFFFD00]  }
0x1de: {  	v22 =	vmul.f32 v44, v63;
	v40 =	vmul.f32 v40, v7;
	v11 =	vadd.f32 v9, v31;
	v9 =	vld [tilespmem:s15+$0xFFFFFD10]  }
0x1df: {  	[tilespmem:$0x1FFF0] =	vst v8;
	v44 =	vadd.f32 v10, v29;
	v31 =	vmul.f32 v34, v1;
	v34 =	vmul.f32 v45, v2;
	v45 =	vld [tilespmem:s15+$0xFFFFFC10]  }
0x1e0: {  	(xrf2) =	vadd.scan.msk.f32 $0xffff, v27;
	v21 =	vmul.f32 v55, v4;
	v29 =	vmul.f32 v49, v1;
	v10 =	vadd.f32 v41, v11;
	v41 =	vld [tilespmem:s15+$0xFFFFFD20]  }
0x1e1: {  	(xrf2) =	vadd.scan.msk.f32 $0xffff, v50;
	v11 =	vadd.f32 v40, v37;
	v27 =	vadd.f32 v58, v44;
	v58 =	vmul.f32 v51, v5;
	v44 =	vld [tilespmem:s15+$0xFFFFFC80]  }
0x1e2: {  	(xrf2) =	vadd.scan.msk.f32 $0xffff, v35;
	v40 =	vmul.f32 v57, v3;
	v50 =	vmul.f32 v46, v6;
	v46 =	vld [tilespmem:s15+$0xFFFFFC90];
	v37 =	vadd.f32 v43, v10  }
0x1e3: {  	s24 =	simm.s32 $0x40;
	s22 =	simm.s32 $0x0;
	(xrf2) =	vadd.scan.msk.f32 $0xffff, v54;
	v43 =	vld [tilespmem:s15+$0xFFFFFC20];
	v49 =	vadd.f32 v58, v11;
	v35 =	vadd.f32 v56, v27;
	v51 =	vmul.f32 v9, v7  }
.LBB2_11:
0x1e4: {  	v52 =	vld [tilespmem:s15+$0xFFFFFC30];
	v23 =	vadd.f32 v23, v26  }
0x1e5: {  	v57 =	vld [tilespmem:s15+$0xFFFFFCA0];
	v14 =	vadd.f32 v15, v0;
	v47 =	vadd.f32 v47, v49  }
0x1e6: {  	v58 =	vld [tilespmem:s15+$0xFFFFFC40];
	v50 =	vadd.f32 v51, v50;
	v21 =	vadd.f32 v21, v23;
	v41 =	vmul.f32 v41, v5  }
0x1e7: {  	v59 =	vld [tilespmem:s15+$0xFFFFFCB0];
	v40 =	vadd.f32 v40, v47;
	v42 =	vmul.f32 v42, v6;
	v45 =	vmul.f32 v45, v7  }
0x1e8: {  	v9 =	vld [tilespmem:s15+$0xFFFFFE20];
	v39 =	vmul.f32 v39, v7;
	v32 =	vmul.f32 v32, v4;
	v41 =	vadd.f32 v41, v50  }
0x1e9: {  	v11 =	vld [tilespmem:s15+$0xFFFFFCC0];
	v43 =	vmul.f32 v43, v5;
	v44 =	vmul.f32 v44, v6;
	v42 =	vadd.f32 v45, v42  }
0x1ea: {  	v53 =	vld [tilespmem:s15+$0xFFFFFCD0];
	v46 =	vmul.f32 v46, v7;
	v36 =	vadd.f32 v36, v40;
	v8 =	vadd.f32 v32, v41  }
0x1eb: {  	v56 =	vld [tilespmem:s15+$0xFFFFFE40];
	v27, _, _ =	vpop (xrf2);
	(xrf2) =	vadd.scan.msk.f32 $0xffff, v30;
	v10 =	vmul.f32 v52, v4;
	v39 =	vadd.f32 v39, v48;
	v42 =	vadd.f32 v43, v42  }
0x1ec: {  	v51 =	vld [tilespmem:s15+$0xFFFFFE30];
	v48 =	vadd.f32 v46, v44;
	v50 =	vmul.f32 v57, v5;
	v38 =	vadd.f32 v38, v8  }
0x1ed: {  	v0 =	vld [tilespmem:$0x1FFE0];
	v52 =	vmul.f32 v58, v3;
	v28 =	vadd.f32 v28, v36;
	v42 =	vadd.f32 v10, v42  }
0x1ee: {  	v23 =	vld [tilespmem:s15+$0x150];
	v55 =	vmul.f32 v59, v4;
	v30, _, _ =	vpop (xrf2);
	(xrf2) =	vadd.scan.msk.f32 $0xffff, v37;
	v54 =	vadd.f32 v50, v48;
	v34 =	vadd.f32 v34, v38  }
0x1ef: {  	v58 =	vld [tilespmem:s15+$0xFFFFFCE0];
	v41 =	vmul.f32 v9, v5;
	v28 =	vadd.f32 v24, v28;
	v57 =	vadd.f32 v52, v42  }
0x1f0: {  	v59 =	vld [tilespmem:s15+$0xFFFFFE50];
	v32, _, _ =	vpop (xrf2);
	(xrf2) =	vadd.scan.msk.f32 $0xffff, v35;
	v36 =	vadd.f32 v55, v54;
	v8 =	vmul.f32 v11, v3;
	v31 =	vadd.f32 v31, v34  }
0x1f1: {  	v45 =	vld [tilespmem:s15+$0xFFFFFCF0];
	v47 =	vmul.f32 v51, v4;
	v39 =	vadd.f32 v41, v39;
	v33 =	vadd.f32 v33, v57  }
0x1f2: {  	v48 =	vmul.f32 v53, v2;
	v24, _, _ =	vpop (xrf2);
	(xrf2) =	vadd.scan.msk.f32 $0xffff, v28;
	v28 =	vadd.f32 v8, v36;
	v22 =	vadd.f32 v22, v31;
	v31 =	vld [tilespmem:s15+$0xFFFFFE60]  }
0x1f3: {  	v50 =	vld [tilespmem:s15+$0xFFFFFFD0];
	v8 =	vadd.f32 v47, v39;
	v38 =	vmul.f32 v56, v3;
	v29 =	vadd.f32 v29, v33  }
0x1f4: {  	v18 =	vadd.f32 v19, v18;
	v51 =	vmul.f32 v58, v1;
	v52 =	vld [tilespmem:s15+$0xFFFFFE70];
	v28 =	vadd.f32 v48, v28  }
0x1f5: {  	v26 =	vmul.f32 v59, v2;
	v49, _, _ =	vpop (xrf2);
	(xrf2) =	vadd.scan.msk.f32 $0xffff, v22;
	v22 =	vadd.f32 v25, v29;
	v25 =	vadd.f32 v38, v8;
	v29 =	vld [tilespmem:s15+$0xFFFFFFE0]  }
0x1f6: {  	v17 =	vadd.f32 v17, v18;
	v18 =	vld [tilespmem:s15+$0x2D0];
	v54 =	vmul.f32 v45, v63;
	v8 =	vadd.f32 v51, v28  }
0x1f7: {  	v25 =	vadd.f32 v26, v25;
	v26 =	vmul.f32 v31, v1;
	v31 =	vld [tilespmem:s15+$0xFFFFFFF0]  }
0x1f8: {  	v20 =	vadd.f32 v20, v21;
	v21 =	vmul.f32 v50, v2;
	v53, _, _ =	vpop (xrf2);
	(xrf2) =	vadd.scan.msk.f32 $0xffff, v22;
	v19 =	vadd.f32 v54, v8;
	v22 =	vld [tilespmem:s15+$0x160]  }
0x1f9: {  	v8 =	vld [tilespmem:$0x1FFF0];
	v25 =	vadd.f32 v26, v25;
	v26 =	vmul.f32 v52, v63  }
0x1fa: {  	v13 =	vadd.f32 v13, v14;
	v20 =	vadd.f32 v21, v20;
	v28, _, _ =	vpop (xrf2);
	(xrf2) =	vadd.scan.msk.f32 $0xffff, v19;
	v21 =	vmul.f32 v29, v1;
	v29 =	vld [tilespmem:s15+$0x170]  }
0x1fb: {  	v16 =	vadd.f32 v16, v17;
	v17 =	vmul.f32 v23, v2;
	v19 =	vld [tilespmem:s15+$0x2E0];
	v9 =	vadd.f32 v26, v25  }
0x1fc: {  	v14 =	vld [tilespmem:s15+$0x3D0];
	v12 =	vadd.f32 v60, v13;
	v20 =	vadd.f32 v21, v20;
	v21 =	vmul.f32 v31, v63  }
0x1fd: {  	v13 =	vmul.f32 v18, v2;
	v16 =	vadd.f32 v17, v16;
	v23, _, _ =	vpop (xrf2);
	v17 =	vmul.f32 v22, v1;
	v22 =	vld [tilespmem:s15+$0x2F0];
	(xrf2) =	vadd.scan.msk.f32 $0xffff, v9  }
0x1fe: {  	v10 =	vadd.f32 v8, v0;
	v11 =	vadd.f32 v21, v20  }
0x1ff: {  	v18 =	vld [tilespmem:s15+$0x3E0];
	v12 =	vadd.f32 v13, v12;
	v0 =	vadd.f32 v17, v16;
	v17 =	vmul.f32 v29, v63  }
0x200: {  	v8 =	vmul.f32 v61, v3;
	v13 =	vmul.f32 v19, v1;
	v55 =	vadd.f32 v62, v10;
	v15, _, _ =	vpop (xrf2);
	(xrf2) =	vadd.scan.msk.f32 $0xffff, v11  }
0x201: {  	v56 =	vadd.f32 v17, v0;
	v0 =	vmul.f32 v14, v2;
	v14 =	vld [tilespmem:s15+$0x3F0]  }
0x202: {  	v12 =	vadd.f32 v13, v12;
	v8 =	vadd.f32 v8, v55;
	v13 =	vmul.f32 v22, v63  }
0x203: {  	v16, _, _ =	vpop (xrf2);
	(xrf2) =	vadd.scan.msk.f32 $0xffff, v56  }
0x204: {  	v58 =	vmul.f32 v18, v1;
	v57 =	vadd.f32 v13, v12;
	v8 =	vadd.f32 v0, v8;
	v59, _, _ =	vpop (xrf2)  }
0x205: {  	v0 =	vbroadcast v16, $0xF;
	v11 =	vbroadcast v59, $0xF  }
0x206: {  	v13 =	vbroadcast v15, $0xF;
	v8 =	vadd.f32 v58, v8;
	(xrf2) =	vadd.scan.msk.f32 $0xffff, v57;
	v60 =	vmul.f32 v14, v63  }
0x207: {  	v62 =	vbroadcast v23, $0xF;
	v61 =	vsel vm0, v0, v11;
	v12, _, _ =	vpop (xrf2)  }
0x208: {  	v9 =	vsel vm1, v61, v13;
	v8 =	vadd.f32 v60, v8;
	v0 =	vbroadcast v12, $0xF  }
0x209: {  	v34 =	vbroadcast v28, $0xF;
	v9 =	vsel vm2, v9, v62  }
0x20a: {  	v9 =	vsel vm3, v9, v0;
	v0 =	vbroadcast v53, $0xF;
	v12, _, _ =	vpop (xrf2);
	(xrf2) =	vadd.scan.msk.f32 $0xffff, v8  }
0x20b: {  	v8 =	vsel vm4, v9, v34;
	v35 =	vbroadcast v12, $0xF  }
0x20c: {  	v36 =	vbroadcast v49, $0xF;
	v8 =	vsel vm5, v8, v0  }
0x20d: {  	v37 =	vbroadcast v24, $0xF;
	v38, _, _ =	vpop (xrf2);
	v8 =	vsel vm6, v8, v35  }
0x20e: {  	v39 =	vbroadcast v38, $0xF;
	v8 =	vsel vm7, v8, v36  }
0x20f: {  	v40 =	vbroadcast v32, $0xF;
	v8 =	vsel vm8, v8, v37  }
0x210: {  	v41 =	vbroadcast v30, $0xF;
	v42, _, _ =	vpop (xrf2);
	v8 =	vsel vm9, v8, v39  }
0x211: {  	v0 =	vbroadcast v42, $0xF;
	v8 =	vsel vm10, v8, v40  }
0x212: {  	v43 =	vbroadcast v27, $0xF;
	v8 =	vsel vm11, v8, v41  }
0x213: {  	v8 =	vsel vm12, v8, v0  }
0x214: {  	v8 =	vsel vm13, v8, v43;
	v44, _, _ =	vpop (xrf2)  }
0x215: {  	s26 =	sshra.s32 s22, $0x2;
	v8 =	vsel vm14, v8, v44  }
0x216: {  	s15 =	sadd.s32 $0x800, s15;
	[tilespmem:s26+$0x1D500] =	vst v8  }
0x217: {  	v9 =	vld [tilespmem:s15+$0x370]  }
0x218: {  	v10 =	vld [tilespmem:s15+$0x360]  }
0x219: {  	v0 =	vld [tilespmem:s15+$0x3C0]  }
0x21a: {  	v11 =	vld [tilespmem:s15+$0x270]  }
0x21b: {  	v12 =	vld [tilespmem:s15+$0x350]  }
0x21c: {  	v13 =	vld [tilespmem:s15+$0x3B0]  }
0x21d: {  	v15 =	vld [tilespmem:s15+$0x1F0]  }
0x21e: {  	v23 =	vld [tilespmem:s15+$0x260]  }
0x21f: {  	v25 =	vld [tilespmem:s15+$0x340]  }
0x220: {  	v26 =	vld [tilespmem:s15+$0x3A0]  }
0x221: {  	v27 =	vld [tilespmem:s15+$0x1E0]  }
0x222: {  	v31 =	vld [tilespmem:s15+$0x250]  }
0x223: {  	v32 =	vld [tilespmem:s15+$0x2C0]  }
0x224: {  	v30 =	vld [tilespmem:s15+$0x330]  }
0x225: {  	v33 =	vld [tilespmem:s15+$0x380]  }
0x226: {  	v34 =	vld [tilespmem:s15+$0x390]  }
0x227: {  	v35 =	vld [tilespmem:s15+$0xF0]  }
0x228: {  	v36 =	vld [tilespmem:s15+$0x1D0]  }
0x229: {  	v37 =	vld [tilespmem:s15+$0x240]  }
0x22a: {  	v38 =	vld [tilespmem:s15+$0x2B0]  }
0x22b: {  	v39 =	vld [tilespmem:s15+$0x320]  }
0x22c: {  	v40 =	vld [tilespmem:s15+$0x70]  }
0x22d: {  	v41 =	vld [tilespmem:s15+$0xE0]  }
0x22e: {  	v42 =	vld [tilespmem:s15+$0x1C0]  }
0x22f: {  	v43 =	vld [tilespmem:s15+$0x230]  }
0x230: {  	v44 =	vld [tilespmem:s15+$0x2A0]  }
0x231: {  	v45 =	vld [tilespmem:s15+$0x300]  }
0x232: {  	v46 =	vld [tilespmem:s15+$0x310]  }
0x233: {  	v47 =	vld [tilespmem:s15+$0x60]  }
0x234: {  	v17 =	vld [tilespmem:s15+$0xD0]  }
0x235: {  	v16 =	vld [tilespmem:s15+$0x140]  }
0x236: {  	v48 =	vld [tilespmem:s15+$0x1B0]  }
0x237: {  	v49 =	vld [tilespmem:s15+$0x220]  }
0x238: {  	v50 =	vld [tilespmem:s15+$0x280]  }
0x239: {  	v51 =	vld [tilespmem:s15+$0x290]  }
0x23a: {  	v52 =	vld [tilespmem:s15+$0xFFFFFF70]  }
0x23b: {  	v53 =	vld [tilespmem:s15+$0x50]  }
0x23c: {  	v54 =	vld [tilespmem:s15+$0xC0]  }
0x23d: {  	v18 =	vld [tilespmem:s15+$0x130]  }
0x23e: {  	v55 =	vld [tilespmem:s15+$0x1A0]  }
0x23f: {  	v56 =	vld [tilespmem:s15+$0x200]  }
0x240: {  	v57 =	vld [tilespmem:s15+$0x210]  }
0x241: {  	v58 =	vld [tilespmem:s15+$0xFFFFFEF0]  }
0x242: {  	v28 =	vld [tilespmem:s15+$0xFFFFFF60]  }
0x243: {  	v29 =	vld [tilespmem:s15+$0x40]  }
0x244: {  	v24 =	vld [tilespmem:s15+$0xB0]  }
0x245: {  	v8 =	vld [tilespmem:s15+$0xFFFFFFC0]  }
0x246: {  	v19 =	vld [tilespmem:s15+$0x120]  }
0x247: {  	v59 =	vld [tilespmem:s15+$0x180]  }
0x248: {  	v60 =	vld [tilespmem:s15+$0x190]  }
0x249: {  	v22 =	vld [tilespmem:s15+$0xFFFFFEE0];
	[tilespmem:$0x1FFC0] =	vst v0;
	v61 =	vmul.f32 v10, v1;
	v0 =	vmul.f32 v9, v63  }
0x24a: {  	v20 =	vld [tilespmem:s15+$0xFFFFFF50];
	[tilespmem:$0x1FFB0] =	vst v8;
	v8 =	vmul.f32 v11, v63;
	v10 =	vmul.f32 v12, v2  }
0x24b: {  	v21 =	vld [tilespmem:s15+$0x30];
	v11 =	vmul.f32 v45, v6;
	v12 =	vmul.f32 v46, v7  }
0x24c: {  	v14 =	vld [tilespmem:s15+$0x100];
	v46 =	vmul.f32 v15, v63;
	v62 =	vmul.f32 v13, v4  }
0x24d: {  	v45 =	vld [tilespmem:s15+$0xA0];
	v9 =	vmul.f32 v23, v1;
	v13 =	vmul.f32 v39, v5  }
0x24e: {  	v39 =	vld [tilespmem:s15+$0x110];
	v23 =	vmul.f32 v30, v4;
	v56 =	vmul.f32 v56, v6  }
0x24f: {  	v30 =	vld [tilespmem:s15+$0xFFFFFED0];
	v57 =	vmul.f32 v57, v7;
	v12 =	vadd.f32 v12, v11;
	v11 =	vmul.f32 v26, v5  }
0x250: {  	v15 =	vmul.f32 v25, v3;
	v25 =	vmul.f32 v32, v3;
	v32 =	vld [tilespmem:s15+$0xFFFFFF40]  }
0x251: {  	v49 =	vmul.f32 v49, v5;
	v26 =	vld [tilespmem:s15+$0xFFFFFDF0];
	v56 =	vadd.f32 v57, v56;
	[tilespmem:$0x1FFF0] =	vst v11;
	v11 =	vmul.f32 v27, v1  }
0x252: {  	v57 =	vld [tilespmem:s15+$0xFFFFFFA0];
	v13 =	vadd.f32 v13, v12;
	v12 =	vmul.f32 v31, v2;
	v27 =	vmul.f32 v33, v6  }
0x253: {  	v31 =	vmul.f32 v34, v7;
	v33 =	vld [tilespmem:s15+$0xFFFFFFB0];
	v34 =	vmul.f32 v36, v2  }
0x254: {  	[tilespmem:$0x1FFD0] =	vst v25;
	v36 =	vld [tilespmem:s15+$0x20];
	v25 =	vadd.f32 v23, v13;
	v23 =	vmul.f32 v35, v63;
	v35 =	vmul.f32 v37, v3  }
0x255: {  	v49 =	vadd.f32 v49, v56;
	v56 =	vld [tilespmem:s15+$0x0];
	v13 =	vmul.f32 v38, v4;
	v38 =	vmul.f32 v41, v1  }
0x256: {  	v37 =	vld [tilespmem:s15+$0x80];
	v41 =	vmul.f32 v42, v3;
	v42 =	vmul.f32 v43, v4  }
0x257: {  	v43 =	vld [tilespmem:s15+$0xFFFFFD70];
	v15 =	vadd.f32 v15, v25  }
0x258: {  	v25 =	vmul.f32 v40, v63;
	v40 =	vld [tilespmem:s15+$0x90];
	v42 =	vadd.f32 v42, v49  }
0x259: {  	v55 =	vmul.f32 v55, v5;
	v49 =	vld [tilespmem:s15+$0xFFFFFC70];
	v15 =	vadd.f32 v10, v15;
	v10 =	vadd.f32 v31, v27  }
0x25a: {  	v31 =	vmul.f32 v60, v7;
	v60 =	vld [tilespmem:s15+$0xFFFFFEC0];
	v42 =	vadd.f32 v35, v42;
	v35 =	vmul.f32 v58, v63  }
0x25b: {  	v58 =	vmul.f32 v56, v6;
	v56 =	vmul.f32 v32, v3;
	v32 =	vld [tilespmem:s15+$0xFFFFFD30]  }
0x25c: {  	v47 =	vmul.f32 v47, v1;
	v27 =	vmul.f32 v59, v6;
	[tilespmem:$0x1FFE0] =	vst v10;
	v10 =	vld [tilespmem:s15+$0xFFFFFDE0]  }
0x25d: {  	v50 =	vmul.f32 v50, v6;
	v59 =	vadd.f32 v61, v15;
	v15 =	vmul.f32 v44, v5;
	v44 =	vld [tilespmem:s15+$0xFFFFFF30]  }
0x25e: {  	v51 =	vmul.f32 v51, v7;
	v27 =	vadd.f32 v31, v27;
	v12 =	vadd.f32 v12, v42;
	v42 =	vld [tilespmem:s15+$0xFFFFFF20]  }
0x25f: {  	v48 =	vmul.f32 v48, v4;
	v16 =	vmul.f32 v16, v3;
	v31 =	vadd.f32 v0, v59;
	v59 =	vld [tilespmem:s15+$0x10]  }
0x260: {  	v37 =	vmul.f32 v37, v6;
	v55 =	vadd.f32 v55, v27;
	v0 =	vadd.f32 v51, v50;
	v50 =	vld [tilespmem:s15+$0xFFFFFD60]  }
0x261: {  	v40 =	vmul.f32 v40, v7;
	v51 =	vmul.f32 v53, v2;
	v53 =	vld [tilespmem:s15+$0xFFFFFDD0]  }
0x262: {  	v29 =	vmul.f32 v29, v3;
	v9 =	vadd.f32 v9, v12;
	v12 =	vld [tilespmem:s15+$0xFFFFFF90];
	v48 =	vadd.f32 v48, v55  }
0x263: {  	v24 =	vmul.f32 v24, v4;
	v19 =	vmul.f32 v19, v5;
	v37 =	vadd.f32 v40, v37;
	v40 =	vld [tilespmem:s15+$0xFFFFFE90]  }
0x264: {  	v45 =	vmul.f32 v45, v5;
	v27 =	vmul.f32 v52, v63;
	v55 =	vld [tilespmem:s15+$0xFFFFFF00];
	v41 =	vadd.f32 v41, v48  }
0x265: {  	v52 =	vmul.f32 v54, v3;
	v9 =	vadd.f32 v8, v9;
	v8 =	vmul.f32 v14, v6;
	v14 =	vld [tilespmem:$0x1FFB0]  }
0x266: {  	v54 =	vmul.f32 v28, v1;
	v28 =	vadd.f32 v45, v37;
	v45 =	vld [tilespmem:s15+$0xFFFFFD50];
	v34 =	vadd.f32 v34, v41  }
0x267: {  	v21 =	vmul.f32 v21, v4;
	v37 =	vmul.f32 v30, v2;
	v30 =	vld [tilespmem:s15+$0xFFFFFEA0]  }
0x268: {  	v61 =	vmul.f32 v17, v2;
	v48 =	vld [tilespmem:s15+$0xFFFFFEB0];
	v59 =	vmul.f32 v59, v7;
	v11 =	vadd.f32 v11, v34  }
0x269: {  	v17 =	vmul.f32 v18, v4;
	v24 =	vadd.f32 v24, v28;
	v28 =	vmul.f32 v36, v5;
	v36 =	vld [tilespmem:s15+$0xFFFFFF10]  }
0x26a: {  	v41 =	vld [tilespmem:s15+$0xFFFFFF80];
	v11 =	vadd.f32 v46, v11;
	v46 =	vmul.f32 v22, v1;
	v22 =	vadd.f32 v59, v58  }
0x26b: {  	(xrf2) =	vadd.scan.msk.f32 $0xffff, v31;
	v12 =	vmul.f32 v12, v7;
	v31 =	vmul.f32 v50, v1;
	v24 =	vadd.f32 v52, v24;
	v34 =	vld [tilespmem:s15+$0xFFFFFC60]  }
0x26c: {  	v52 =	vmul.f32 v20, v2;
	v58 =	vmul.f32 v39, v7;
	v39 =	vld [tilespmem:s15+$0xFFFFFE80];
	v22 =	vadd.f32 v28, v22  }
0x26d: {  	v20 =	vmul.f32 v14, v3;
	v30 =	vmul.f32 v30, v5;
	v28 =	vadd.f32 v61, v24;
	v61 =	vld [tilespmem:$0x1FFC0]  }
0x26e: {  	v18 =	vadd.f32 v58, v8;
	v8 =	vld [tilespmem:s15+$0xFFFFFDC0];
	v24 =	vmul.f32 v26, v63;
	v26 =	vadd.f32 v21, v22  }
0x26f: {  	v21 =	vmul.f32 v33, v4;
	v59 =	vadd.f32 v38, v28;
	v33 =	vld [tilespmem:s15+$0xFFFFFC50];
	v22 =	vmul.f32 v43, v63  }
0x270: {  	v38 =	vld [tilespmem:s15+$0xFFFFFD40];
	v58 =	vadd.f32 v29, v26;
	v26 =	vmul.f32 v55, v6;
	v29 =	vmul.f32 v36, v7  }
0x271: {  	v43 =	vld [tilespmem:s15+$0xFFFFFDB0];
	v55 =	vadd.f32 v23, v59;
	v23 =	vmul.f32 v39, v6;
	v59 =	vmul.f32 v40, v7  }
0x272: {  	v28 =	vmul.f32 v10, v1;
	v40 =	vmul.f32 v60, v3;
	v60 =	vld [tilespmem:$0x1FFD0];
	v10 =	vadd.f32 v51, v58  }
0x273: {  	v26 =	vadd.f32 v29, v26;
	v29 =	vmul.f32 v42, v5;
	v51 =	vld [tilespmem:s15+$0xFFFFFDA0];
	v36 =	vadd.f32 v59, v23  }
0x274: {  	v23 =	vmul.f32 v57, v5;
	v57 =	vmul.f32 v48, v4;
	v59 =	vld [tilespmem:s15+$0xFFFFFD90]  }
0x275: {  	v26 =	vadd.f32 v29, v26;
	v29 =	vmul.f32 v44, v4;
	v44 =	vld [tilespmem:s15+$0xFFFFFD80];
	v36 =	vadd.f32 v30, v36  }
0x276: {  	v39 =	vld [tilespmem:s15+$0xFFFFFE10];
	v33 =	vmul.f32 v33, v2;
	v38 =	vmul.f32 v38, v3;
	v10 =	vadd.f32 v47, v10  }
0x277: {  	v58 =	vld [tilespmem:s15+$0xFFFFFE00];
	v26 =	vadd.f32 v29, v26;
	v29 =	vmul.f32 v41, v6;
	v47 =	vadd.f32 v57, v36  }
0x278: {  	v48 =	vld [tilespmem:s15+$0xFFFFFD00];
	v30 =	vadd.f32 v25, v10;
	v25 =	vmul.f32 v49, v63;
	v36 =	vmul.f32 v53, v2  }
0x279: {  	v42 =	vld [tilespmem:s15+$0xFFFFFC00];
	v10 =	vmul.f32 v59, v7;
	v50 =	vadd.f32 v56, v26;
	v53 =	vadd.f32 v40, v47  }
0x27a: {  	p0 =	sne.s32 s24, $0x300;
	v57 =	vmul.f32 v51, v5;
	v26 =	vadd.f32 v12, v29;
	v12 =	vld [tilespmem:s15+$0xFFFFFD10];
	v56 =	vmul.f32 v44, v6  }
.Ltmp4:
0x27b: {  	v41 =	vld [tilespmem:s15+$0xFFFFFD20];
	v40 =	vmul.f32 v8, v3;
	v8 =	vadd.f32 v52, v50;
	v37 =	vadd.f32 v37, v53;
	(pc) =	sbr.rel @p0 .LBB2_11-.Ltmp4, $4  }
0x27c: {  	(xrf2) =	vadd.scan.msk.f32 $0xffff, v9;
	v29 =	vmul.f32 v34, v1;
	v34 =	vmul.f32 v45, v2;
	v45 =	vld [tilespmem:s15+$0xFFFFFC10];
	v9 =	vadd.f32 v10, v56  }
0x27d: {  	v47 =	vmul.f32 v43, v4;
	v43 =	vld [tilespmem:s15+$0xFFFFFC20];
	v8 =	vadd.f32 v54, v8;
	v59 =	vadd.f32 v46, v37  }
0x27e: {  	(xrf2) =	vadd.scan.msk.f32 $0xffff, v11;
	v44 =	vld [tilespmem:s15+$0xFFFFFC80];
	v50 =	vmul.f32 v48, v6;
	v48 =	vmul.f32 v58, v6;
	v49 =	vadd.f32 v57, v9  }
0x27f: {  	s22 =	smov.u32 s24;
	s24 =	sadd.s32 $0x40, s24;
	(xrf2) =	vadd.scan.msk.f32 $0xffff, v55;
	v46 =	vld [tilespmem:s15+$0xFFFFFC90];
	v51 =	vmul.f32 v12, v7;
	v37 =	vadd.f32 v27, v8;
	v35 =	vadd.f32 v35, v59  }
0x280: {  	v8 =	vld [tilespmem:s15+$0xFFFFFC30]  }
0x281: {  	v10 =	vmul.f32 v41, v5;
	v11 =	vmul.f32 v39, v7;
	v54 =	vld [tilespmem:s15+$0xFFFFFCA0]  }
0x282: {  	v12 =	vmul.f32 v42, v6;
	v55 =	vadd.f32 v47, v49;
	v56 =	vld [tilespmem:s15+$0xFFFFFC40];
	v27 =	vmul.f32 v45, v7  }
0x283: {  	v57 =	vmul.f32 v32, v4;
	v59 =	vld [tilespmem:s15+$0xFFFFFCB0];
	v23 =	vadd.f32 v23, v26;
	v9 =	vadd.f32 v51, v50  }
0x284: {  	v47 =	vld [tilespmem:s15+$0xFFFFFCC0];
	v11 =	vadd.f32 v11, v48;
	v58 =	vmul.f32 v43, v5;
	v12 =	vadd.f32 v27, v12  }
0x285: {  	v49 =	vld [tilespmem:s15+$0xFFFFFE30];
	v40 =	vadd.f32 v40, v55;
	v44 =	vmul.f32 v44, v6;
	v45 =	vmul.f32 v46, v7  }
0x286: {  	v9 =	vadd.f32 v10, v9;
	v46 =	vld [tilespmem:s15+$0xFFFFFE20];
	v12 =	vadd.f32 v58, v12;
	v8 =	vmul.f32 v8, v4  }
0x287: {  	v53 =	vld [tilespmem:s15+$0xFFFFFE40];
	v36 =	vadd.f32 v36, v40;
	v48 =	vmul.f32 v54, v5;
	v6 =	vadd.f32 v45, v44  }
0x288: {  	v51 =	vld [tilespmem:s15+$0xFFFFFCD0];
	v9 =	vadd.f32 v57, v9;
	v50 =	vmul.f32 v56, v3;
	v8 =	vadd.f32 v8, v12  }
0x289: {  	v52 =	vmul.f32 v59, v4;
	v54 =	vld [tilespmem:s15+$0xFFFFFCE0];
	v28 =	vadd.f32 v28, v36;
	v6 =	vadd.f32 v48, v6  }
0x28a: {  	v43 =	vld [tilespmem:s15+$0x160];
	v56 =	vmul.f32 v47, v3;
	v9 =	vadd.f32 v38, v9;
	v8 =	vadd.f32 v50, v8  }
0x28b: {  	v57 =	vld [tilespmem:s15+$0xFFFFFE50];
	v24 =	vadd.f32 v24, v28;
	v55 =	vmul.f32 v46, v5;
	v6 =	vadd.f32 v52, v6  }
0x28c: {  	v58 =	vld [tilespmem:s15+$0xFFFFFCF0];
	v59 =	vmul.f32 v49, v4;
	v9 =	vadd.f32 v34, v9;
	v8 =	vadd.f32 v33, v8  }
0x28d: {  	v40 =	vld [tilespmem:s15+$0xFFFFFFF0];
	v14 =	vmul.f32 v51, v2;
	v5 =	vadd.f32 v55, v11;
	v6 =	vadd.f32 v56, v6  }
0x28e: {  	v28 =	vld [tilespmem:s15+$0xFFFFFE60];
	v32 =	vmul.f32 v54, v1;
	v9 =	vadd.f32 v31, v9;
	v8 =	vadd.f32 v29, v8  }
0x28f: {  	v31 =	vld [tilespmem:s15+$0xFFFFFFD0];
	v4 =	vadd.f32 v59, v5;
	v29 =	vmul.f32 v53, v3;
	v6 =	vadd.f32 v14, v6  }
0x290: {  	(xrf2) =	vadd.scan.msk.f32 $0xffff, v30;
	v18 =	vadd.f32 v19, v18;
	v21 =	vadd.f32 v21, v23;
	v34 =	vmul.f32 v57, v2;
	v33 =	vld [tilespmem:s15+$0xFFFFFE70]  }
0x291: {  	(xrf2) =	vadd.scan.msk.f32 $0xffff, v37;
	v36 =	vld [tilespmem:s15+$0xFFFFFFE0];
	v37 =	vmul.f32 v58, v63;
	v4 =	vadd.f32 v29, v4;
	v6 =	vadd.f32 v32, v6  }
0x292: {  	(xrf2) =	vadd.scan.msk.f32 $0xffff, v35;
	v38 =	vld [tilespmem:s15+$0x150];
	v9 =	vadd.f32 v22, v9;
	v8 =	vadd.f32 v25, v8  }
0x293: {  	(xrf2) =	vadd.scan.msk.f32 $0xffff, v24;
	v57 =	vld [tilespmem:$0x1FFE0];
	v39 =	vmul.f32 v28, v1;
	v4 =	vadd.f32 v34, v4;
	v6 =	vadd.f32 v37, v6  }
0x294: {  	v41 =	vadd.f32 v20, v21;
	v45 =	vadd.f32 v17, v18;
	v58 =	vld [tilespmem:$0x1FFF0];
	(xrf2) =	vadd.scan.msk.f32 $0xffff, v9;
	v42 =	vmul.f32 v31, v2  }
0x295: {  	v46 =	vld [tilespmem:s15+$0x2D0];
	v14 =	vadd.f32 v15, v0;
	v44 =	vmul.f32 v33, v63;
	(xrf2) =	vadd.scan.msk.f32 $0xffff, v8;
	v4 =	vadd.f32 v39, v4  }
0x296: {  	v17, _, _ =	vpop (xrf2);
	v48 =	vld [tilespmem:s15+$0x170];
	v47 =	vmul.f32 v36, v1;
	v7 =	vadd.f32 v42, v41;
	(xrf2) =	vadd.scan.msk.f32 $0xffff, v6  }
0x297: {  	v51 =	vld [tilespmem:s15+$0x2E0];
	v49 =	vadd.f32 v16, v45;
	v50 =	vmul.f32 v38, v2;
	v4 =	vadd.f32 v44, v4;
	v6, _, _ =	vpop (xrf2)  }
0x298: {  	v52 =	vmul.f32 v40, v63;
	v54 =	vld [tilespmem:s15+$0x3D0];
	v53 =	vadd.f32 v13, v14;
	v7 =	vadd.f32 v47, v7;
	v16, _, _ =	vpop (xrf2)  }
0x299: {  	v55 =	vmul.f32 v43, v1;
	v56 =	vld [tilespmem:s15+$0x2F0];
	v5 =	vadd.f32 v50, v49;
	v19 =	vadd.f32 v58, v57;
	(xrf2) =	vadd.scan.msk.f32 $0xffff, v4;
	v14, _, _ =	vpop (xrf2)  }
0x29a: {  	v25 =	vmul.f32 v46, v2;
	v24 =	vadd.f32 v60, v53;
	v7 =	vadd.f32 v52, v7;
	v59, _, _ =	vpop (xrf2)  }
0x29b: {  	v27 =	vmul.f32 v48, v63;
	v28 =	vmul.f32 v61, v3;
	v29 =	vld [tilespmem:s15+$0x3E0];
	v5 =	vadd.f32 v55, v5;
	v26, _, _ =	vpop (xrf2)  }
0x29c: {  	v31 =	vmul.f32 v51, v1;
	v32 =	vadd.f32 v62, v19;
	v9 =	vadd.f32 v25, v24;
	(xrf2) =	vadd.scan.msk.f32 $0xffff, v7;
	v30, _, _ =	vpop (xrf2)  }
0x29d: {  	v35 =	vld [tilespmem:s15+$0x3F0];
	v34 =	vmul.f32 v54, v2;
	v5 =	vadd.f32 v27, v5;
	v33, _, _ =	vpop (xrf2)  }
0x29e: {  	v37 =	vmul.f32 v56, v63;
	v3 =	vadd.f32 v28, v32;
	v9 =	vadd.f32 v31, v9;
	v36, _, _ =	vpop (xrf2)  }
0x29f: {  	(xrf2) =	vadd.scan.msk.f32 $0xffff, v5;
	v38, _, _ =	vpop (xrf2)  }
0x2a0: {  	v40 =	vmul.f32 v29, v1;
	v2 =	vadd.f32 v34, v3;
	v39 =	vadd.f32 v37, v9;
	v41, _, _ =	vpop (xrf2)  }
0x2a1: {  	v42 =	vbroadcast v38, $0xF;
	v3 =	vbroadcast v41, $0xF  }
0x2a2: {  	v44 =	vmul.f32 v35, v63;
	v1 =	vadd.f32 v40, v2;
	v43 =	vbroadcast v36, $0xF;
	(xrf2) =	vadd.scan.msk.f32 $0xffff, v39  }
0x2a3: {  	v46 =	vbroadcast v33, $0xF;
	v47, _, _ =	vpop (xrf2);
	v45 =	vsel vm0, v42, v3  }
0x2a4: {  	v0 =	vadd.f32 v44, v1;
	v5 =	vbroadcast v47, $0xF;
	v2 =	vsel vm1, v45, v43  }
0x2a5: {  	v49 =	vbroadcast v30, $0xF;
	v48 =	vsel vm2, v2, v46  }
0x2a6: {  	v50 =	vbroadcast v26, $0xF;
	(xrf2) =	vadd.scan.msk.f32 $0xffff, v0;
	v51, _, _ =	vpop (xrf2);
	v1 =	vsel vm3, v48, v5  }
0x2a7: {  	v53 =	vbroadcast v51, $0xF;
	v52 =	vsel vm4, v1, v49  }
0x2a8: {  	v54 =	vbroadcast v59, $0xF;
	v0 =	vsel vm5, v52, v50  }
0x2a9: {  	v55 =	vbroadcast v14, $0xF;
	v56, _, _ =	vpop (xrf2);
	v0 =	vsel vm6, v0, v53  }
0x2aa: {  	v57 =	vbroadcast v56, $0xF;
	v0 =	vsel vm7, v0, v54  }
0x2ab: {  	v58 =	vbroadcast v16, $0xF;
	v0 =	vsel vm8, v0, v55  }
0x2ac: {  	v59 =	vbroadcast v6, $0xF;
	v60, _, _ =	vpop (xrf2);
	v0 =	vsel vm9, v0, v57  }
0x2ad: {  	v61 =	vbroadcast v60, $0xF;
	v0 =	vsel vm10, v0, v58  }
0x2ae: {  	v62 =	vbroadcast v17, $0xF;
	v0 =	vsel vm11, v0, v59  }
0x2af: {  	v0 =	vsel vm12, v0, v61  }
0x2b0: {  	s31 =	smul.u32 $0x1A, s31;
	s30 =	sadd.s32 $0x1, s30;
	v63, _, _ =	vpop (xrf2);
	v0 =	vsel vm13, v0, v62  }
0x2b1: {  	s22 =	sshra.s32 s22, $0x2;
	p0 =	sne.s32 s30, $0x200;
	v0 =	vsel vm14, v0, v63  }
.Ltmp5:
0x2b2: {  	s15 =	sadd.s32 s5, s31;
	[tilespmem:s22+$0x1D500] =	vst v0;
	(pc) =	sbr.rel @p0 .LBB2_10-.Ltmp5, $4  }
0x2b3: {  	[hbm4b:s15+s3] =	stream.linear.scatter [tilespmem:s25], [sflag:$0x3], $0xD0, $0x38;
	[tilespmem:$0x1DE00] =	vst v63  }
0x2b4: {  	_ =	swait.ge [sflag:s14], $0xD0  }
0x2b5: {  	[sflag:s14] =	ssyncset.done $0x0  }
0x2b6: {  	[sflag:s14] =	ssyncadd.s32 $0xFFFFFF30  }
0x2b7: {  	s28 =	sadd.s32 $0x1, s28  }
0x2b8: {  	p0 =	sne.s32 s28, s13  }
.Ltmp6:
0x2b9: {  	_ = 	snop;
	(pc) =	sbr.rel @p0 .LBB2_1-.Ltmp6, $2  }
0x2ba: {  	_ =	sdelay $0x2  }
0x2bb: {  	s26 =	simm.s32 $0x100;
	s30 =	simm.s32 $0x180;
	s31 =	simm.s32 $0x1D600  }
0x2bc: {  	_ =	sfence.sel $0x180000  }
0x2bd: {  	[bflag:$0x0] =	sbarrier.arrive $0xFFFF  }
0x2be: {  	_ =	strace $0x90000047  }
0x2bf: {  	s0 =	stileid.u32;
	[bflag:$0x2] =	sbarrier.arrive $0xFFFF  }
0x2c0: {  	p0 =	sne.s32 s0, $0x0;
	s0 =	rddreg [dreg:$0x4]  }
0x2c1: {  	s0 =	sadd.s32 @!p0 $0x100000, s0  }
0x2c2: {  	[sflag:s0] =	ssyncadd.tile.s32 @!p0 $0x1;
	_ =	shalt  }
.Lfunc_end2:
_tile_overlayer_lowered:
.L_overlay_start_2:
0x2c3: {  	(tag) =	ssettag $0x2  }
0x2c4: {  	s0 =	rddreg [dreg:$0x0];
	s2 =	stileid.u32  }
0x2c5: {  	s1 =	rddreg [dreg:$0x1];
	p0 =	sne.s32 s2, $0x0  }
0x2c6: {  	s3 =	rddreg [dreg:$0x2];
	[bflag:$0x3] =	sbarrier.arrive $0xFFFF;
	s2 =	simm.s32 @!p0 $0x1C03  }
0x2c7: {  	[timem:s3], [sflag:s2] =	dma.local @!p0 [hbm:s0], s1  }
0x2c8: {  	s0 =	simm.s32 @!p0 $0x3  }
0x2c9: {  	_ =	swait.ge @!p0 [sflag:s0], s1  }
0x2ca: {  	s1 =	ssub.s32 @!p0 $0x0, s1;
	[sflag:s0] =	ssyncset.done @!p0 $0x0  }
0x2cb: {  	[sflag:s0] =	ssyncadd.s32 @!p0 s1  }
0x2cc: {  	[bflag:$0x3] =	sbarrier.arrive $0xFFFF  }
0x2cd: {  	_ =	shalt  }

</sc_bundles>
